<compile_context>
chip_gen: v7x
topology: tpu7x:2x2x1
jax: 0.10.2.dev20260603
libtpu: 0.0.44.dev20260713+nightly
codegen_flags: <defaults>
</compile_context>

<pallas_src>
import functools

import jax
import jax.numpy as jnp
from jax import lax
from jax.experimental import pallas as pl
from jax.experimental.pallas import tpu as pltpu
from jax.experimental.pallas import tpu_sc as plsc

_B = 64
_NBUF = 4
_NIDX = 8


def _make_sc_aggregate(NP, D, EPP, EP0, NB0, NB1, NC, NS):
  rows_per_tile = NP // NS
  n_zero_blocks = rows_per_tile // 128
  mesh = plsc.VectorSubcoreMesh(core_axis_name="c", subcore_axis_name="s")

  @functools.partial(
      pl.kernel,
      out_type=(
          jax.ShapeDtypeStruct((NP, D), jnp.float32),
          jax.ShapeDtypeStruct((NP, D), jnp.float32),
          jax.ShapeDtypeStruct((NP,), jnp.float32),
          jax.ShapeDtypeStruct((NP,), jnp.float32),
      ),
      mesh=mesh,
      scratch_types=(
          [pltpu.VMEM((_B,), jnp.int32)] * _NIDX
          + [pltpu.VMEM((_B,), jnp.int32)] * _NIDX
          + [pltpu.VMEM((_B, D), jnp.float32)] * _NBUF
          + [
              pltpu.VMEM((64, D), jnp.float32),
              pltpu.VMEM((_B,), jnp.float32),
              pltpu.VMEM_SHARED((NP, D), jnp.float32),
              pltpu.VMEM_SHARED((NP,), jnp.float32),
          ]
          + [pltpu.SemaphoreType.DMA] * _NBUF
          + [pltpu.SemaphoreType.DMA] * _NIDX
          + [pltpu.SemaphoreType.DMA] * _NIDX
      ),
  )
  def sc_kernel(src_hbm, dst_hbm, x_hbm, z2_hbm, ones_hbm,
                acc0_hbm, acc1_hbm, deg0_hbm, deg1_hbm, *refs):
    srcs = refs[:_NIDX]
    dsts = refs[_NIDX:2 * _NIDX]
    bufs = refs[2 * _NIDX:2 * _NIDX + _NBUF]
    zb, ones_v, acc_s, deg_s = refs[2 * _NIDX + _NBUF:2 * _NIDX + _NBUF + 4]
    sems = refs[2 * _NIDX + _NBUF + 4:]
    semg = sems[:_NBUF]
    semsrc = sems[_NBUF:_NBUF + _NIDX]
    semdst = sems[_NBUF + _NIDX:]

    cid = lax.axis_index("c")
    sid = lax.axis_index("s")
    row0 = sid * rows_per_tile
    base = sid * EPP + cid * EP0

    def idx_wait(vref, sem):
      pltpu.make_async_copy(src_hbm.at[pl.ds(0, _B)], vref, sem).wait()

    def gather_wait(r):
      pltpu.make_async_copy(x_hbm.at[pl.ds(0, _B)], bufs[r], semg[r]).wait()

    pltpu.sync_copy(ones_hbm, ones_v)
    pltpu.sync_copy(z2_hbm, zb)
    for r in range(rows_per_tile // 64):
      pltpu.sync_copy(zb, acc_s.at[pl.ds(row0 + r * 64, 64)])
    for r in range(n_zero_blocks):
      pltpu.sync_copy(zb.at[0], deg_s.at[pl.ds(row0 + r * 128, 128)])
    plsc.subcore_barrier()

    for k in range(_NIDX):
      pltpu.async_copy(src_hbm.at[pl.ds(base + k * _B, _B)], srcs[k],
                       semsrc[k])
      pltpu.async_copy(dst_hbm.at[pl.ds(base + k * _B, _B)], dsts[k],
                       semdst[k])
    for k in range(_NBUF):
      idx_wait(srcs[k], semsrc[k])
      pltpu.async_copy(x_hbm.at[srcs[k]], bufs[k], semg[k])

    def edge_loop(nb):
      @pl.loop(0, nb, step=_NIDX)
      def _(j):
        for b in range(_NIDX):
          jj = j + b
          r = b % _NBUF
          gather_wait(r)
          idx_wait(dsts[b], semdst[b])
          pltpu.sync_copy(bufs[r], acc_s.at[dsts[b]], add=True)
          pltpu.sync_copy(ones_v, deg_s.at[dsts[b]], add=True)

          @pl.when(jj + _NIDX < nb)
          def _():
            pltpu.async_copy(
                src_hbm.at[pl.ds(base + (jj + _NIDX) * _B, _B)], srcs[b],
                semsrc[b])
            pltpu.async_copy(
                dst_hbm.at[pl.ds(base + (jj + _NIDX) * _B, _B)], dsts[b],
                semdst[b])

          @pl.when(jj + _NBUF < nb)
          def _():
            o = (b + _NBUF) % _NIDX
            idx_wait(srcs[o], semsrc[o])
            pltpu.async_copy(x_hbm.at[srcs[o]], bufs[r], semg[r])

    @pl.when(cid == 0)
    def _():
      edge_loop(NB0)

    @pl.when(cid == 1)
    def _():
      edge_loop(NB1)

    plsc.subcore_barrier()

    @pl.when(cid == 0)
    def _():
      pltpu.sync_copy(acc_s.at[pl.ds(row0, rows_per_tile)],
                      acc0_hbm.at[pl.ds(row0, rows_per_tile)])
      pltpu.sync_copy(deg_s.at[pl.ds(row0, rows_per_tile)],
                      deg0_hbm.at[pl.ds(row0, rows_per_tile)])

    @pl.when(cid == 1)
    def _():
      pltpu.sync_copy(acc_s.at[pl.ds(row0, rows_per_tile)],
                      acc1_hbm.at[pl.ds(row0, rows_per_tile)])
      pltpu.sync_copy(deg_s.at[pl.ds(row0, rows_per_tile)],
                      deg1_hbm.at[pl.ds(row0, rows_per_tile)])

  return sc_kernel


def _tc_finish(acc0_ref, acc1_ref, deg0_ref, deg1_ref, x_ref, wl_ref, wr_ref,
               b_ref, out_ref):
  deg = jnp.maximum(deg0_ref[...] + deg1_ref[...], 1.0)
  agg = (acc0_ref[...] + acc1_ref[...]) / deg
  out = (jnp.dot(agg, wl_ref[...], preferred_element_type=jnp.float32)
         + jnp.dot(x_ref[...], wr_ref[...], preferred_element_type=jnp.float32)
         + b_ref[...])
  norm = jnp.sqrt(jnp.sum(out * out, axis=1, keepdims=True))
  out = out / jnp.maximum(norm, 1e-12)
  out_ref[...] = jnp.maximum(out, 0.0)


def kernel(x, edge_index, batch, W_l, W_r, b):
  del batch
  N, D = x.shape
  E = edge_index.shape[1]
  NC, NS = 2, 16
  NW = NC * NS

  NP = ((N + 1 + NS * 128 - 1) // (NS * 128)) * (NS * 128)
  grp = NW * _B * _NIDX
  E_pad = ((E + grp - 1) // grp) * grp
  EPP = E_pad // NS
  gpp = EPP // (_B * _NIDX)
  g0 = max(1, min(gpp - 1, round(gpp * 0.8)))
  EP0 = g0 * _B * _NIDX
  NB0 = EP0 // _B
  NB1 = (EPP - EP0) // _B

  src = jnp.concatenate(
      [edge_index[0], jnp.zeros((E_pad - E,), jnp.int32)])
  dst = jnp.concatenate(
      [edge_index[1], jnp.full((E_pad - E,), N, jnp.int32)])
  x_pad = jnp.pad(x, ((0, NP - N), (0, 0)))
  z2 = jnp.zeros((64, D), jnp.float32)
  ones = jnp.ones((_B,), jnp.float32)

  sc = _make_sc_aggregate(NP, D, EPP, EP0, NB0, NB1, NC, NS)
  acc0, acc1, deg0, deg1 = sc(src, dst, x_pad, z2, ones)

  R = 512
  grid = (NP // R,)
  out = pl.pallas_call(
      _tc_finish,
      grid=grid,
      in_specs=[
          pl.BlockSpec((R, D), lambda i: (i, 0)),
          pl.BlockSpec((R, D), lambda i: (i, 0)),
          pl.BlockSpec((R, 1), lambda i: (i, 0)),
          pl.BlockSpec((R, 1), lambda i: (i, 0)),
          pl.BlockSpec((R, D), lambda i: (i, 0)),
          pl.BlockSpec((D, D), lambda i: (0, 0)),
          pl.BlockSpec((D, D), lambda i: (0, 0)),
          pl.BlockSpec((1, D), lambda i: (0, 0)),
      ],
      out_specs=pl.BlockSpec((R, D), lambda i: (i, 0)),
      out_shape=jax.ShapeDtypeStruct((NP, D), jnp.float32),
  )(acc0, acc1, deg0.reshape(NP, 1), deg1.reshape(NP, 1), x_pad, W_l, W_r,
    b.reshape(1, D))
  return out[:N]

# --- scband reference (transcript-rebuilt; emitter-appended) ---
"""Pipeline reference for scband-sagelayer-55113020342353 (READ-ONLY COPY).

The authoritative reference and input builder live on the scoring server;
editing this copy changes nothing except your own understanding.
"""

import jax, jax.numpy as jnp
import numpy as np

N = 10000
E = 320000
D_IN = 128
D_OUT = 128
N_GRAPHS = 64

def setup_inputs(seed: int = 0) -> dict:
    key = jax.random.key(seed)
    k1, k2, k3, k4, k5, k6 = jax.random.split(key, 6)
    x = jax.random.normal(k1, (N, D_IN), dtype=jnp.float32)
    edge_index = jax.random.randint(k2, (2, E), 0, N, dtype=jnp.int32)
    batch = jnp.sort(jax.random.randint(k3, (N,), 0, N_GRAPHS, dtype=jnp.int32))
    scale = 1.0 / np.sqrt(D_IN)
    W_l = jax.random.normal(k4, (D_IN, D_OUT), dtype=jnp.float32) * scale
    W_r = jax.random.normal(k5, (D_IN, D_OUT), dtype=jnp.float32) * scale
    b = jnp.zeros((D_OUT,), dtype=jnp.float32)
    return {"x": x, "edge_index": edge_index, "batch": batch, "W_l": W_l, "W_r": W_r, "b": b}

def reference(x, edge_index, batch, W_l, W_r, b):
    # SAGEConv(mean aggr, root_weight=True, normalize=True) followed by ReLU.
    src = edge_index[0]
    dst = edge_index[1]
    msgs = jnp.take(x, src, axis=0)                                   # gather neighbor feats [E, D_IN]
    agg_sum = jax.ops.segment_sum(msgs, dst, num_segments=N)          # scatter-add to dst [N, D_IN]
    deg = jax.ops.segment_sum(jnp.ones((E,), jnp.float32), dst, num_segments=N)
    agg = agg_sum / jnp.clip(deg, 1.0)[:, None]                       # mean aggregation
    out = agg @ W_l + x @ W_r + b
    # L2 normalize (F.normalize, p=2, dim=-1, eps=1e-12)
    norm = jnp.linalg.norm(out, axis=-1, keepdims=True)
    out = out / jnp.maximum(norm, 1e-12)
    out = jax.nn.relu(out)
    # collect_embeddings=False path -> (x, None); return the node features
    return out

if __name__ == "__main__":
    import jax
    _d = setup_inputs()
    print(jax.jit(kernel)(*tuple(_d.values())))

</pallas_src>

<mosaic_0001>
#map = affine_map<(d0, d1) -> (0)>
#map1 = affine_map<(d0, d1) -> (0, 0)>
module attributes {stable_mosaic.version = 14 : i64} {
  func.func @sc_kernel(%arg0: i32, %arg1: i32, %arg2: memref<327680xi32, #tpu.memory_space<hbm>>, %arg3: memref<327680xi32, #tpu.memory_space<hbm>>, %arg4: memref<10240x128xf32, #tpu.memory_space<hbm>>, %arg5: memref<64x128xf32, #tpu.memory_space<hbm>>, %arg6: memref<64xf32, #tpu.memory_space<hbm>>, %arg7: memref<10240x128xf32, #tpu.memory_space<hbm>>, %arg8: memref<10240x128xf32, #tpu.memory_space<hbm>>, %arg9: memref<10240xf32, #tpu.memory_space<hbm>>, %arg10: memref<10240xf32, #tpu.memory_space<hbm>>, %arg11: memref<64xi32, #tpu.memory_space<vmem>>, %arg12: memref<64xi32, #tpu.memory_space<vmem>>, %arg13: memref<64xi32, #tpu.memory_space<vmem>>, %arg14: memref<64xi32, #tpu.memory_space<vmem>>, %arg15: memref<64xi32, #tpu.memory_space<vmem>>, %arg16: memref<64xi32, #tpu.memory_space<vmem>>, %arg17: memref<64xi32, #tpu.memory_space<vmem>>, %arg18: memref<64xi32, #tpu.memory_space<vmem>>, %arg19: memref<64xi32, #tpu.memory_space<vmem>>, %arg20: memref<64xi32, #tpu.memory_space<vmem>>, %arg21: memref<64xi32, #tpu.memory_space<vmem>>, %arg22: memref<64xi32, #tpu.memory_space<vmem>>, %arg23: memref<64xi32, #tpu.memory_space<vmem>>, %arg24: memref<64xi32, #tpu.memory_space<vmem>>, %arg25: memref<64xi32, #tpu.memory_space<vmem>>, %arg26: memref<64xi32, #tpu.memory_space<vmem>>, %arg27: memref<64x128xf32, #tpu.memory_space<vmem>>, %arg28: memref<64x128xf32, #tpu.memory_space<vmem>>, %arg29: memref<64x128xf32, #tpu.memory_space<vmem>>, %arg30: memref<64x128xf32, #tpu.memory_space<vmem>>, %arg31: memref<64x128xf32, #tpu.memory_space<vmem>>, %arg32: memref<64xf32, #tpu.memory_space<vmem>>, %arg33: memref<10240x128xf32, #tpu.memory_space<vmem_shared>>, %arg34: memref<10240xf32, #tpu.memory_space<vmem_shared>>, %arg35: memref<!tpu.dma_semaphore, #tpu.memory_space<semaphore_mem>>, %arg36: memref<!tpu.dma_semaphore, #tpu.memory_space<semaphore_mem>>, %arg37: memref<!tpu.dma_semaphore, #tpu.memory_space<semaphore_mem>>, %arg38: memref<!tpu.dma_semaphore, #tpu.memory_space<semaphore_mem>>, %arg39: memref<!tpu.dma_semaphore, #tpu.memory_space<semaphore_mem>>, %arg40: memref<!tpu.dma_semaphore, #tpu.memory_space<semaphore_mem>>, %arg41: memref<!tpu.dma_semaphore, #tpu.memory_space<semaphore_mem>>, %arg42: memref<!tpu.dma_semaphore, #tpu.memory_space<semaphore_mem>>, %arg43: memref<!tpu.dma_semaphore, #tpu.memory_space<semaphore_mem>>, %arg44: memref<!tpu.dma_semaphore, #tpu.memory_space<semaphore_mem>>, %arg45: memref<!tpu.dma_semaphore, #tpu.memory_space<semaphore_mem>>, %arg46: memref<!tpu.dma_semaphore, #tpu.memory_space<semaphore_mem>>, %arg47: memref<!tpu.dma_semaphore, #tpu.memory_space<semaphore_mem>>, %arg48: memref<!tpu.dma_semaphore, #tpu.memory_space<semaphore_mem>>, %arg49: memref<!tpu.dma_semaphore, #tpu.memory_space<semaphore_mem>>, %arg50: memref<!tpu.dma_semaphore, #tpu.memory_space<semaphore_mem>>, %arg51: memref<!tpu.dma_semaphore, #tpu.memory_space<semaphore_mem>>, %arg52: memref<!tpu.dma_semaphore, #tpu.memory_space<semaphore_mem>>, %arg53: memref<!tpu.dma_semaphore, #tpu.memory_space<semaphore_mem>>, %arg54: memref<!tpu.dma_semaphore, #tpu.memory_space<semaphore_mem>>) attributes {dimension_semantics = [#tpu.dimension_semantics<core_parallel>, #tpu.dimension_semantics<subcore_parallel>], iteration_bounds = array<i64: 2, 16>, scalar_prefetch = 0 : i64, scratch_operands = 44 : i64, tpu.core_type = #tpu.core_type<sc_vector_subcore>, window_params = [{transform_indices = #map}, {transform_indices = #map}, {transform_indices = #map1}, {transform_indices = #map1}, {transform_indices = #map}, {transform_indices = #map1}, {transform_indices = #map1}, {transform_indices = #map}, {transform_indices = #map}]} {
    %mul3A = arith.constant 640 : i32
    %mul3A_0 = arith.muli %arg1, %mul3A : i32
    %mul3A_1 = arith.constant 20480 : i32
    %mul3A_2 = arith.muli %arg1, %mul3A_1 : i32
    %mul3A_3 = arith.constant 16384 : i32
    %mul3A_4 = arith.muli %arg0, %mul3A_3 : i32
    %add3A = arith.addi %mul3A_2, %mul3A_4 : i32
    "tpu.region"() ({
      %run_scoped3A_147 = tpu.sem_alloc : memref<!tpu.dma_semaphore, #tpu.memory_space<semaphore_mem>>
      tpu.enqueue_dma source(%arg6 : memref<64xf32, #tpu.memory_space<hbm>>) target(%arg32 : memref<64xf32, #tpu.memory_space<vmem>>) target_semaphore(%run_scoped3A_147 : memref<!tpu.dma_semaphore, #tpu.memory_space<semaphore_mem>>)
      tpu.wait_dma2 semaphore(%run_scoped3A_147 : memref<!tpu.dma_semaphore, #tpu.memory_space<semaphore_mem>>) src(%arg6 : memref<64xf32, #tpu.memory_space<hbm>>) dst(%arg32 : memref<64xf32, #tpu.memory_space<vmem>>)
      tpu.yield
    }) : () -> ()
    "tpu.region"() ({
      %run_scoped3A_147 = tpu.sem_alloc : memref<!tpu.dma_semaphore, #tpu.memory_space<semaphore_mem>>
      tpu.enqueue_dma source(%arg5 : memref<64x128xf32, #tpu.memory_space<hbm>>) target(%arg31 : memref<64x128xf32, #tpu.memory_space<vmem>>) target_semaphore(%run_scoped3A_147 : memref<!tpu.dma_semaphore, #tpu.memory_space<semaphore_mem>>)
      tpu.wait_dma2 semaphore(%run_scoped3A_147 : memref<!tpu.dma_semaphore, #tpu.memory_space<semaphore_mem>>) src(%arg5 : memref<64x128xf32, #tpu.memory_space<hbm>>) dst(%arg31 : memref<64x128xf32, #tpu.memory_space<vmem>>)
      tpu.yield
    }) : () -> ()
    %add3A_5 = arith.constant 0 : i32
    %add3A_6 = arith.addi %mul3A_0, %add3A_5 : i32
    "tpu.region"() ({
      %run_scoped3A_147 = tpu.sem_alloc : memref<!tpu.dma_semaphore, #tpu.memory_space<semaphore_mem>>
      %dma_start3A_148 = arith.constant 0 : i32
      %dma_start3A_149 = tpu.memref_slice %arg33[%add3A_6, %dma_start3A_148] : memref<10240x128xf32, #tpu.memory_space<vmem_shared>> -> memref<64x128xf32, #tpu.memory_space<vmem_shared>>
      %dma_start3A_150 = arith.constant 0 : i32
      %dma_start3A_151 = tpu.memref_slice %arg33[%add3A_6, %dma_start3A_150] : memref<10240x128xf32, #tpu.memory_space<vmem_shared>> -> memref<64x128xf32, #tpu.memory_space<vmem_shared>>
      tpu.enqueue_dma source(%arg31 : memref<64x128xf32, #tpu.memory_space<vmem>>) target(%dma_start3A_151 : memref<64x128xf32, #tpu.memory_space<vmem_shared>>) target_semaphore(%run_scoped3A_147 : memref<!tpu.dma_semaphore, #tpu.memory_space<semaphore_mem>>)
      %dma_wait3A_152 = arith.constant 0 : i32
      %dma_wait3A_153 = tpu.memref_slice %arg33[%add3A_6, %dma_wait3A_152] : memref<10240x128xf32, #tpu.memory_space<vmem_shared>> -> memref<64x128xf32, #tpu.memory_space<vmem_shared>>
      %dma_wait3A_154 = arith.constant 0 : i32
      %dma_wait3A_155 = tpu.memref_slice %arg33[%add3A_6, %dma_wait3A_154] : memref<10240x128xf32, #tpu.memory_space<vmem_shared>> -> memref<64x128xf32, #tpu.memory_space<vmem_shared>>
      tpu.wait_dma2 semaphore(%run_scoped3A_147 : memref<!tpu.dma_semaphore, #tpu.memory_space<semaphore_mem>>) src(%arg31 : memref<64x128xf32, #tpu.memory_space<vmem>>) dst(%dma_wait3A_155 : memref<64x128xf32, #tpu.memory_space<vmem_shared>>)
      tpu.yield
    }) : () -> ()
    %add3A_7 = arith.constant 64 : i32
    %add3A_8 = arith.addi %mul3A_0, %add3A_7 : i32
    "tpu.region"() ({
      %run_scoped3A_147 = tpu.sem_alloc : memref<!tpu.dma_semaphore, #tpu.memory_space<semaphore_mem>>
      %dma_start3A_148 = arith.constant 0 : i32
      %dma_start3A_149 = tpu.memref_slice %arg33[%add3A_8, %dma_start3A_148] : memref<10240x128xf32, #tpu.memory_space<vmem_shared>> -> memref<64x128xf32, #tpu.memory_space<vmem_shared>>
      %dma_start3A_150 = arith.constant 0 : i32
      %dma_start3A_151 = tpu.memref_slice %arg33[%add3A_8, %dma_start3A_150] : memref<10240x128xf32, #tpu.memory_space<vmem_shared>> -> memref<64x128xf32, #tpu.memory_space<vmem_shared>>
      tpu.enqueue_dma source(%arg31 : memref<64x128xf32, #tpu.memory_space<vmem>>) target(%dma_start3A_151 : memref<64x128xf32, #tpu.memory_space<vmem_shared>>) target_semaphore(%run_scoped3A_147 : memref<!tpu.dma_semaphore, #tpu.memory_space<semaphore_mem>>)
      %dma_wait3A_152 = arith.constant 0 : i32
      %dma_wait3A_153 = tpu.memref_slice %arg33[%add3A_8, %dma_wait3A_152] : memref<10240x128xf32, #tpu.memory_space<vmem_shared>> -> memref<64x128xf32, #tpu.memory_space<vmem_shared>>
      %dma_wait3A_154 = arith.constant 0 : i32
      %dma_wait3A_155 = tpu.memref_slice %arg33[%add3A_8, %dma_wait3A_154] : memref<10240x128xf32, #tpu.memory_space<vmem_shared>> -> memref<64x128xf32, #tpu.memory_space<vmem_shared>>
      tpu.wait_dma2 semaphore(%run_scoped3A_147 : memref<!tpu.dma_semaphore, #tpu.memory_space<semaphore_mem>>) src(%arg31 : memref<64x128xf32, #tpu.memory_space<vmem>>) dst(%dma_wait3A_155 : memref<64x128xf32, #tpu.memory_space<vmem_shared>>)
      tpu.yield
    }) : () -> ()
    %add3A_9 = arith.constant 128 : i32
    %add3A_10 = arith.addi %mul3A_0, %add3A_9 : i32
    "tpu.region"() ({
      %run_scoped3A_147 = tpu.sem_alloc : memref<!tpu.dma_semaphore, #tpu.memory_space<semaphore_mem>>
      %dma_start3A_148 = arith.constant 0 : i32
      %dma_start3A_149 = tpu.memref_slice %arg33[%add3A_10, %dma_start3A_148] : memref<10240x128xf32, #tpu.memory_space<vmem_shared>> -> memref<64x128xf32, #tpu.memory_space<vmem_shared>>
      %dma_start3A_150 = arith.constant 0 : i32
      %dma_start3A_151 = tpu.memref_slice %arg33[%add3A_10, %dma_start3A_150] : memref<10240x128xf32, #tpu.memory_space<vmem_shared>> -> memref<64x128xf32, #tpu.memory_space<vmem_shared>>
      tpu.enqueue_dma source(%arg31 : memref<64x128xf32, #tpu.memory_space<vmem>>) target(%dma_start3A_151 : memref<64x128xf32, #tpu.memory_space<vmem_shared>>) target_semaphore(%run_scoped3A_147 : memref<!tpu.dma_semaphore, #tpu.memory_space<semaphore_mem>>)
      %dma_wait3A_152 = arith.constant 0 : i32
      %dma_wait3A_153 = tpu.memref_slice %arg33[%add3A_10, %dma_wait3A_152] : memref<10240x128xf32, #tpu.memory_space<vmem_shared>> -> memref<64x128xf32, #tpu.memory_space<vmem_shared>>
      %dma_wait3A_154 = arith.constant 0 : i32
      %dma_wait3A_155 = tpu.memref_slice %arg33[%add3A_10, %dma_wait3A_154] : memref<10240x128xf32, #tpu.memory_space<vmem_shared>> -> memref<64x128xf32, #tpu.memory_space<vmem_shared>>
      tpu.wait_dma2 semaphore(%run_scoped3A_147 : memref<!tpu.dma_semaphore, #tpu.memory_space<semaphore_mem>>) src(%arg31 : memref<64x128xf32, #tpu.memory_space<vmem>>) dst(%dma_wait3A_155 : memref<64x128xf32, #tpu.memory_space<vmem_shared>>)
      tpu.yield
    }) : () -> ()
    %add3A_11 = arith.constant 192 : i32
    %add3A_12 = arith.addi %mul3A_0, %add3A_11 : i32
    "tpu.region"() ({
      %run_scoped3A_147 = tpu.sem_alloc : memref<!tpu.dma_semaphore, #tpu.memory_space<semaphore_mem>>
      %dma_start3A_148 = arith.constant 0 : i32
      %dma_start3A_149 = tpu.memref_slice %arg33[%add3A_12, %dma_start3A_148] : memref<10240x128xf32, #tpu.memory_space<vmem_shared>> -> memref<64x128xf32, #tpu.memory_space<vmem_shared>>
      %dma_start3A_150 = arith.constant 0 : i32
      %dma_start3A_151 = tpu.memref_slice %arg33[%add3A_12, %dma_start3A_150] : memref<10240x128xf32, #tpu.memory_space<vmem_shared>> -> memref<64x128xf32, #tpu.memory_space<vmem_shared>>
      tpu.enqueue_dma source(%arg31 : memref<64x128xf32, #tpu.memory_space<vmem>>) target(%dma_start3A_151 : memref<64x128xf32, #tpu.memory_space<vmem_shared>>) target_semaphore(%run_scoped3A_147 : memref<!tpu.dma_semaphore, #tpu.memory_space<semaphore_mem>>)
      %dma_wait3A_152 = arith.constant 0 : i32
      %dma_wait3A_153 = tpu.memref_slice %arg33[%add3A_12, %dma_wait3A_152] : memref<10240x128xf32, #tpu.memory_space<vmem_shared>> -> memref<64x128xf32, #tpu.memory_space<vmem_shared>>
      %dma_wait3A_154 = arith.constant 0 : i32
      %dma_wait3A_155 = tpu.memref_slice %arg33[%add3A_12, %dma_wait3A_154] : memref<10240x128xf32, #tpu.memory_space<vmem_shared>> -> memref<64x128xf32, #tpu.memory_space<vmem_shared>>
      tpu.wait_dma2 semaphore(%run_scoped3A_147 : memref<!tpu.dma_semaphore, #tpu.memory_space<semaphore_mem>>) src(%arg31 : memref<64x128xf32, #tpu.memory_space<vmem>>) dst(%dma_wait3A_155 : memref<64x128xf32, #tpu.memory_space<vmem_shared>>)
      tpu.yield
    }) : () -> ()
    %add3A_13 = arith.constant 256 : i32
    %add3A_14 = arith.addi %mul3A_0, %add3A_13 : i32
    "tpu.region"() ({
      %run_scoped3A_147 = tpu.sem_alloc : memref<!tpu.dma_semaphore, #tpu.memory_space<semaphore_mem>>
      %dma_start3A_148 = arith.constant 0 : i32
      %dma_start3A_149 = tpu.memref_slice %arg33[%add3A_14, %dma_start3A_148] : memref<10240x128xf32, #tpu.memory_space<vmem_shared>> -> memref<64x128xf32, #tpu.memory_space<vmem_shared>>
      %dma_start3A_150 = arith.constant 0 : i32
      %dma_start3A_151 = tpu.memref_slice %arg33[%add3A_14, %dma_start3A_150] : memref<10240x128xf32, #tpu.memory_space<vmem_shared>> -> memref<64x128xf32, #tpu.memory_space<vmem_shared>>
      tpu.enqueue_dma source(%arg31 : memref<64x128xf32, #tpu.memory_space<vmem>>) target(%dma_start3A_151 : memref<64x128xf32, #tpu.memory_space<vmem_shared>>) target_semaphore(%run_scoped3A_147 : memref<!tpu.dma_semaphore, #tpu.memory_space<semaphore_mem>>)
      %dma_wait3A_152 = arith.constant 0 : i32
      %dma_wait3A_153 = tpu.memref_slice %arg33[%add3A_14, %dma_wait3A_152] : memref<10240x128xf32, #tpu.memory_space<vmem_shared>> -> memref<64x128xf32, #tpu.memory_space<vmem_shared>>
      %dma_wait3A_154 = arith.constant 0 : i32
      %dma_wait3A_155 = tpu.memref_slice %arg33[%add3A_14, %dma_wait3A_154] : memref<10240x128xf32, #tpu.memory_space<vmem_shared>> -> memref<64x128xf32, #tpu.memory_space<vmem_shared>>
      tpu.wait_dma2 semaphore(%run_scoped3A_147 : memref<!tpu.dma_semaphore, #tpu.memory_space<semaphore_mem>>) src(%arg31 : memref<64x128xf32, #tpu.memory_space<vmem>>) dst(%dma_wait3A_155 : memref<64x128xf32, #tpu.memory_space<vmem_shared>>)
      tpu.yield
    }) : () -> ()
    %add3A_15 = arith.constant 320 : i32
    %add3A_16 = arith.addi %mul3A_0, %add3A_15 : i32
    "tpu.region"() ({
      %run_scoped3A_147 = tpu.sem_alloc : memref<!tpu.dma_semaphore, #tpu.memory_space<semaphore_mem>>
      %dma_start3A_148 = arith.constant 0 : i32
      %dma_start3A_149 = tpu.memref_slice %arg33[%add3A_16, %dma_start3A_148] : memref<10240x128xf32, #tpu.memory_space<vmem_shared>> -> memref<64x128xf32, #tpu.memory_space<vmem_shared>>
      %dma_start3A_150 = arith.constant 0 : i32
      %dma_start3A_151 = tpu.memref_slice %arg33[%add3A_16, %dma_start3A_150] : memref<10240x128xf32, #tpu.memory_space<vmem_shared>> -> memref<64x128xf32, #tpu.memory_space<vmem_shared>>
      tpu.enqueue_dma source(%arg31 : memref<64x128xf32, #tpu.memory_space<vmem>>) target(%dma_start3A_151 : memref<64x128xf32, #tpu.memory_space<vmem_shared>>) target_semaphore(%run_scoped3A_147 : memref<!tpu.dma_semaphore, #tpu.memory_space<semaphore_mem>>)
      %dma_wait3A_152 = arith.constant 0 : i32
      %dma_wait3A_153 = tpu.memref_slice %arg33[%add3A_16, %dma_wait3A_152] : memref<10240x128xf32, #tpu.memory_space<vmem_shared>> -> memref<64x128xf32, #tpu.memory_space<vmem_shared>>
      %dma_wait3A_154 = arith.constant 0 : i32
      %dma_wait3A_155 = tpu.memref_slice %arg33[%add3A_16, %dma_wait3A_154] : memref<10240x128xf32, #tpu.memory_space<vmem_shared>> -> memref<64x128xf32, #tpu.memory_space<vmem_shared>>
      tpu.wait_dma2 semaphore(%run_scoped3A_147 : memref<!tpu.dma_semaphore, #tpu.memory_space<semaphore_mem>>) src(%arg31 : memref<64x128xf32, #tpu.memory_space<vmem>>) dst(%dma_wait3A_155 : memref<64x128xf32, #tpu.memory_space<vmem_shared>>)
      tpu.yield
    }) : () -> ()
    %add3A_17 = arith.constant 384 : i32
    %add3A_18 = arith.addi %mul3A_0, %add3A_17 : i32
    "tpu.region"() ({
      %run_scoped3A_147 = tpu.sem_alloc : memref<!tpu.dma_semaphore, #tpu.memory_space<semaphore_mem>>
      %dma_start3A_148 = arith.constant 0 : i32
      %dma_start3A_149 = tpu.memref_slice %arg33[%add3A_18, %dma_start3A_148] : memref<10240x128xf32, #tpu.memory_space<vmem_shared>> -> memref<64x128xf32, #tpu.memory_space<vmem_shared>>
      %dma_start3A_150 = arith.constant 0 : i32
      %dma_start3A_151 = tpu.memref_slice %arg33[%add3A_18, %dma_start3A_150] : memref<10240x128xf32, #tpu.memory_space<vmem_shared>> -> memref<64x128xf32, #tpu.memory_space<vmem_shared>>
      tpu.enqueue_dma source(%arg31 : memref<64x128xf32, #tpu.memory_space<vmem>>) target(%dma_start3A_151 : memref<64x128xf32, #tpu.memory_space<vmem_shared>>) target_semaphore(%run_scoped3A_147 : memref<!tpu.dma_semaphore, #tpu.memory_space<semaphore_mem>>)
      %dma_wait3A_152 = arith.constant 0 : i32
      %dma_wait3A_153 = tpu.memref_slice %arg33[%add3A_18, %dma_wait3A_152] : memref<10240x128xf32, #tpu.memory_space<vmem_shared>> -> memref<64x128xf32, #tpu.memory_space<vmem_shared>>
      %dma_wait3A_154 = arith.constant 0 : i32
      %dma_wait3A_155 = tpu.memref_slice %arg33[%add3A_18, %dma_wait3A_154] : memref<10240x128xf32, #tpu.memory_space<vmem_shared>> -> memref<64x128xf32, #tpu.memory_space<vmem_shared>>
      tpu.wait_dma2 semaphore(%run_scoped3A_147 : memref<!tpu.dma_semaphore, #tpu.memory_space<semaphore_mem>>) src(%arg31 : memref<64x128xf32, #tpu.memory_space<vmem>>) dst(%dma_wait3A_155 : memref<64x128xf32, #tpu.memory_space<vmem_shared>>)
      tpu.yield
    }) : () -> ()
    %add3A_19 = arith.constant 448 : i32
    %add3A_20 = arith.addi %mul3A_0, %add3A_19 : i32
    "tpu.region"() ({
      %run_scoped3A_147 = tpu.sem_alloc : memref<!tpu.dma_semaphore, #tpu.memory_space<semaphore_mem>>
      %dma_start3A_148 = arith.constant 0 : i32
      %dma_start3A_149 = tpu.memref_slice %arg33[%add3A_20, %dma_start3A_148] : memref<10240x128xf32, #tpu.memory_space<vmem_shared>> -> memref<64x128xf32, #tpu.memory_space<vmem_shared>>
      %dma_start3A_150 = arith.constant 0 : i32
      %dma_start3A_151 = tpu.memref_slice %arg33[%add3A_20, %dma_start3A_150] : memref<10240x128xf32, #tpu.memory_space<vmem_shared>> -> memref<64x128xf32, #tpu.memory_space<vmem_shared>>
      tpu.enqueue_dma source(%arg31 : memref<64x128xf32, #tpu.memory_space<vmem>>) target(%dma_start3A_151 : memref<64x128xf32, #tpu.memory_space<vmem_shared>>) target_semaphore(%run_scoped3A_147 : memref<!tpu.dma_semaphore, #tpu.memory_space<semaphore_mem>>)
      %dma_wait3A_152 = arith.constant 0 : i32
      %dma_wait3A_153 = tpu.memref_slice %arg33[%add3A_20, %dma_wait3A_152] : memref<10240x128xf32, #tpu.memory_space<vmem_shared>> -> memref<64x128xf32, #tpu.memory_space<vmem_shared>>
      %dma_wait3A_154 = arith.constant 0 : i32
      %dma_wait3A_155 = tpu.memref_slice %arg33[%add3A_20, %dma_wait3A_154] : memref<10240x128xf32, #tpu.memory_space<vmem_shared>> -> memref<64x128xf32, #tpu.memory_space<vmem_shared>>
      tpu.wait_dma2 semaphore(%run_scoped3A_147 : memref<!tpu.dma_semaphore, #tpu.memory_space<semaphore_mem>>) src(%arg31 : memref<64x128xf32, #tpu.memory_space<vmem>>) dst(%dma_wait3A_155 : memref<64x128xf32, #tpu.memory_space<vmem_shared>>)
      tpu.yield
    }) : () -> ()
    %add3A_21 = arith.constant 512 : i32
    %add3A_22 = arith.addi %mul3A_0, %add3A_21 : i32
    "tpu.region"() ({
      %run_scoped3A_147 = tpu.sem_alloc : memref<!tpu.dma_semaphore, #tpu.memory_space<semaphore_mem>>
      %dma_start3A_148 = arith.constant 0 : i32
      %dma_start3A_149 = tpu.memref_slice %arg33[%add3A_22, %dma_start3A_148] : memref<10240x128xf32, #tpu.memory_space<vmem_shared>> -> memref<64x128xf32, #tpu.memory_space<vmem_shared>>
      %dma_start3A_150 = arith.constant 0 : i32
      %dma_start3A_151 = tpu.memref_slice %arg33[%add3A_22, %dma_start3A_150] : memref<10240x128xf32, #tpu.memory_space<vmem_shared>> -> memref<64x128xf32, #tpu.memory_space<vmem_shared>>
      tpu.enqueue_dma source(%arg31 : memref<64x128xf32, #tpu.memory_space<vmem>>) target(%dma_start3A_151 : memref<64x128xf32, #tpu.memory_space<vmem_shared>>) target_semaphore(%run_scoped3A_147 : memref<!tpu.dma_semaphore, #tpu.memory_space<semaphore_mem>>)
      %dma_wait3A_152 = arith.constant 0 : i32
      %dma_wait3A_153 = tpu.memref_slice %arg33[%add3A_22, %dma_wait3A_152] : memref<10240x128xf32, #tpu.memory_space<vmem_shared>> -> memref<64x128xf32, #tpu.memory_space<vmem_shared>>
      %dma_wait3A_154 = arith.constant 0 : i32
      %dma_wait3A_155 = tpu.memref_slice %arg33[%add3A_22, %dma_wait3A_154] : memref<10240x128xf32, #tpu.memory_space<vmem_shared>> -> memref<64x128xf32, #tpu.memory_space<vmem_shared>>
      tpu.wait_dma2 semaphore(%run_scoped3A_147 : memref<!tpu.dma_semaphore, #tpu.memory_space<semaphore_mem>>) src(%arg31 : memref<64x128xf32, #tpu.memory_space<vmem>>) dst(%dma_wait3A_155 : memref<64x128xf32, #tpu.memory_space<vmem_shared>>)
      tpu.yield
    }) : () -> ()
    %add3A_23 = arith.constant 576 : i32
    %add3A_24 = arith.addi %mul3A_0, %add3A_23 : i32
    "tpu.region"() ({
      %run_scoped3A_147 = tpu.sem_alloc : memref<!tpu.dma_semaphore, #tpu.memory_space<semaphore_mem>>
      %dma_start3A_148 = arith.constant 0 : i32
      %dma_start3A_149 = tpu.memref_slice %arg33[%add3A_24, %dma_start3A_148] : memref<10240x128xf32, #tpu.memory_space<vmem_shared>> -> memref<64x128xf32, #tpu.memory_space<vmem_shared>>
      %dma_start3A_150 = arith.constant 0 : i32
      %dma_start3A_151 = tpu.memref_slice %arg33[%add3A_24, %dma_start3A_150] : memref<10240x128xf32, #tpu.memory_space<vmem_shared>> -> memref<64x128xf32, #tpu.memory_space<vmem_shared>>
      tpu.enqueue_dma source(%arg31 : memref<64x128xf32, #tpu.memory_space<vmem>>) target(%dma_start3A_151 : memref<64x128xf32, #tpu.memory_space<vmem_shared>>) target_semaphore(%run_scoped3A_147 : memref<!tpu.dma_semaphore, #tpu.memory_space<semaphore_mem>>)
      %dma_wait3A_152 = arith.constant 0 : i32
      %dma_wait3A_153 = tpu.memref_slice %arg33[%add3A_24, %dma_wait3A_152] : memref<10240x128xf32, #tpu.memory_space<vmem_shared>> -> memref<64x128xf32, #tpu.memory_space<vmem_shared>>
      %dma_wait3A_154 = arith.constant 0 : i32
      %dma_wait3A_155 = tpu.memref_slice %arg33[%add3A_24, %dma_wait3A_154] : memref<10240x128xf32, #tpu.memory_space<vmem_shared>> -> memref<64x128xf32, #tpu.memory_space<vmem_shared>>
      tpu.wait_dma2 semaphore(%run_scoped3A_147 : memref<!tpu.dma_semaphore, #tpu.memory_space<semaphore_mem>>) src(%arg31 : memref<64x128xf32, #tpu.memory_space<vmem>>) dst(%dma_wait3A_155 : memref<64x128xf32, #tpu.memory_space<vmem_shared>>)
      tpu.yield
    }) : () -> ()
    %add3A_25 = arith.constant 0 : i32
    %add3A_26 = arith.addi %mul3A_0, %add3A_25 : i32
    %run_scoped3A = arith.constant 0 : i32
    "tpu.region"() ({
      %run_scoped3A_147 = tpu.sem_alloc : memref<!tpu.dma_semaphore, #tpu.memory_space<semaphore_mem>>
      %dma_start3A_148 = arith.constant 0 : i32
      %dma_start3A_149 = tpu.memref_slice %arg31[%run_scoped3A, %dma_start3A_148] : memref<64x128xf32, #tpu.memory_space<vmem>> -> memref<1x128xf32, #tpu.memory_space<vmem>>
      %dma_start3A_150 = tpu.memref_squeeze %dma_start3A_149 : memref<1x128xf32, #tpu.memory_space<vmem>> -> memref<128xf32, #tpu.memory_space<vmem>>
      %dma_start3A_151 = tpu.memref_slice %arg34[%add3A_26] : memref<10240xf32, #tpu.memory_space<vmem_shared>> -> memref<128xf32, #tpu.memory_space<vmem_shared>>
      %dma_start3A_152 = tpu.memref_slice %arg34[%add3A_26] : memref<10240xf32, #tpu.memory_space<vmem_shared>> -> memref<128xf32, #tpu.memory_space<vmem_shared>>
      %dma_start3A_153 = arith.constant 0 : i32
      %dma_start3A_154 = tpu.memref_slice %arg31[%run_scoped3A, %dma_start3A_153] : memref<64x128xf32, #tpu.memory_space<vmem>> -> memref<1x128xf32, #tpu.memory_space<vmem>>
      %dma_start3A_155 = tpu.memref_squeeze %dma_start3A_154 : memref<1x128xf32, #tpu.memory_space<vmem>> -> memref<128xf32, #tpu.memory_space<vmem>>
      tpu.enqueue_dma source(%dma_start3A_155 : memref<128xf32, #tpu.memory_space<vmem>>) target(%dma_start3A_152 : memref<128xf32, #tpu.memory_space<vmem_shared>>) target_semaphore(%run_scoped3A_147 : memref<!tpu.dma_semaphore, #tpu.memory_space<semaphore_mem>>)
      %dma_wait3A_156 = arith.constant 0 : i32
      %dma_wait3A_157 = tpu.memref_slice %arg31[%run_scoped3A, %dma_wait3A_156] : memref<64x128xf32, #tpu.memory_space<vmem>> -> memref<1x128xf32, #tpu.memory_space<vmem>>
      %dma_wait3A_158 = tpu.memref_squeeze %dma_wait3A_157 : memref<1x128xf32, #tpu.memory_space<vmem>> -> memref<128xf32, #tpu.memory_space<vmem>>
      %dma_wait3A_159 = tpu.memref_slice %arg34[%add3A_26] : memref<10240xf32, #tpu.memory_space<vmem_shared>> -> memref<128xf32, #tpu.memory_space<vmem_shared>>
      %dma_wait3A_160 = tpu.memref_slice %arg34[%add3A_26] : memref<10240xf32, #tpu.memory_space<vmem_shared>> -> memref<128xf32, #tpu.memory_space<vmem_shared>>
      %dma_wait3A_161 = arith.constant 0 : i32
      %dma_wait3A_162 = tpu.memref_slice %arg31[%run_scoped3A, %dma_wait3A_161] : memref<64x128xf32, #tpu.memory_space<vmem>> -> memref<1x128xf32, #tpu.memory_space<vmem>>
      %dma_wait3A_163 = tpu.memref_squeeze %dma_wait3A_162 : memref<1x128xf32, #tpu.memory_space<vmem>> -> memref<128xf32, #tpu.memory_space<vmem>>
      tpu.wait_dma2 semaphore(%run_scoped3A_147 : memref<!tpu.dma_semaphore, #tpu.memory_space<semaphore_mem>>) src(%dma_wait3A_163 : memref<128xf32, #tpu.memory_space<vmem>>) dst(%dma_wait3A_160 : memref<128xf32, #tpu.memory_space<vmem_shared>>)
      tpu.yield
    }) : () -> ()
    %add3A_27 = arith.constant 128 : i32
    %add3A_28 = arith.addi %mul3A_0, %add3A_27 : i32
    %run_scoped3A_29 = arith.constant 0 : i32
    "tpu.region"() ({
      %run_scoped3A_147 = tpu.sem_alloc : memref<!tpu.dma_semaphore, #tpu.memory_space<semaphore_mem>>
      %dma_start3A_148 = arith.constant 0 : i32
      %dma_start3A_149 = tpu.memref_slice %arg31[%run_scoped3A_29, %dma_start3A_148] : memref<64x128xf32, #tpu.memory_space<vmem>> -> memref<1x128xf32, #tpu.memory_space<vmem>>
      %dma_start3A_150 = tpu.memref_squeeze %dma_start3A_149 : memref<1x128xf32, #tpu.memory_space<vmem>> -> memref<128xf32, #tpu.memory_space<vmem>>
      %dma_start3A_151 = tpu.memref_slice %arg34[%add3A_28] : memref<10240xf32, #tpu.memory_space<vmem_shared>> -> memref<128xf32, #tpu.memory_space<vmem_shared>>
      %dma_start3A_152 = tpu.memref_slice %arg34[%add3A_28] : memref<10240xf32, #tpu.memory_space<vmem_shared>> -> memref<128xf32, #tpu.memory_space<vmem_shared>>
      %dma_start3A_153 = arith.constant 0 : i32
      %dma_start3A_154 = tpu.memref_slice %arg31[%run_scoped3A_29, %dma_start3A_153] : memref<64x128xf32, #tpu.memory_space<vmem>> -> memref<1x128xf32, #tpu.memory_space<vmem>>
      %dma_start3A_155 = tpu.memref_squeeze %dma_start3A_154 : memref<1x128xf32, #tpu.memory_space<vmem>> -> memref<128xf32, #tpu.memory_space<vmem>>
      tpu.enqueue_dma source(%dma_start3A_155 : memref<128xf32, #tpu.memory_space<vmem>>) target(%dma_start3A_152 : memref<128xf32, #tpu.memory_space<vmem_shared>>) target_semaphore(%run_scoped3A_147 : memref<!tpu.dma_semaphore, #tpu.memory_space<semaphore_mem>>)
      %dma_wait3A_156 = arith.constant 0 : i32
      %dma_wait3A_157 = tpu.memref_slice %arg31[%run_scoped3A_29, %dma_wait3A_156] : memref<64x128xf32, #tpu.memory_space<vmem>> -> memref<1x128xf32, #tpu.memory_space<vmem>>
      %dma_wait3A_158 = tpu.memref_squeeze %dma_wait3A_157 : memref<1x128xf32, #tpu.memory_space<vmem>> -> memref<128xf32, #tpu.memory_space<vmem>>
      %dma_wait3A_159 = tpu.memref_slice %arg34[%add3A_28] : memref<10240xf32, #tpu.memory_space<vmem_shared>> -> memref<128xf32, #tpu.memory_space<vmem_shared>>
      %dma_wait3A_160 = tpu.memref_slice %arg34[%add3A_28] : memref<10240xf32, #tpu.memory_space<vmem_shared>> -> memref<128xf32, #tpu.memory_space<vmem_shared>>
      %dma_wait3A_161 = arith.constant 0 : i32
      %dma_wait3A_162 = tpu.memref_slice %arg31[%run_scoped3A_29, %dma_wait3A_161] : memref<64x128xf32, #tpu.memory_space<vmem>> -> memref<1x128xf32, #tpu.memory_space<vmem>>
      %dma_wait3A_163 = tpu.memref_squeeze %dma_wait3A_162 : memref<1x128xf32, #tpu.memory_space<vmem>> -> memref<128xf32, #tpu.memory_space<vmem>>
      tpu.wait_dma2 semaphore(%run_scoped3A_147 : memref<!tpu.dma_semaphore, #tpu.memory_space<semaphore_mem>>) src(%dma_wait3A_163 : memref<128xf32, #tpu.memory_space<vmem>>) dst(%dma_wait3A_160 : memref<128xf32, #tpu.memory_space<vmem_shared>>)
      tpu.yield
    }) : () -> ()
    %add3A_30 = arith.constant 256 : i32
    %add3A_31 = arith.addi %mul3A_0, %add3A_30 : i32
    %run_scoped3A_32 = arith.constant 0 : i32
    "tpu.region"() ({
      %run_scoped3A_147 = tpu.sem_alloc : memref<!tpu.dma_semaphore, #tpu.memory_space<semaphore_mem>>
      %dma_start3A_148 = arith.constant 0 : i32
      %dma_start3A_149 = tpu.memref_slice %arg31[%run_scoped3A_32, %dma_start3A_148] : memref<64x128xf32, #tpu.memory_space<vmem>> -> memref<1x128xf32, #tpu.memory_space<vmem>>
      %dma_start3A_150 = tpu.memref_squeeze %dma_start3A_149 : memref<1x128xf32, #tpu.memory_space<vmem>> -> memref<128xf32, #tpu.memory_space<vmem>>
      %dma_start3A_151 = tpu.memref_slice %arg34[%add3A_31] : memref<10240xf32, #tpu.memory_space<vmem_shared>> -> memref<128xf32, #tpu.memory_space<vmem_shared>>
      %dma_start3A_152 = tpu.memref_slice %arg34[%add3A_31] : memref<10240xf32, #tpu.memory_space<vmem_shared>> -> memref<128xf32, #tpu.memory_space<vmem_shared>>
      %dma_start3A_153 = arith.constant 0 : i32
      %dma_start3A_154 = tpu.memref_slice %arg31[%run_scoped3A_32, %dma_start3A_153] : memref<64x128xf32, #tpu.memory_space<vmem>> -> memref<1x128xf32, #tpu.memory_space<vmem>>
      %dma_start3A_155 = tpu.memref_squeeze %dma_start3A_154 : memref<1x128xf32, #tpu.memory_space<vmem>> -> memref<128xf32, #tpu.memory_space<vmem>>
      tpu.enqueue_dma source(%dma_start3A_155 : memref<128xf32, #tpu.memory_space<vmem>>) target(%dma_start3A_152 : memref<128xf32, #tpu.memory_space<vmem_shared>>) target_semaphore(%run_scoped3A_147 : memref<!tpu.dma_semaphore, #tpu.memory_space<semaphore_mem>>)
      %dma_wait3A_156 = arith.constant 0 : i32
      %dma_wait3A_157 = tpu.memref_slice %arg31[%run_scoped3A_32, %dma_wait3A_156] : memref<64x128xf32, #tpu.memory_space<vmem>> -> memref<1x128xf32, #tpu.memory_space<vmem>>
      %dma_wait3A_158 = tpu.memref_squeeze %dma_wait3A_157 : memref<1x128xf32, #tpu.memory_space<vmem>> -> memref<128xf32, #tpu.memory_space<vmem>>
      %dma_wait3A_159 = tpu.memref_slice %arg34[%add3A_31] : memref<10240xf32, #tpu.memory_space<vmem_shared>> -> memref<128xf32, #tpu.memory_space<vmem_shared>>
      %dma_wait3A_160 = tpu.memref_slice %arg34[%add3A_31] : memref<10240xf32, #tpu.memory_space<vmem_shared>> -> memref<128xf32, #tpu.memory_space<vmem_shared>>
      %dma_wait3A_161 = arith.constant 0 : i32
      %dma_wait3A_162 = tpu.memref_slice %arg31[%run_scoped3A_32, %dma_wait3A_161] : memref<64x128xf32, #tpu.memory_space<vmem>> -> memref<1x128xf32, #tpu.memory_space<vmem>>
      %dma_wait3A_163 = tpu.memref_squeeze %dma_wait3A_162 : memref<1x128xf32, #tpu.memory_space<vmem>> -> memref<128xf32, #tpu.memory_space<vmem>>
      tpu.wait_dma2 semaphore(%run_scoped3A_147 : memref<!tpu.dma_semaphore, #tpu.memory_space<semaphore_mem>>) src(%dma_wait3A_163 : memref<128xf32, #tpu.memory_space<vmem>>) dst(%dma_wait3A_160 : memref<128xf32, #tpu.memory_space<vmem_shared>>)
      tpu.yield
    }) : () -> ()
    %add3A_33 = arith.constant 384 : i32
    %add3A_34 = arith.addi %mul3A_0, %add3A_33 : i32
    %run_scoped3A_35 = arith.constant 0 : i32
    "tpu.region"() ({
      %run_scoped3A_147 = tpu.sem_alloc : memref<!tpu.dma_semaphore, #tpu.memory_space<semaphore_mem>>
      %dma_start3A_148 = arith.constant 0 : i32
      %dma_start3A_149 = tpu.memref_slice %arg31[%run_scoped3A_35, %dma_start3A_148] : memref<64x128xf32, #tpu.memory_space<vmem>> -> memref<1x128xf32, #tpu.memory_space<vmem>>
      %dma_start3A_150 = tpu.memref_squeeze %dma_start3A_149 : memref<1x128xf32, #tpu.memory_space<vmem>> -> memref<128xf32, #tpu.memory_space<vmem>>
      %dma_start3A_151 = tpu.memref_slice %arg34[%add3A_34] : memref<10240xf32, #tpu.memory_space<vmem_shared>> -> memref<128xf32, #tpu.memory_space<vmem_shared>>
      %dma_start3A_152 = tpu.memref_slice %arg34[%add3A_34] : memref<10240xf32, #tpu.memory_space<vmem_shared>> -> memref<128xf32, #tpu.memory_space<vmem_shared>>
      %dma_start3A_153 = arith.constant 0 : i32
      %dma_start3A_154 = tpu.memref_slice %arg31[%run_scoped3A_35, %dma_start3A_153] : memref<64x128xf32, #tpu.memory_space<vmem>> -> memref<1x128xf32, #tpu.memory_space<vmem>>
      %dma_start3A_155 = tpu.memref_squeeze %dma_start3A_154 : memref<1x128xf32, #tpu.memory_space<vmem>> -> memref<128xf32, #tpu.memory_space<vmem>>
      tpu.enqueue_dma source(%dma_start3A_155 : memref<128xf32, #tpu.memory_space<vmem>>) target(%dma_start3A_152 : memref<128xf32, #tpu.memory_space<vmem_shared>>) target_semaphore(%run_scoped3A_147 : memref<!tpu.dma_semaphore, #tpu.memory_space<semaphore_mem>>)
      %dma_wait3A_156 = arith.constant 0 : i32
      %dma_wait3A_157 = tpu.memref_slice %arg31[%run_scoped3A_35, %dma_wait3A_156] : memref<64x128xf32, #tpu.memory_space<vmem>> -> memref<1x128xf32, #tpu.memory_space<vmem>>
      %dma_wait3A_158 = tpu.memref_squeeze %dma_wait3A_157 : memref<1x128xf32, #tpu.memory_space<vmem>> -> memref<128xf32, #tpu.memory_space<vmem>>
      %dma_wait3A_159 = tpu.memref_slice %arg34[%add3A_34] : memref<10240xf32, #tpu.memory_space<vmem_shared>> -> memref<128xf32, #tpu.memory_space<vmem_shared>>
      %dma_wait3A_160 = tpu.memref_slice %arg34[%add3A_34] : memref<10240xf32, #tpu.memory_space<vmem_shared>> -> memref<128xf32, #tpu.memory_space<vmem_shared>>
      %dma_wait3A_161 = arith.constant 0 : i32
      %dma_wait3A_162 = tpu.memref_slice %arg31[%run_scoped3A_35, %dma_wait3A_161] : memref<64x128xf32, #tpu.memory_space<vmem>> -> memref<1x128xf32, #tpu.memory_space<vmem>>
      %dma_wait3A_163 = tpu.memref_squeeze %dma_wait3A_162 : memref<1x128xf32, #tpu.memory_space<vmem>> -> memref<128xf32, #tpu.memory_space<vmem>>
      tpu.wait_dma2 semaphore(%run_scoped3A_147 : memref<!tpu.dma_semaphore, #tpu.memory_space<semaphore_mem>>) src(%dma_wait3A_163 : memref<128xf32, #tpu.memory_space<vmem>>) dst(%dma_wait3A_160 : memref<128xf32, #tpu.memory_space<vmem_shared>>)
      tpu.yield
    }) : () -> ()
    %add3A_36 = arith.constant 512 : i32
    %add3A_37 = arith.addi %mul3A_0, %add3A_36 : i32
    %run_scoped3A_38 = arith.constant 0 : i32
    "tpu.region"() ({
      %run_scoped3A_147 = tpu.sem_alloc : memref<!tpu.dma_semaphore, #tpu.memory_space<semaphore_mem>>
      %dma_start3A_148 = arith.constant 0 : i32
      %dma_start3A_149 = tpu.memref_slice %arg31[%run_scoped3A_38, %dma_start3A_148] : memref<64x128xf32, #tpu.memory_space<vmem>> -> memref<1x128xf32, #tpu.memory_space<vmem>>
      %dma_start3A_150 = tpu.memref_squeeze %dma_start3A_149 : memref<1x128xf32, #tpu.memory_space<vmem>> -> memref<128xf32, #tpu.memory_space<vmem>>
      %dma_start3A_151 = tpu.memref_slice %arg34[%add3A_37] : memref<10240xf32, #tpu.memory_space<vmem_shared>> -> memref<128xf32, #tpu.memory_space<vmem_shared>>
      %dma_start3A_152 = tpu.memref_slice %arg34[%add3A_37] : memref<10240xf32, #tpu.memory_space<vmem_shared>> -> memref<128xf32, #tpu.memory_space<vmem_shared>>
      %dma_start3A_153 = arith.constant 0 : i32
      %dma_start3A_154 = tpu.memref_slice %arg31[%run_scoped3A_38, %dma_start3A_153] : memref<64x128xf32, #tpu.memory_space<vmem>> -> memref<1x128xf32, #tpu.memory_space<vmem>>
      %dma_start3A_155 = tpu.memref_squeeze %dma_start3A_154 : memref<1x128xf32, #tpu.memory_space<vmem>> -> memref<128xf32, #tpu.memory_space<vmem>>
      tpu.enqueue_dma source(%dma_start3A_155 : memref<128xf32, #tpu.memory_space<vmem>>) target(%dma_start3A_152 : memref<128xf32, #tpu.memory_space<vmem_shared>>) target_semaphore(%run_scoped3A_147 : memref<!tpu.dma_semaphore, #tpu.memory_space<semaphore_mem>>)
      %dma_wait3A_156 = arith.constant 0 : i32
      %dma_wait3A_157 = tpu.memref_slice %arg31[%run_scoped3A_38, %dma_wait3A_156] : memref<64x128xf32, #tpu.memory_space<vmem>> -> memref<1x128xf32, #tpu.memory_space<vmem>>
      %dma_wait3A_158 = tpu.memref_squeeze %dma_wait3A_157 : memref<1x128xf32, #tpu.memory_space<vmem>> -> memref<128xf32, #tpu.memory_space<vmem>>
      %dma_wait3A_159 = tpu.memref_slice %arg34[%add3A_37] : memref<10240xf32, #tpu.memory_space<vmem_shared>> -> memref<128xf32, #tpu.memory_space<vmem_shared>>
      %dma_wait3A_160 = tpu.memref_slice %arg34[%add3A_37] : memref<10240xf32, #tpu.memory_space<vmem_shared>> -> memref<128xf32, #tpu.memory_space<vmem_shared>>
      %dma_wait3A_161 = arith.constant 0 : i32
      %dma_wait3A_162 = tpu.memref_slice %arg31[%run_scoped3A_38, %dma_wait3A_161] : memref<64x128xf32, #tpu.memory_space<vmem>> -> memref<1x128xf32, #tpu.memory_space<vmem>>
      %dma_wait3A_163 = tpu.memref_squeeze %dma_wait3A_162 : memref<1x128xf32, #tpu.memory_space<vmem>> -> memref<128xf32, #tpu.memory_space<vmem>>
      tpu.wait_dma2 semaphore(%run_scoped3A_147 : memref<!tpu.dma_semaphore, #tpu.memory_space<semaphore_mem>>) src(%dma_wait3A_163 : memref<128xf32, #tpu.memory_space<vmem>>) dst(%dma_wait3A_160 : memref<128xf32, #tpu.memory_space<vmem_shared>>)
      tpu.yield
    }) : () -> ()
    %barrier3A = arith.constant 0 : index
    tpu.barrier barrier_id(%barrier3A)
    %add3A_39 = arith.constant 0 : i32
    %add3A_40 = arith.addi %add3A, %add3A_39 : i32
    %dma_start3A = tpu.memref_slice %arg2[%add3A_40] : memref<327680xi32, #tpu.memory_space<hbm>> -> memref<64xi32, #tpu.memory_space<hbm>>
    %dma_start3A_41 = tpu.memref_slice %arg2[%add3A_40] : memref<327680xi32, #tpu.memory_space<hbm>> -> memref<64xi32, #tpu.memory_space<hbm>>
    tpu.enqueue_dma source(%dma_start3A_41 : memref<64xi32, #tpu.memory_space<hbm>>) target(%arg11 : memref<64xi32, #tpu.memory_space<vmem>>) target_semaphore(%arg39 : memref<!tpu.dma_semaphore, #tpu.memory_space<semaphore_mem>>)
    %add3A_42 = arith.constant 0 : i32
    %add3A_43 = arith.addi %add3A, %add3A_42 : i32
    %dma_start3A_44 = tpu.memref_slice %arg3[%add3A_43] : memref<327680xi32, #tpu.memory_space<hbm>> -> memref<64xi32, #tpu.memory_space<hbm>>
    %dma_start3A_45 = tpu.memref_slice %arg3[%add3A_43] : memref<327680xi32, #tpu.memory_space<hbm>> -> memref<64xi32, #tpu.memory_space<hbm>>
    tpu.enqueue_dma source(%dma_start3A_45 : memref<64xi32, #tpu.memory_space<hbm>>) target(%arg19 : memref<64xi32, #tpu.memory_space<vmem>>) target_semaphore(%arg47 : memref<!tpu.dma_semaphore, #tpu.memory_space<semaphore_mem>>)
    %add3A_46 = arith.constant 64 : i32
    %add3A_47 = arith.addi %add3A, %add3A_46 : i32
    %dma_start3A_48 = tpu.memref_slice %arg2[%add3A_47] : memref<327680xi32, #tpu.memory_space<hbm>> -> memref<64xi32, #tpu.memory_space<hbm>>
    %dma_start3A_49 = tpu.memref_slice %arg2[%add3A_47] : memref<327680xi32, #tpu.memory_space<hbm>> -> memref<64xi32, #tpu.memory_space<hbm>>
    tpu.enqueue_dma source(%dma_start3A_49 : memref<64xi32, #tpu.memory_space<hbm>>) target(%arg12 : memref<64xi32, #tpu.memory_space<vmem>>) target_semaphore(%arg40 : memref<!tpu.dma_semaphore, #tpu.memory_space<semaphore_mem>>)
    %add3A_50 = arith.constant 64 : i32
    %add3A_51 = arith.addi %add3A, %add3A_50 : i32
    %dma_start3A_52 = tpu.memref_slice %arg3[%add3A_51] : memref<327680xi32, #tpu.memory_space<hbm>> -> memref<64xi32, #tpu.memory_space<hbm>>
    %dma_start3A_53 = tpu.memref_slice %arg3[%add3A_51] : memref<327680xi32, #tpu.memory_space<hbm>> -> memref<64xi32, #tpu.memory_space<hbm>>
    tpu.enqueue_dma source(%dma_start3A_53 : memref<64xi32, #tpu.memory_space<hbm>>) target(%arg20 : memref<64xi32, #tpu.memory_space<vmem>>) target_semaphore(%arg48 : memref<!tpu.dma_semaphore, #tpu.memory_space<semaphore_mem>>)
    %add3A_54 = arith.constant 128 : i32
    %add3A_55 = arith.addi %add3A, %add3A_54 : i32
    %dma_start3A_56 = tpu.memref_slice %arg2[%add3A_55] : memref<327680xi32, #tpu.memory_space<hbm>> -> memref<64xi32, #tpu.memory_space<hbm>>
    %dma_start3A_57 = tpu.memref_slice %arg2[%add3A_55] : memref<327680xi32, #tpu.memory_space<hbm>> -> memref<64xi32, #tpu.memory_space<hbm>>
    tpu.enqueue_dma source(%dma_start3A_57 : memref<64xi32, #tpu.memory_space<hbm>>) target(%arg13 : memref<64xi32, #tpu.memory_space<vmem>>) target_semaphore(%arg41 : memref<!tpu.dma_semaphore, #tpu.memory_space<semaphore_mem>>)
    %add3A_58 = arith.constant 128 : i32
    %add3A_59 = arith.addi %add3A, %add3A_58 : i32
    %dma_start3A_60 = tpu.memref_slice %arg3[%add3A_59] : memref<327680xi32, #tpu.memory_space<hbm>> -> memref<64xi32, #tpu.memory_space<hbm>>
    %dma_start3A_61 = tpu.memref_slice %arg3[%add3A_59] : memref<327680xi32, #tpu.memory_space<hbm>> -> memref<64xi32, #tpu.memory_space<hbm>>
    tpu.enqueue_dma source(%dma_start3A_61 : memref<64xi32, #tpu.memory_space<hbm>>) target(%arg21 : memref<64xi32, #tpu.memory_space<vmem>>) target_semaphore(%arg49 : memref<!tpu.dma_semaphore, #tpu.memory_space<semaphore_mem>>)
    %add3A_62 = arith.constant 192 : i32
    %add3A_63 = arith.addi %add3A, %add3A_62 : i32
    %dma_start3A_64 = tpu.memref_slice %arg2[%add3A_63] : memref<327680xi32, #tpu.memory_space<hbm>> -> memref<64xi32, #tpu.memory_space<hbm>>
    %dma_start3A_65 = tpu.memref_slice %arg2[%add3A_63] : memref<327680xi32, #tpu.memory_space<hbm>> -> memref<64xi32, #tpu.memory_space<hbm>>
    tpu.enqueue_dma source(%dma_start3A_65 : memref<64xi32, #tpu.memory_space<hbm>>) target(%arg14 : memref<64xi32, #tpu.memory_space<vmem>>) target_semaphore(%arg42 : memref<!tpu.dma_semaphore, #tpu.memory_space<semaphore_mem>>)
    %add3A_66 = arith.constant 192 : i32
    %add3A_67 = arith.addi %add3A, %add3A_66 : i32
    %dma_start3A_68 = tpu.memref_slice %arg3[%add3A_67] : memref<327680xi32, #tpu.memory_space<hbm>> -> memref<64xi32, #tpu.memory_space<hbm>>
    %dma_start3A_69 = tpu.memref_slice %arg3[%add3A_67] : memref<327680xi32, #tpu.memory_space<hbm>> -> memref<64xi32, #tpu.memory_space<hbm>>
    tpu.enqueue_dma source(%dma_start3A_69 : memref<64xi32, #tpu.memory_space<hbm>>) target(%arg22 : memref<64xi32, #tpu.memory_space<vmem>>) target_semaphore(%arg50 : memref<!tpu.dma_semaphore, #tpu.memory_space<semaphore_mem>>)
    %add3A_70 = arith.constant 256 : i32
    %add3A_71 = arith.addi %add3A, %add3A_70 : i32
    %dma_start3A_72 = tpu.memref_slice %arg2[%add3A_71] : memref<327680xi32, #tpu.memory_space<hbm>> -> memref<64xi32, #tpu.memory_space<hbm>>
    %dma_start3A_73 = tpu.memref_slice %arg2[%add3A_71] : memref<327680xi32, #tpu.memory_space<hbm>> -> memref<64xi32, #tpu.memory_space<hbm>>
    tpu.enqueue_dma source(%dma_start3A_73 : memref<64xi32, #tpu.memory_space<hbm>>) target(%arg15 : memref<64xi32, #tpu.memory_space<vmem>>) target_semaphore(%arg43 : memref<!tpu.dma_semaphore, #tpu.memory_space<semaphore_mem>>)
    %add3A_74 = arith.constant 256 : i32
    %add3A_75 = arith.addi %add3A, %add3A_74 : i32
    %dma_start3A_76 = tpu.memref_slice %arg3[%add3A_75] : memref<327680xi32, #tpu.memory_space<hbm>> -> memref<64xi32, #tpu.memory_space<hbm>>
    %dma_start3A_77 = tpu.memref_slice %arg3[%add3A_75] : memref<327680xi32, #tpu.memory_space<hbm>> -> memref<64xi32, #tpu.memory_space<hbm>>
    tpu.enqueue_dma source(%dma_start3A_77 : memref<64xi32, #tpu.memory_space<hbm>>) target(%arg23 : memref<64xi32, #tpu.memory_space<vmem>>) target_semaphore(%arg51 : memref<!tpu.dma_semaphore, #tpu.memory_space<semaphore_mem>>)
    %add3A_78 = arith.constant 320 : i32
    %add3A_79 = arith.addi %add3A, %add3A_78 : i32
    %dma_start3A_80 = tpu.memref_slice %arg2[%add3A_79] : memref<327680xi32, #tpu.memory_space<hbm>> -> memref<64xi32, #tpu.memory_space<hbm>>
    %dma_start3A_81 = tpu.memref_slice %arg2[%add3A_79] : memref<327680xi32, #tpu.memory_space<hbm>> -> memref<64xi32, #tpu.memory_space<hbm>>
    tpu.enqueue_dma source(%dma_start3A_81 : memref<64xi32, #tpu.memory_space<hbm>>) target(%arg16 : memref<64xi32, #tpu.memory_space<vmem>>) target_semaphore(%arg44 : memref<!tpu.dma_semaphore, #tpu.memory_space<semaphore_mem>>)
    %add3A_82 = arith.constant 320 : i32
    %add3A_83 = arith.addi %add3A, %add3A_82 : i32
    %dma_start3A_84 = tpu.memref_slice %arg3[%add3A_83] : memref<327680xi32, #tpu.memory_space<hbm>> -> memref<64xi32, #tpu.memory_space<hbm>>
    %dma_start3A_85 = tpu.memref_slice %arg3[%add3A_83] : memref<327680xi32, #tpu.memory_space<hbm>> -> memref<64xi32, #tpu.memory_space<hbm>>
    tpu.enqueue_dma source(%dma_start3A_85 : memref<64xi32, #tpu.memory_space<hbm>>) target(%arg24 : memref<64xi32, #tpu.memory_space<vmem>>) target_semaphore(%arg52 : memref<!tpu.dma_semaphore, #tpu.memory_space<semaphore_mem>>)
    %add3A_86 = arith.constant 384 : i32
    %add3A_87 = arith.addi %add3A, %add3A_86 : i32
    %dma_start3A_88 = tpu.memref_slice %arg2[%add3A_87] : memref<327680xi32, #tpu.memory_space<hbm>> -> memref<64xi32, #tpu.memory_space<hbm>>
    %dma_start3A_89 = tpu.memref_slice %arg2[%add3A_87] : memref<327680xi32, #tpu.memory_space<hbm>> -> memref<64xi32, #tpu.memory_space<hbm>>
    tpu.enqueue_dma source(%dma_start3A_89 : memref<64xi32, #tpu.memory_space<hbm>>) target(%arg17 : memref<64xi32, #tpu.memory_space<vmem>>) target_semaphore(%arg45 : memref<!tpu.dma_semaphore, #tpu.memory_space<semaphore_mem>>)
    %add3A_90 = arith.constant 384 : i32
    %add3A_91 = arith.addi %add3A, %add3A_90 : i32
    %dma_start3A_92 = tpu.memref_slice %arg3[%add3A_91] : memref<327680xi32, #tpu.memory_space<hbm>> -> memref<64xi32, #tpu.memory_space<hbm>>
    %dma_start3A_93 = tpu.memref_slice %arg3[%add3A_91] : memref<327680xi32, #tpu.memory_space<hbm>> -> memref<64xi32, #tpu.memory_space<hbm>>
    tpu.enqueue_dma source(%dma_start3A_93 : memref<64xi32, #tpu.memory_space<hbm>>) target(%arg25 : memref<64xi32, #tpu.memory_space<vmem>>) target_semaphore(%arg53 : memref<!tpu.dma_semaphore, #tpu.memory_space<semaphore_mem>>)
    %add3A_94 = arith.constant 448 : i32
    %add3A_95 = arith.addi %add3A, %add3A_94 : i32
    %dma_start3A_96 = tpu.memref_slice %arg2[%add3A_95] : memref<327680xi32, #tpu.memory_space<hbm>> -> memref<64xi32, #tpu.memory_space<hbm>>
    %dma_start3A_97 = tpu.memref_slice %arg2[%add3A_95] : memref<327680xi32, #tpu.memory_space<hbm>> -> memref<64xi32, #tpu.memory_space<hbm>>
    tpu.enqueue_dma source(%dma_start3A_97 : memref<64xi32, #tpu.memory_space<hbm>>) target(%arg18 : memref<64xi32, #tpu.memory_space<vmem>>) target_semaphore(%arg46 : memref<!tpu.dma_semaphore, #tpu.memory_space<semaphore_mem>>)
    %add3A_98 = arith.constant 448 : i32
    %add3A_99 = arith.addi %add3A, %add3A_98 : i32
    %dma_start3A_100 = tpu.memref_slice %arg3[%add3A_99] : memref<327680xi32, #tpu.memory_space<hbm>> -> memref<64xi32, #tpu.memory_space<hbm>>
    %dma_start3A_101 = tpu.memref_slice %arg3[%add3A_99] : memref<327680xi32, #tpu.memory_space<hbm>> -> memref<64xi32, #tpu.memory_space<hbm>>
    tpu.enqueue_dma source(%dma_start3A_101 : memref<64xi32, #tpu.memory_space<hbm>>) target(%arg26 : memref<64xi32, #tpu.memory_space<vmem>>) target_semaphore(%arg54 : memref<!tpu.dma_semaphore, #tpu.memory_space<semaphore_mem>>)
    %dma_wait3A = arith.constant 0 : i32
    %dma_wait3A_102 = tpu.memref_slice %arg2[%dma_wait3A] : memref<327680xi32, #tpu.memory_space<hbm>> -> memref<64xi32, #tpu.memory_space<hbm>>
    %dma_wait3A_103 = arith.constant 0 : i32
    %dma_wait3A_104 = tpu.memref_slice %arg2[%dma_wait3A_103] : memref<327680xi32, #tpu.memory_space<hbm>> -> memref<64xi32, #tpu.memory_space<hbm>>
    tpu.wait_dma2 semaphore(%arg39 : memref<!tpu.dma_semaphore, #tpu.memory_space<semaphore_mem>>) src(%dma_wait3A_104 : memref<64xi32, #tpu.memory_space<hbm>>) dst(%arg11 : memref<64xi32, #tpu.memory_space<vmem>>)
    %dma_start3A_105 = arith.constant 0 : i32
    %dma_start3A_106 = arith.constant 0 : i32
    %dma_start3A_107 = tpu.memref_slice %arg4[%dma_start3A_105, %dma_start3A_106] : memref<10240x128xf32, #tpu.memory_space<hbm>> -> memref<10240x128xf32, #tpu.memory_space<hbm>>
    tpu.enqueue_indirect_dma source(%dma_start3A_107 : memref<10240x128xf32, #tpu.memory_space<hbm>>) target(%arg27 : memref<64x128xf32, #tpu.memory_space<vmem>>) offsets(%arg11 : memref<64xi32, #tpu.memory_space<vmem>>) semaphore(%arg35 : memref<!tpu.dma_semaphore, #tpu.memory_space<semaphore_mem>>)
    %dma_wait3A_108 = arith.constant 0 : i32
    %dma_wait3A_109 = tpu.memref_slice %arg2[%dma_wait3A_108] : memref<327680xi32, #tpu.memory_space<hbm>> -> memref<64xi32, #tpu.memory_space<hbm>>
    %dma_wait3A_110 = arith.constant 0 : i32
    %dma_wait3A_111 = tpu.memref_slice %arg2[%dma_wait3A_110] : memref<327680xi32, #tpu.memory_space<hbm>> -> memref<64xi32, #tpu.memory_space<hbm>>
    tpu.wait_dma2 semaphore(%arg40 : memref<!tpu.dma_semaphore, #tpu.memory_space<semaphore_mem>>) src(%dma_wait3A_111 : memref<64xi32, #tpu.memory_space<hbm>>) dst(%arg12 : memref<64xi32, #tpu.memory_space<vmem>>)
    %dma_start3A_112 = arith.constant 0 : i32
    %dma_start3A_113 = arith.constant 0 : i32
    %dma_start3A_114 = tpu.memref_slice %arg4[%dma_start3A_112, %dma_start3A_113] : memref<10240x128xf32, #tpu.memory_space<hbm>> -> memref<10240x128xf32, #tpu.memory_space<hbm>>
    tpu.enqueue_indirect_dma source(%dma_start3A_114 : memref<10240x128xf32, #tpu.memory_space<hbm>>) target(%arg28 : memref<64x128xf32, #tpu.memory_space<vmem>>) offsets(%arg12 : memref<64xi32, #tpu.memory_space<vmem>>) semaphore(%arg36 : memref<!tpu.dma_semaphore, #tpu.memory_space<semaphore_mem>>)
    %dma_wait3A_115 = arith.constant 0 : i32
    %dma_wait3A_116 = tpu.memref_slice %arg2[%dma_wait3A_115] : memref<327680xi32, #tpu.memory_space<hbm>> -> memref<64xi32, #tpu.memory_space<hbm>>
    %dma_wait3A_117 = arith.constant 0 : i32
    %dma_wait3A_118 = tpu.memref_slice %arg2[%dma_wait3A_117] : memref<327680xi32, #tpu.memory_space<hbm>> -> memref<64xi32, #tpu.memory_space<hbm>>
    tpu.wait_dma2 semaphore(%arg41 : memref<!tpu.dma_semaphore, #tpu.memory_space<semaphore_mem>>) src(%dma_wait3A_118 : memref<64xi32, #tpu.memory_space<hbm>>) dst(%arg13 : memref<64xi32, #tpu.memory_space<vmem>>)
    %dma_start3A_119 = arith.constant 0 : i32
    %dma_start3A_120 = arith.constant 0 : i32
    %dma_start3A_121 = tpu.memref_slice %arg4[%dma_start3A_119, %dma_start3A_120] : memref<10240x128xf32, #tpu.memory_space<hbm>> -> memref<10240x128xf32, #tpu.memory_space<hbm>>
    tpu.enqueue_indirect_dma source(%dma_start3A_121 : memref<10240x128xf32, #tpu.memory_space<hbm>>) target(%arg29 : memref<64x128xf32, #tpu.memory_space<vmem>>) offsets(%arg13 : memref<64xi32, #tpu.memory_space<vmem>>) semaphore(%arg37 : memref<!tpu.dma_semaphore, #tpu.memory_space<semaphore_mem>>)
    %dma_wait3A_122 = arith.constant 0 : i32
    %dma_wait3A_123 = tpu.memref_slice %arg2[%dma_wait3A_122] : memref<327680xi32, #tpu.memory_space<hbm>> -> memref<64xi32, #tpu.memory_space<hbm>>
    %dma_wait3A_124 = arith.constant 0 : i32
    %dma_wait3A_125 = tpu.memref_slice %arg2[%dma_wait3A_124] : memref<327680xi32, #tpu.memory_space<hbm>> -> memref<64xi32, #tpu.memory_space<hbm>>
    tpu.wait_dma2 semaphore(%arg42 : memref<!tpu.dma_semaphore, #tpu.memory_space<semaphore_mem>>) src(%dma_wait3A_125 : memref<64xi32, #tpu.memory_space<hbm>>) dst(%arg14 : memref<64xi32, #tpu.memory_space<vmem>>)
    %dma_start3A_126 = arith.constant 0 : i32
    %dma_start3A_127 = arith.constant 0 : i32
    %dma_start3A_128 = tpu.memref_slice %arg4[%dma_start3A_126, %dma_start3A_127] : memref<10240x128xf32, #tpu.memory_space<hbm>> -> memref<10240x128xf32, #tpu.memory_space<hbm>>
    tpu.enqueue_indirect_dma source(%dma_start3A_128 : memref<10240x128xf32, #tpu.memory_space<hbm>>) target(%arg30 : memref<64x128xf32, #tpu.memory_space<vmem>>) offsets(%arg14 : memref<64xi32, #tpu.memory_space<vmem>>) semaphore(%arg38 : memref<!tpu.dma_semaphore, #tpu.memory_space<semaphore_mem>>)
    %eq3A = arith.constant 0 : i32
    %eq3A_129 = arith.cmpi eq, %arg0, %eq3A : i32
    %convert_element_type3A = arith.extui %eq3A_129 : i1 to i32
    %cond3A = arith.constant 0 : i32
    %cond3A_130 = arith.cmpi ne, %convert_element_type3A, %cond3A : i32
    scf.if %cond3A_130 {
      %scan3A = arith.constant 0 : i32
      %scan3A_147 = arith.constant 32 : i32
      %scan3A_148 = arith.addi %scan3A, %scan3A_147 : i32
      %scan3A_149 = arith.constant 1 : i32
      scf.for %scan3A_151 = %scan3A to %scan3A_148 step %scan3A_149  : i32 {
        %mul3A_152 = arith.constant 8 : i32
        %mul3A_153 = arith.muli %scan3A_151, %mul3A_152 : i32
        %add3A_154 = arith.constant 0 : i32
        %add3A_155 = arith.addi %add3A_154, %mul3A_153 : i32
        %add3A_156 = arith.constant 0 : i32
        %add3A_157 = arith.addi %add3A_155, %add3A_156 : i32
        %dma_wait3A_158 = arith.constant 0 : i32
        %dma_wait3A_159 = arith.constant 0 : i32
        %dma_wait3A_160 = tpu.memref_slice %arg4[%dma_wait3A_158, %dma_wait3A_159] : memref<10240x128xf32, #tpu.memory_space<hbm>> -> memref<64x128xf32, #tpu.memory_space<hbm>>
        %dma_wait3A_161 = arith.constant 0 : i32
        %dma_wait3A_162 = arith.constant 0 : i32
        %dma_wait3A_163 = tpu.memref_slice %arg4[%dma_wait3A_161, %dma_wait3A_162] : memref<10240x128xf32, #tpu.memory_space<hbm>> -> memref<64x128xf32, #tpu.memory_space<hbm>>
        tpu.wait_dma2 semaphore(%arg35 : memref<!tpu.dma_semaphore, #tpu.memory_space<semaphore_mem>>) src(%dma_wait3A_163 : memref<64x128xf32, #tpu.memory_space<hbm>>) dst(%arg27 : memref<64x128xf32, #tpu.memory_space<vmem>>)
        %dma_wait3A_164 = arith.constant 0 : i32
        %dma_wait3A_165 = tpu.memref_slice %arg2[%dma_wait3A_164] : memref<327680xi32, #tpu.memory_space<hbm>> -> memref<64xi32, #tpu.memory_space<hbm>>
        %dma_wait3A_166 = arith.constant 0 : i32
        %dma_wait3A_167 = tpu.memref_slice %arg2[%dma_wait3A_166] : memref<327680xi32, #tpu.memory_space<hbm>> -> memref<64xi32, #tpu.memory_space<hbm>>
        tpu.wait_dma2 semaphore(%arg47 : memref<!tpu.dma_semaphore, #tpu.memory_space<semaphore_mem>>) src(%dma_wait3A_167 : memref<64xi32, #tpu.memory_space<hbm>>) dst(%arg19 : memref<64xi32, #tpu.memory_space<vmem>>)
        "tpu.region"() ({
          %run_scoped3A_363 = tpu.sem_alloc : memref<!tpu.dma_semaphore, #tpu.memory_space<semaphore_mem>>
          %dma_start3A_364 = arith.constant 0 : i32
          %dma_start3A_365 = arith.constant 0 : i32
          %dma_start3A_366 = tpu.memref_slice %arg33[%dma_start3A_364, %dma_start3A_365] : memref<10240x128xf32, #tpu.memory_space<vmem_shared>> -> memref<10240x128xf32, #tpu.memory_space<vmem_shared>>
          tpu.enqueue_indirect_dma source(%arg27 : memref<64x128xf32, #tpu.memory_space<vmem>>) target(%dma_start3A_366 : memref<10240x128xf32, #tpu.memory_space<vmem_shared>>) offsets(%arg19 : memref<64xi32, #tpu.memory_space<vmem>>) semaphore(%run_scoped3A_363 : memref<!tpu.dma_semaphore, #tpu.memory_space<semaphore_mem>>) {add = true}
          %dma_wait3A_367 = arith.constant 0 : i32
          %dma_wait3A_368 = arith.constant 0 : i32
          %dma_wait3A_369 = tpu.memref_slice %arg33[%dma_wait3A_367, %dma_wait3A_368] : memref<10240x128xf32, #tpu.memory_space<vmem_shared>> -> memref<10240x128xf32, #tpu.memory_space<vmem_shared>>
          tpu.wait_indirect_dma semaphore(%run_scoped3A_363 : memref<!tpu.dma_semaphore, #tpu.memory_space<semaphore_mem>>) src(%arg27 : memref<64x128xf32, #tpu.memory_space<vmem>>) dst(%dma_wait3A_369 : memref<10240x128xf32, #tpu.memory_space<vmem_shared>>)
          tpu.yield
        }) : () -> ()
        "tpu.region"() ({
          %run_scoped3A_363 = tpu.sem_alloc : memref<!tpu.dma_semaphore, #tpu.memory_space<semaphore_mem>>
          %dma_start3A_364 = arith.constant 0 : i32
          %dma_start3A_365 = tpu.memref_slice %arg34[%dma_start3A_364] : memref<10240xf32, #tpu.memory_space<vmem_shared>> -> memref<10240xf32, #tpu.memory_space<vmem_shared>>
          tpu.enqueue_indirect_dma source(%arg32 : memref<64xf32, #tpu.memory_space<vmem>>) target(%dma_start3A_365 : memref<10240xf32, #tpu.memory_space<vmem_shared>>) offsets(%arg19 : memref<64xi32, #tpu.memory_space<vmem>>) semaphore(%run_scoped3A_363 : memref<!tpu.dma_semaphore, #tpu.memory_space<semaphore_mem>>) {add = true}
          %dma_wait3A_366 = arith.constant 0 : i32
          %dma_wait3A_367 = tpu.memref_slice %arg34[%dma_wait3A_366] : memref<10240xf32, #tpu.memory_space<vmem_shared>> -> memref<10240xf32, #tpu.memory_space<vmem_shared>>
          tpu.wait_indirect_dma semaphore(%run_scoped3A_363 : memref<!tpu.dma_semaphore, #tpu.memory_space<semaphore_mem>>) src(%arg32 : memref<64xf32, #tpu.memory_space<vmem>>) dst(%dma_wait3A_367 : memref<10240xf32, #tpu.memory_space<vmem_shared>>)
          tpu.yield
        }) : () -> ()
        %add3A_168 = arith.constant 8 : i32
        %add3A_169 = arith.addi %add3A_157, %add3A_168 : i32
        %lt3A = arith.constant 256 : i32
        %lt3A_170 = arith.cmpi slt, %add3A_169, %lt3A : i32
        %convert_element_type3A_171 = arith.extui %lt3A_170 : i1 to i32
        %cond3A_172 = arith.constant 0 : i32
        %cond3A_173 = arith.cmpi ne, %convert_element_type3A_171, %cond3A_172 : i32
        scf.if %cond3A_173 {
          %add3A_363 = arith.constant 8 : i32
          %add3A_364 = arith.addi %add3A_157, %add3A_363 : i32
          %mul3A_365 = arith.constant 64 : i32
          %mul3A_366 = arith.muli %add3A_364, %mul3A_365 : i32
          %add3A_367 = arith.addi %add3A, %mul3A_366 : i32
          %dma_start3A_368 = tpu.memref_slice %arg2[%add3A_367] : memref<327680xi32, #tpu.memory_space<hbm>> -> memref<64xi32, #tpu.memory_space<hbm>>
          %dma_start3A_369 = tpu.memref_slice %arg2[%add3A_367] : memref<327680xi32, #tpu.memory_space<hbm>> -> memref<64xi32, #tpu.memory_space<hbm>>
          tpu.enqueue_dma source(%dma_start3A_369 : memref<64xi32, #tpu.memory_space<hbm>>) target(%arg11 : memref<64xi32, #tpu.memory_space<vmem>>) target_semaphore(%arg39 : memref<!tpu.dma_semaphore, #tpu.memory_space<semaphore_mem>>)
          %add3A_370 = arith.constant 8 : i32
          %add3A_371 = arith.addi %add3A_157, %add3A_370 : i32
          %mul3A_372 = arith.constant 64 : i32
          %mul3A_373 = arith.muli %add3A_371, %mul3A_372 : i32
          %add3A_374 = arith.addi %add3A, %mul3A_373 : i32
          %dma_start3A_375 = tpu.memref_slice %arg3[%add3A_374] : memref<327680xi32, #tpu.memory_space<hbm>> -> memref<64xi32, #tpu.memory_space<hbm>>
          %dma_start3A_376 = tpu.memref_slice %arg3[%add3A_374] : memref<327680xi32, #tpu.memory_space<hbm>> -> memref<64xi32, #tpu.memory_space<hbm>>
          tpu.enqueue_dma source(%dma_start3A_376 : memref<64xi32, #tpu.memory_space<hbm>>) target(%arg19 : memref<64xi32, #tpu.memory_space<vmem>>) target_semaphore(%arg47 : memref<!tpu.dma_semaphore, #tpu.memory_space<semaphore_mem>>)
        } else {
        }
        %add3A_174 = arith.constant 4 : i32
        %add3A_175 = arith.addi %add3A_157, %add3A_174 : i32
        %lt3A_176 = arith.constant 256 : i32
        %lt3A_177 = arith.cmpi slt, %add3A_175, %lt3A_176 : i32
        %convert_element_type3A_178 = arith.extui %lt3A_177 : i1 to i32
        %cond3A_179 = arith.constant 0 : i32
        %cond3A_180 = arith.cmpi ne, %convert_element_type3A_178, %cond3A_179 : i32
        scf.if %cond3A_180 {
          %dma_wait3A_363 = arith.constant 0 : i32
          %dma_wait3A_364 = tpu.memref_slice %arg2[%dma_wait3A_363] : memref<327680xi32, #tpu.memory_space<hbm>> -> memref<64xi32, #tpu.memory_space<hbm>>
          %dma_wait3A_365 = arith.constant 0 : i32
          %dma_wait3A_366 = tpu.memref_slice %arg2[%dma_wait3A_365] : memref<327680xi32, #tpu.memory_space<hbm>> -> memref<64xi32, #tpu.memory_space<hbm>>
          tpu.wait_dma2 semaphore(%arg43 : memref<!tpu.dma_semaphore, #tpu.memory_space<semaphore_mem>>) src(%dma_wait3A_366 : memref<64xi32, #tpu.memory_space<hbm>>) dst(%arg15 : memref<64xi32, #tpu.memory_space<vmem>>)
          %dma_start3A_367 = arith.constant 0 : i32
          %dma_start3A_368 = arith.constant 0 : i32
          %dma_start3A_369 = tpu.memref_slice %arg4[%dma_start3A_367, %dma_start3A_368] : memref<10240x128xf32, #tpu.memory_space<hbm>> -> memref<10240x128xf32, #tpu.memory_space<hbm>>
          tpu.enqueue_indirect_dma source(%dma_start3A_369 : memref<10240x128xf32, #tpu.memory_space<hbm>>) target(%arg27 : memref<64x128xf32, #tpu.memory_space<vmem>>) offsets(%arg15 : memref<64xi32, #tpu.memory_space<vmem>>) semaphore(%arg35 : memref<!tpu.dma_semaphore, #tpu.memory_space<semaphore_mem>>)
        } else {
        }
        %add3A_181 = arith.constant 1 : i32
        %add3A_182 = arith.addi %add3A_155, %add3A_181 : i32
        %dma_wait3A_183 = arith.constant 0 : i32
        %dma_wait3A_184 = arith.constant 0 : i32
        %dma_wait3A_185 = tpu.memref_slice %arg4[%dma_wait3A_183, %dma_wait3A_184] : memref<10240x128xf32, #tpu.memory_space<hbm>> -> memref<64x128xf32, #tpu.memory_space<hbm>>
        %dma_wait3A_186 = arith.constant 0 : i32
        %dma_wait3A_187 = arith.constant 0 : i32
        %dma_wait3A_188 = tpu.memref_slice %arg4[%dma_wait3A_186, %dma_wait3A_187] : memref<10240x128xf32, #tpu.memory_space<hbm>> -> memref<64x128xf32, #tpu.memory_space<hbm>>
        tpu.wait_dma2 semaphore(%arg36 : memref<!tpu.dma_semaphore, #tpu.memory_space<semaphore_mem>>) src(%dma_wait3A_188 : memref<64x128xf32, #tpu.memory_space<hbm>>) dst(%arg28 : memref<64x128xf32, #tpu.memory_space<vmem>>)
        %dma_wait3A_189 = arith.constant 0 : i32
        %dma_wait3A_190 = tpu.memref_slice %arg2[%dma_wait3A_189] : memref<327680xi32, #tpu.memory_space<hbm>> -> memref<64xi32, #tpu.memory_space<hbm>>
        %dma_wait3A_191 = arith.constant 0 : i32
        %dma_wait3A_192 = tpu.memref_slice %arg2[%dma_wait3A_191] : memref<327680xi32, #tpu.memory_space<hbm>> -> memref<64xi32, #tpu.memory_space<hbm>>
        tpu.wait_dma2 semaphore(%arg48 : memref<!tpu.dma_semaphore, #tpu.memory_space<semaphore_mem>>) src(%dma_wait3A_192 : memref<64xi32, #tpu.memory_space<hbm>>) dst(%arg20 : memref<64xi32, #tpu.memory_space<vmem>>)
        "tpu.region"() ({
          %run_scoped3A_363 = tpu.sem_alloc : memref<!tpu.dma_semaphore, #tpu.memory_space<semaphore_mem>>
          %dma_start3A_364 = arith.constant 0 : i32
          %dma_start3A_365 = arith.constant 0 : i32
          %dma_start3A_366 = tpu.memref_slice %arg33[%dma_start3A_364, %dma_start3A_365] : memref<10240x128xf32, #tpu.memory_space<vmem_shared>> -> memref<10240x128xf32, #tpu.memory_space<vmem_shared>>
          tpu.enqueue_indirect_dma source(%arg28 : memref<64x128xf32, #tpu.memory_space<vmem>>) target(%dma_start3A_366 : memref<10240x128xf32, #tpu.memory_space<vmem_shared>>) offsets(%arg20 : memref<64xi32, #tpu.memory_space<vmem>>) semaphore(%run_scoped3A_363 : memref<!tpu.dma_semaphore, #tpu.memory_space<semaphore_mem>>) {add = true}
          %dma_wait3A_367 = arith.constant 0 : i32
          %dma_wait3A_368 = arith.constant 0 : i32
          %dma_wait3A_369 = tpu.memref_slice %arg33[%dma_wait3A_367, %dma_wait3A_368] : memref<10240x128xf32, #tpu.memory_space<vmem_shared>> -> memref<10240x128xf32, #tpu.memory_space<vmem_shared>>
          tpu.wait_indirect_dma semaphore(%run_scoped3A_363 : memref<!tpu.dma_semaphore, #tpu.memory_space<semaphore_mem>>) src(%arg28 : memref<64x128xf32, #tpu.memory_space<vmem>>) dst(%dma_wait3A_369 : memref<10240x128xf32, #tpu.memory_space<vmem_shared>>)
          tpu.yield
        }) : () -> ()
        "tpu.region"() ({
          %run_scoped3A_363 = tpu.sem_alloc : memref<!tpu.dma_semaphore, #tpu.memory_space<semaphore_mem>>
          %dma_start3A_364 = arith.constant 0 : i32
          %dma_start3A_365 = tpu.memref_slice %arg34[%dma_start3A_364] : memref<10240xf32, #tpu.memory_space<vmem_shared>> -> memref<10240xf32, #tpu.memory_space<vmem_shared>>
          tpu.enqueue_indirect_dma source(%arg32 : memref<64xf32, #tpu.memory_space<vmem>>) target(%dma_start3A_365 : memref<10240xf32, #tpu.memory_space<vmem_shared>>) offsets(%arg20 : memref<64xi32, #tpu.memory_space<vmem>>) semaphore(%run_scoped3A_363 : memref<!tpu.dma_semaphore, #tpu.memory_space<semaphore_mem>>) {add = true}
          %dma_wait3A_366 = arith.constant 0 : i32
          %dma_wait3A_367 = tpu.memref_slice %arg34[%dma_wait3A_366] : memref<10240xf32, #tpu.memory_space<vmem_shared>> -> memref<10240xf32, #tpu.memory_space<vmem_shared>>
          tpu.wait_indirect_dma semaphore(%run_scoped3A_363 : memref<!tpu.dma_semaphore, #tpu.memory_space<semaphore_mem>>) src(%arg32 : memref<64xf32, #tpu.memory_space<vmem>>) dst(%dma_wait3A_367 : memref<10240xf32, #tpu.memory_space<vmem_shared>>)
          tpu.yield
        }) : () -> ()
        %add3A_193 = arith.constant 8 : i32
        %add3A_194 = arith.addi %add3A_182, %add3A_193 : i32
        %lt3A_195 = arith.constant 256 : i32
        %lt3A_196 = arith.cmpi slt, %add3A_194, %lt3A_195 : i32
        %convert_element_type3A_197 = arith.extui %lt3A_196 : i1 to i32
        %cond3A_198 = arith.constant 0 : i32
        %cond3A_199 = arith.cmpi ne, %convert_element_type3A_197, %cond3A_198 : i32
        scf.if %cond3A_199 {
          %add3A_363 = arith.constant 8 : i32
          %add3A_364 = arith.addi %add3A_182, %add3A_363 : i32
          %mul3A_365 = arith.constant 64 : i32
          %mul3A_366 = arith.muli %add3A_364, %mul3A_365 : i32
          %add3A_367 = arith.addi %add3A, %mul3A_366 : i32
          %dma_start3A_368 = tpu.memref_slice %arg2[%add3A_367] : memref<327680xi32, #tpu.memory_space<hbm>> -> memref<64xi32, #tpu.memory_space<hbm>>
          %dma_start3A_369 = tpu.memref_slice %arg2[%add3A_367] : memref<327680xi32, #tpu.memory_space<hbm>> -> memref<64xi32, #tpu.memory_space<hbm>>
          tpu.enqueue_dma source(%dma_start3A_369 : memref<64xi32, #tpu.memory_space<hbm>>) target(%arg12 : memref<64xi32, #tpu.memory_space<vmem>>) target_semaphore(%arg40 : memref<!tpu.dma_semaphore, #tpu.memory_space<semaphore_mem>>)
          %add3A_370 = arith.constant 8 : i32
          %add3A_371 = arith.addi %add3A_182, %add3A_370 : i32
          %mul3A_372 = arith.constant 64 : i32
          %mul3A_373 = arith.muli %add3A_371, %mul3A_372 : i32
          %add3A_374 = arith.addi %add3A, %mul3A_373 : i32
          %dma_start3A_375 = tpu.memref_slice %arg3[%add3A_374] : memref<327680xi32, #tpu.memory_space<hbm>> -> memref<64xi32, #tpu.memory_space<hbm>>
          %dma_start3A_376 = tpu.memref_slice %arg3[%add3A_374] : memref<327680xi32, #tpu.memory_space<hbm>> -> memref<64xi32, #tpu.memory_space<hbm>>
          tpu.enqueue_dma source(%dma_start3A_376 : memref<64xi32, #tpu.memory_space<hbm>>) target(%arg20 : memref<64xi32, #tpu.memory_space<vmem>>) target_semaphore(%arg48 : memref<!tpu.dma_semaphore, #tpu.memory_space<semaphore_mem>>)
        } else {
        }
        %add3A_200 = arith.constant 4 : i32
        %add3A_201 = arith.addi %add3A_182, %add3A_200 : i32
        %lt3A_202 = arith.constant 256 : i32
        %lt3A_203 = arith.cmpi slt, %add3A_201, %lt3A_202 : i32
        %convert_element_type3A_204 = arith.extui %lt3A_203 : i1 to i32
        %cond3A_205 = arith.constant 0 : i32
        %cond3A_206 = arith.cmpi ne, %convert_element_type3A_204, %cond3A_205 : i32
        scf.if %cond3A_206 {
          %dma_wait3A_363 = arith.constant 0 : i32
          %dma_wait3A_364 = tpu.memref_slice %arg2[%dma_wait3A_363] : memref<327680xi32, #tpu.memory_space<hbm>> -> memref<64xi32, #tpu.memory_space<hbm>>
          %dma_wait3A_365 = arith.constant 0 : i32
          %dma_wait3A_366 = tpu.memref_slice %arg2[%dma_wait3A_365] : memref<327680xi32, #tpu.memory_space<hbm>> -> memref<64xi32, #tpu.memory_space<hbm>>
          tpu.wait_dma2 semaphore(%arg44 : memref<!tpu.dma_semaphore, #tpu.memory_space<semaphore_mem>>) src(%dma_wait3A_366 : memref<64xi32, #tpu.memory_space<hbm>>) dst(%arg16 : memref<64xi32, #tpu.memory_space<vmem>>)
          %dma_start3A_367 = arith.constant 0 : i32
          %dma_start3A_368 = arith.constant 0 : i32
          %dma_start3A_369 = tpu.memref_slice %arg4[%dma_start3A_367, %dma_start3A_368] : memref<10240x128xf32, #tpu.memory_space<hbm>> -> memref<10240x128xf32, #tpu.memory_space<hbm>>
          tpu.enqueue_indirect_dma source(%dma_start3A_369 : memref<10240x128xf32, #tpu.memory_space<hbm>>) target(%arg28 : memref<64x128xf32, #tpu.memory_space<vmem>>) offsets(%arg16 : memref<64xi32, #tpu.memory_space<vmem>>) semaphore(%arg36 : memref<!tpu.dma_semaphore, #tpu.memory_space<semaphore_mem>>)
        } else {
        }
        %add3A_207 = arith.constant 2 : i32
        %add3A_208 = arith.addi %add3A_155, %add3A_207 : i32
        %dma_wait3A_209 = arith.constant 0 : i32
        %dma_wait3A_210 = arith.constant 0 : i32
        %dma_wait3A_211 = tpu.memref_slice %arg4[%dma_wait3A_209, %dma_wait3A_210] : memref<10240x128xf32, #tpu.memory_space<hbm>> -> memref<64x128xf32, #tpu.memory_space<hbm>>
        %dma_wait3A_212 = arith.constant 0 : i32
        %dma_wait3A_213 = arith.constant 0 : i32
        %dma_wait3A_214 = tpu.memref_slice %arg4[%dma_wait3A_212, %dma_wait3A_213] : memref<10240x128xf32, #tpu.memory_space<hbm>> -> memref<64x128xf32, #tpu.memory_space<hbm>>
        tpu.wait_dma2 semaphore(%arg37 : memref<!tpu.dma_semaphore, #tpu.memory_space<semaphore_mem>>) src(%dma_wait3A_214 : memref<64x128xf32, #tpu.memory_space<hbm>>) dst(%arg29 : memref<64x128xf32, #tpu.memory_space<vmem>>)
        %dma_wait3A_215 = arith.constant 0 : i32
        %dma_wait3A_216 = tpu.memref_slice %arg2[%dma_wait3A_215] : memref<327680xi32, #tpu.memory_space<hbm>> -> memref<64xi32, #tpu.memory_space<hbm>>
        %dma_wait3A_217 = arith.constant 0 : i32
        %dma_wait3A_218 = tpu.memref_slice %arg2[%dma_wait3A_217] : memref<327680xi32, #tpu.memory_space<hbm>> -> memref<64xi32, #tpu.memory_space<hbm>>
        tpu.wait_dma2 semaphore(%arg49 : memref<!tpu.dma_semaphore, #tpu.memory_space<semaphore_mem>>) src(%dma_wait3A_218 : memref<64xi32, #tpu.memory_space<hbm>>) dst(%arg21 : memref<64xi32, #tpu.memory_space<vmem>>)
        "tpu.region"() ({
          %run_scoped3A_363 = tpu.sem_alloc : memref<!tpu.dma_semaphore, #tpu.memory_space<semaphore_mem>>
          %dma_start3A_364 = arith.constant 0 : i32
          %dma_start3A_365 = arith.constant 0 : i32
          %dma_start3A_366 = tpu.memref_slice %arg33[%dma_start3A_364, %dma_start3A_365] : memref<10240x128xf32, #tpu.memory_space<vmem_shared>> -> memref<10240x128xf32, #tpu.memory_space<vmem_shared>>
          tpu.enqueue_indirect_dma source(%arg29 : memref<64x128xf32, #tpu.memory_space<vmem>>) target(%dma_start3A_366 : memref<10240x128xf32, #tpu.memory_space<vmem_shared>>) offsets(%arg21 : memref<64xi32, #tpu.memory_space<vmem>>) semaphore(%run_scoped3A_363 : memref<!tpu.dma_semaphore, #tpu.memory_space<semaphore_mem>>) {add = true}
          %dma_wait3A_367 = arith.constant 0 : i32
          %dma_wait3A_368 = arith.constant 0 : i32
          %dma_wait3A_369 = tpu.memref_slice %arg33[%dma_wait3A_367, %dma_wait3A_368] : memref<10240x128xf32, #tpu.memory_space<vmem_shared>> -> memref<10240x128xf32, #tpu.memory_space<vmem_shared>>
          tpu.wait_indirect_dma semaphore(%run_scoped3A_363 : memref<!tpu.dma_semaphore, #tpu.memory_space<semaphore_mem>>) src(%arg29 : memref<64x128xf32, #tpu.memory_space<vmem>>) dst(%dma_wait3A_369 : memref<10240x128xf32, #tpu.memory_space<vmem_shared>>)
          tpu.yield
        }) : () -> ()
        "tpu.region"() ({
          %run_scoped3A_363 = tpu.sem_alloc : memref<!tpu.dma_semaphore, #tpu.memory_space<semaphore_mem>>
          %dma_start3A_364 = arith.constant 0 : i32
          %dma_start3A_365 = tpu.memref_slice %arg34[%dma_start3A_364] : memref<10240xf32, #tpu.memory_space<vmem_shared>> -> memref<10240xf32, #tpu.memory_space<vmem_shared>>
          tpu.enqueue_indirect_dma source(%arg32 : memref<64xf32, #tpu.memory_space<vmem>>) target(%dma_start3A_365 : memref<10240xf32, #tpu.memory_space<vmem_shared>>) offsets(%arg21 : memref<64xi32, #tpu.memory_space<vmem>>) semaphore(%run_scoped3A_363 : memref<!tpu.dma_semaphore, #tpu.memory_space<semaphore_mem>>) {add = true}
          %dma_wait3A_366 = arith.constant 0 : i32
          %dma_wait3A_367 = tpu.memref_slice %arg34[%dma_wait3A_366] : memref<10240xf32, #tpu.memory_space<vmem_shared>> -> memref<10240xf32, #tpu.memory_space<vmem_shared>>
          tpu.wait_indirect_dma semaphore(%run_scoped3A_363 : memref<!tpu.dma_semaphore, #tpu.memory_space<semaphore_mem>>) src(%arg32 : memref<64xf32, #tpu.memory_space<vmem>>) dst(%dma_wait3A_367 : memref<10240xf32, #tpu.memory_space<vmem_shared>>)
          tpu.yield
        }) : () -> ()
        %add3A_219 = arith.constant 8 : i32
        %add3A_220 = arith.addi %add3A_208, %add3A_219 : i32
        %lt3A_221 = arith.constant 256 : i32
        %lt3A_222 = arith.cmpi slt, %add3A_220, %lt3A_221 : i32
        %convert_element_type3A_223 = arith.extui %lt3A_222 : i1 to i32
        %cond3A_224 = arith.constant 0 : i32
        %cond3A_225 = arith.cmpi ne, %convert_element_type3A_223, %cond3A_224 : i32
        scf.if %cond3A_225 {
          %add3A_363 = arith.constant 8 : i32
          %add3A_364 = arith.addi %add3A_208, %add3A_363 : i32
          %mul3A_365 = arith.constant 64 : i32
          %mul3A_366 = arith.muli %add3A_364, %mul3A_365 : i32
          %add3A_367 = arith.addi %add3A, %mul3A_366 : i32
          %dma_start3A_368 = tpu.memref_slice %arg2[%add3A_367] : memref<327680xi32, #tpu.memory_space<hbm>> -> memref<64xi32, #tpu.memory_space<hbm>>
          %dma_start3A_369 = tpu.memref_slice %arg2[%add3A_367] : memref<327680xi32, #tpu.memory_space<hbm>> -> memref<64xi32, #tpu.memory_space<hbm>>
          tpu.enqueue_dma source(%dma_start3A_369 : memref<64xi32, #tpu.memory_space<hbm>>) target(%arg13 : memref<64xi32, #tpu.memory_space<vmem>>) target_semaphore(%arg41 : memref<!tpu.dma_semaphore, #tpu.memory_space<semaphore_mem>>)
          %add3A_370 = arith.constant 8 : i32
          %add3A_371 = arith.addi %add3A_208, %add3A_370 : i32
          %mul3A_372 = arith.constant 64 : i32
          %mul3A_373 = arith.muli %add3A_371, %mul3A_372 : i32
          %add3A_374 = arith.addi %add3A, %mul3A_373 : i32
          %dma_start3A_375 = tpu.memref_slice %arg3[%add3A_374] : memref<327680xi32, #tpu.memory_space<hbm>> -> memref<64xi32, #tpu.memory_space<hbm>>
          %dma_start3A_376 = tpu.memref_slice %arg3[%add3A_374] : memref<327680xi32, #tpu.memory_space<hbm>> -> memref<64xi32, #tpu.memory_space<hbm>>
          tpu.enqueue_dma source(%dma_start3A_376 : memref<64xi32, #tpu.memory_space<hbm>>) target(%arg21 : memref<64xi32, #tpu.memory_space<vmem>>) target_semaphore(%arg49 : memref<!tpu.dma_semaphore, #tpu.memory_space<semaphore_mem>>)
        } else {
        }
        %add3A_226 = arith.constant 4 : i32
        %add3A_227 = arith.addi %add3A_208, %add3A_226 : i32
        %lt3A_228 = arith.constant 256 : i32
        %lt3A_229 = arith.cmpi slt, %add3A_227, %lt3A_228 : i32
        %convert_element_type3A_230 = arith.extui %lt3A_229 : i1 to i32
        %cond3A_231 = arith.constant 0 : i32
        %cond3A_232 = arith.cmpi ne, %convert_element_type3A_230, %cond3A_231 : i32
        scf.if %cond3A_232 {
          %dma_wait3A_363 = arith.constant 0 : i32
          %dma_wait3A_364 = tpu.memref_slice %arg2[%dma_wait3A_363] : memref<327680xi32, #tpu.memory_space<hbm>> -> memref<64xi32, #tpu.memory_space<hbm>>
          %dma_wait3A_365 = arith.constant 0 : i32
          %dma_wait3A_366 = tpu.memref_slice %arg2[%dma_wait3A_365] : memref<327680xi32, #tpu.memory_space<hbm>> -> memref<64xi32, #tpu.memory_space<hbm>>
          tpu.wait_dma2 semaphore(%arg45 : memref<!tpu.dma_semaphore, #tpu.memory_space<semaphore_mem>>) src(%dma_wait3A_366 : memref<64xi32, #tpu.memory_space<hbm>>) dst(%arg17 : memref<64xi32, #tpu.memory_space<vmem>>)
          %dma_start3A_367 = arith.constant 0 : i32
          %dma_start3A_368 = arith.constant 0 : i32
          %dma_start3A_369 = tpu.memref_slice %arg4[%dma_start3A_367, %dma_start3A_368] : memref<10240x128xf32, #tpu.memory_space<hbm>> -> memref<10240x128xf32, #tpu.memory_space<hbm>>
          tpu.enqueue_indirect_dma source(%dma_start3A_369 : memref<10240x128xf32, #tpu.memory_space<hbm>>) target(%arg29 : memref<64x128xf32, #tpu.memory_space<vmem>>) offsets(%arg17 : memref<64xi32, #tpu.memory_space<vmem>>) semaphore(%arg37 : memref<!tpu.dma_semaphore, #tpu.memory_space<semaphore_mem>>)
        } else {
        }
        %add3A_233 = arith.constant 3 : i32
        %add3A_234 = arith.addi %add3A_155, %add3A_233 : i32
        %dma_wait3A_235 = arith.constant 0 : i32
        %dma_wait3A_236 = arith.constant 0 : i32
        %dma_wait3A_237 = tpu.memref_slice %arg4[%dma_wait3A_235, %dma_wait3A_236] : memref<10240x128xf32, #tpu.memory_space<hbm>> -> memref<64x128xf32, #tpu.memory_space<hbm>>
        %dma_wait3A_238 = arith.constant 0 : i32
        %dma_wait3A_239 = arith.constant 0 : i32
        %dma_wait3A_240 = tpu.memref_slice %arg4[%dma_wait3A_238, %dma_wait3A_239] : memref<10240x128xf32, #tpu.memory_space<hbm>> -> memref<64x128xf32, #tpu.memory_space<hbm>>
        tpu.wait_dma2 semaphore(%arg38 : memref<!tpu.dma_semaphore, #tpu.memory_space<semaphore_mem>>) src(%dma_wait3A_240 : memref<64x128xf32, #tpu.memory_space<hbm>>) dst(%arg30 : memref<64x128xf32, #tpu.memory_space<vmem>>)
        %dma_wait3A_241 = arith.constant 0 : i32
        %dma_wait3A_242 = tpu.memref_slice %arg2[%dma_wait3A_241] : memref<327680xi32, #tpu.memory_space<hbm>> -> memref<64xi32, #tpu.memory_space<hbm>>
        %dma_wait3A_243 = arith.constant 0 : i32
        %dma_wait3A_244 = tpu.memref_slice %arg2[%dma_wait3A_243] : memref<327680xi32, #tpu.memory_space<hbm>> -> memref<64xi32, #tpu.memory_space<hbm>>
        tpu.wait_dma2 semaphore(%arg50 : memref<!tpu.dma_semaphore, #tpu.memory_space<semaphore_mem>>) src(%dma_wait3A_244 : memref<64xi32, #tpu.memory_space<hbm>>) dst(%arg22 : memref<64xi32, #tpu.memory_space<vmem>>)
        "tpu.region"() ({
          %run_scoped3A_363 = tpu.sem_alloc : memref<!tpu.dma_semaphore, #tpu.memory_space<semaphore_mem>>
          %dma_start3A_364 = arith.constant 0 : i32
          %dma_start3A_365 = arith.constant 0 : i32
          %dma_start3A_366 = tpu.memref_slice %arg33[%dma_start3A_364, %dma_start3A_365] : memref<10240x128xf32, #tpu.memory_space<vmem_shared>> -> memref<10240x128xf32, #tpu.memory_space<vmem_shared>>
          tpu.enqueue_indirect_dma source(%arg30 : memref<64x128xf32, #tpu.memory_space<vmem>>) target(%dma_start3A_366 : memref<10240x128xf32, #tpu.memory_space<vmem_shared>>) offsets(%arg22 : memref<64xi32, #tpu.memory_space<vmem>>) semaphore(%run_scoped3A_363 : memref<!tpu.dma_semaphore, #tpu.memory_space<semaphore_mem>>) {add = true}
          %dma_wait3A_367 = arith.constant 0 : i32
          %dma_wait3A_368 = arith.constant 0 : i32
          %dma_wait3A_369 = tpu.memref_slice %arg33[%dma_wait3A_367, %dma_wait3A_368] : memref<10240x128xf32, #tpu.memory_space<vmem_shared>> -> memref<10240x128xf32, #tpu.memory_space<vmem_shared>>
          tpu.wait_indirect_dma semaphore(%run_scoped3A_363 : memref<!tpu.dma_semaphore, #tpu.memory_space<semaphore_mem>>) src(%arg30 : memref<64x128xf32, #tpu.memory_space<vmem>>) dst(%dma_wait3A_369 : memref<10240x128xf32, #tpu.memory_space<vmem_shared>>)
          tpu.yield
        }) : () -> ()
        "tpu.region"() ({
          %run_scoped3A_363 = tpu.sem_alloc : memref<!tpu.dma_semaphore, #tpu.memory_space<semaphore_mem>>
          %dma_start3A_364 = arith.constant 0 : i32
          %dma_start3A_365 = tpu.memref_slice %arg34[%dma_start3A_364] : memref<10240xf32, #tpu.memory_space<vmem_shared>> -> memref<10240xf32, #tpu.memory_space<vmem_shared>>
          tpu.enqueue_indirect_dma source(%arg32 : memref<64xf32, #tpu.memory_space<vmem>>) target(%dma_start3A_365 : memref<10240xf32, #tpu.memory_space<vmem_shared>>) offsets(%arg22 : memref<64xi32, #tpu.memory_space<vmem>>) semaphore(%run_scoped3A_363 : memref<!tpu.dma_semaphore, #tpu.memory_space<semaphore_mem>>) {add = true}
          %dma_wait3A_366 = arith.constant 0 : i32
          %dma_wait3A_367 = tpu.memref_slice %arg34[%dma_wait3A_366] : memref<10240xf32, #tpu.memory_space<vmem_shared>> -> memref<10240xf32, #tpu.memory_space<vmem_shared>>
          tpu.wait_indirect_dma semaphore(%run_scoped3A_363 : memref<!tpu.dma_semaphore, #tpu.memory_space<semaphore_mem>>) src(%arg32 : memref<64xf32, #tpu.memory_space<vmem>>) dst(%dma_wait3A_367 : memref<10240xf32, #tpu.memory_space<vmem_shared>>)
          tpu.yield
        }) : () -> ()
        %add3A_245 = arith.constant 8 : i32
        %add3A_246 = arith.addi %add3A_234, %add3A_245 : i32
        %lt3A_247 = arith.constant 256 : i32
        %lt3A_248 = arith.cmpi slt, %add3A_246, %lt3A_247 : i32
        %convert_element_type3A_249 = arith.extui %lt3A_248 : i1 to i32
        %cond3A_250 = arith.constant 0 : i32
        %cond3A_251 = arith.cmpi ne, %convert_element_type3A_249, %cond3A_250 : i32
        scf.if %cond3A_251 {
          %add3A_363 = arith.constant 8 : i32
          %add3A_364 = arith.addi %add3A_234, %add3A_363 : i32
          %mul3A_365 = arith.constant 64 : i32
          %mul3A_366 = arith.muli %add3A_364, %mul3A_365 : i32
          %add3A_367 = arith.addi %add3A, %mul3A_366 : i32
          %dma_start3A_368 = tpu.memref_slice %arg2[%add3A_367] : memref<327680xi32, #tpu.memory_space<hbm>> -> memref<64xi32, #tpu.memory_space<hbm>>
          %dma_start3A_369 = tpu.memref_slice %arg2[%add3A_367] : memref<327680xi32, #tpu.memory_space<hbm>> -> memref<64xi32, #tpu.memory_space<hbm>>
          tpu.enqueue_dma source(%dma_start3A_369 : memref<64xi32, #tpu.memory_space<hbm>>) target(%arg14 : memref<64xi32, #tpu.memory_space<vmem>>) target_semaphore(%arg42 : memref<!tpu.dma_semaphore, #tpu.memory_space<semaphore_mem>>)
          %add3A_370 = arith.constant 8 : i32
          %add3A_371 = arith.addi %add3A_234, %add3A_370 : i32
          %mul3A_372 = arith.constant 64 : i32
          %mul3A_373 = arith.muli %add3A_371, %mul3A_372 : i32
          %add3A_374 = arith.addi %add3A, %mul3A_373 : i32
          %dma_start3A_375 = tpu.memref_slice %arg3[%add3A_374] : memref<327680xi32, #tpu.memory_space<hbm>> -> memref<64xi32, #tpu.memory_space<hbm>>
          %dma_start3A_376 = tpu.memref_slice %arg3[%add3A_374] : memref<327680xi32, #tpu.memory_space<hbm>> -> memref<64xi32, #tpu.memory_space<hbm>>
          tpu.enqueue_dma source(%dma_start3A_376 : memref<64xi32, #tpu.memory_space<hbm>>) target(%arg22 : memref<64xi32, #tpu.memory_space<vmem>>) target_semaphore(%arg50 : memref<!tpu.dma_semaphore, #tpu.memory_space<semaphore_mem>>)
        } else {
        }
        %add3A_252 = arith.constant 4 : i32
        %add3A_253 = arith.addi %add3A_234, %add3A_252 : i32
        %lt3A_254 = arith.constant 256 : i32
        %lt3A_255 = arith.cmpi slt, %add3A_253, %lt3A_254 : i32
        %convert_element_type3A_256 = arith.extui %lt3A_255 : i1 to i32
        %cond3A_257 = arith.constant 0 : i32
        %cond3A_258 = arith.cmpi ne, %convert_element_type3A_256, %cond3A_257 : i32
        scf.if %cond3A_258 {
          %dma_wait3A_363 = arith.constant 0 : i32
          %dma_wait3A_364 = tpu.memref_slice %arg2[%dma_wait3A_363] : memref<327680xi32, #tpu.memory_space<hbm>> -> memref<64xi32, #tpu.memory_space<hbm>>
          %dma_wait3A_365 = arith.constant 0 : i32
          %dma_wait3A_366 = tpu.memref_slice %arg2[%dma_wait3A_365] : memref<327680xi32, #tpu.memory_space<hbm>> -> memref<64xi32, #tpu.memory_space<hbm>>
          tpu.wait_dma2 semaphore(%arg46 : memref<!tpu.dma_semaphore, #tpu.memory_space<semaphore_mem>>) src(%dma_wait3A_366 : memref<64xi32, #tpu.memory_space<hbm>>) dst(%arg18 : memref<64xi32, #tpu.memory_space<vmem>>)
          %dma_start3A_367 = arith.constant 0 : i32
          %dma_start3A_368 = arith.constant 0 : i32
          %dma_start3A_369 = tpu.memref_slice %arg4[%dma_start3A_367, %dma_start3A_368] : memref<10240x128xf32, #tpu.memory_space<hbm>> -> memref<10240x128xf32, #tpu.memory_space<hbm>>
          tpu.enqueue_indirect_dma source(%dma_start3A_369 : memref<10240x128xf32, #tpu.memory_space<hbm>>) target(%arg30 : memref<64x128xf32, #tpu.memory_space<vmem>>) offsets(%arg18 : memref<64xi32, #tpu.memory_space<vmem>>) semaphore(%arg38 : memref<!tpu.dma_semaphore, #tpu.memory_space<semaphore_mem>>)
        } else {
        }
        %add3A_259 = arith.constant 4 : i32
        %add3A_260 = arith.addi %add3A_155, %add3A_259 : i32
        %dma_wait3A_261 = arith.constant 0 : i32
        %dma_wait3A_262 = arith.constant 0 : i32
        %dma_wait3A_263 = tpu.memref_slice %arg4[%dma_wait3A_261, %dma_wait3A_262] : memref<10240x128xf32, #tpu.memory_space<hbm>> -> memref<64x128xf32, #tpu.memory_space<hbm>>
        %dma_wait3A_264 = arith.constant 0 : i32
        %dma_wait3A_265 = arith.constant 0 : i32
        %dma_wait3A_266 = tpu.memref_slice %arg4[%dma_wait3A_264, %dma_wait3A_265] : memref<10240x128xf32, #tpu.memory_space<hbm>> -> memref<64x128xf32, #tpu.memory_space<hbm>>
        tpu.wait_dma2 semaphore(%arg35 : memref<!tpu.dma_semaphore, #tpu.memory_space<semaphore_mem>>) src(%dma_wait3A_266 : memref<64x128xf32, #tpu.memory_space<hbm>>) dst(%arg27 : memref<64x128xf32, #tpu.memory_space<vmem>>)
        %dma_wait3A_267 = arith.constant 0 : i32
        %dma_wait3A_268 = tpu.memref_slice %arg2[%dma_wait3A_267] : memref<327680xi32, #tpu.memory_space<hbm>> -> memref<64xi32, #tpu.memory_space<hbm>>
        %dma_wait3A_269 = arith.constant 0 : i32
        %dma_wait3A_270 = tpu.memref_slice %arg2[%dma_wait3A_269] : memref<327680xi32, #tpu.memory_space<hbm>> -> memref<64xi32, #tpu.memory_space<hbm>>
        tpu.wait_dma2 semaphore(%arg51 : memref<!tpu.dma_semaphore, #tpu.memory_space<semaphore_mem>>) src(%dma_wait3A_270 : memref<64xi32, #tpu.memory_space<hbm>>) dst(%arg23 : memref<64xi32, #tpu.memory_space<vmem>>)
        "tpu.region"() ({
          %run_scoped3A_363 = tpu.sem_alloc : memref<!tpu.dma_semaphore, #tpu.memory_space<semaphore_mem>>
          %dma_start3A_364 = arith.constant 0 : i32
          %dma_start3A_365 = arith.constant 0 : i32
          %dma_start3A_366 = tpu.memref_slice %arg33[%dma_start3A_364, %dma_start3A_365] : memref<10240x128xf32, #tpu.memory_space<vmem_shared>> -> memref<10240x128xf32, #tpu.memory_space<vmem_shared>>
          tpu.enqueue_indirect_dma source(%arg27 : memref<64x128xf32, #tpu.memory_space<vmem>>) target(%dma_start3A_366 : memref<10240x128xf32, #tpu.memory_space<vmem_shared>>) offsets(%arg23 : memref<64xi32, #tpu.memory_space<vmem>>) semaphore(%run_scoped3A_363 : memref<!tpu.dma_semaphore, #tpu.memory_space<semaphore_mem>>) {add = true}
          %dma_wait3A_367 = arith.constant 0 : i32
          %dma_wait3A_368 = arith.constant 0 : i32
          %dma_wait3A_369 = tpu.memref_slice %arg33[%dma_wait3A_367, %dma_wait3A_368] : memref<10240x128xf32, #tpu.memory_space<vmem_shared>> -> memref<10240x128xf32, #tpu.memory_space<vmem_shared>>
          tpu.wait_indirect_dma semaphore(%run_scoped3A_363 : memref<!tpu.dma_semaphore, #tpu.memory_space<semaphore_mem>>) src(%arg27 : memref<64x128xf32, #tpu.memory_space<vmem>>) dst(%dma_wait3A_369 : memref<10240x128xf32, #tpu.memory_space<vmem_shared>>)
          tpu.yield
        }) : () -> ()
        "tpu.region"() ({
          %run_scoped3A_363 = tpu.sem_alloc : memref<!tpu.dma_semaphore, #tpu.memory_space<semaphore_mem>>
          %dma_start3A_364 = arith.constant 0 : i32
          %dma_start3A_365 = tpu.memref_slice %arg34[%dma_start3A_364] : memref<10240xf32, #tpu.memory_space<vmem_shared>> -> memref<10240xf32, #tpu.memory_space<vmem_shared>>
          tpu.enqueue_indirect_dma source(%arg32 : memref<64xf32, #tpu.memory_space<vmem>>) target(%dma_start3A_365 : memref<10240xf32, #tpu.memory_space<vmem_shared>>) offsets(%arg23 : memref<64xi32, #tpu.memory_space<vmem>>) semaphore(%run_scoped3A_363 : memref<!tpu.dma_semaphore, #tpu.memory_space<semaphore_mem>>) {add = true}
          %dma_wait3A_366 = arith.constant 0 : i32
          %dma_wait3A_367 = tpu.memref_slice %arg34[%dma_wait3A_366] : memref<10240xf32, #tpu.memory_space<vmem_shared>> -> memref<10240xf32, #tpu.memory_space<vmem_shared>>
          tpu.wait_indirect_dma semaphore(%run_scoped3A_363 : memref<!tpu.dma_semaphore, #tpu.memory_space<semaphore_mem>>) src(%arg32 : memref<64xf32, #tpu.memory_space<vmem>>) dst(%dma_wait3A_367 : memref<10240xf32, #tpu.memory_space<vmem_shared>>)
          tpu.yield
        }) : () -> ()
        %add3A_271 = arith.constant 8 : i32
        %add3A_272 = arith.addi %add3A_260, %add3A_271 : i32
        %lt3A_273 = arith.constant 256 : i32
        %lt3A_274 = arith.cmpi slt, %add3A_272, %lt3A_273 : i32
        %convert_element_type3A_275 = arith.extui %lt3A_274 : i1 to i32
        %cond3A_276 = arith.constant 0 : i32
        %cond3A_277 = arith.cmpi ne, %convert_element_type3A_275, %cond3A_276 : i32
        scf.if %cond3A_277 {
          %add3A_363 = arith.constant 8 : i32
          %add3A_364 = arith.addi %add3A_260, %add3A_363 : i32
          %mul3A_365 = arith.constant 64 : i32
          %mul3A_366 = arith.muli %add3A_364, %mul3A_365 : i32
          %add3A_367 = arith.addi %add3A, %mul3A_366 : i32
          %dma_start3A_368 = tpu.memref_slice %arg2[%add3A_367] : memref<327680xi32, #tpu.memory_space<hbm>> -> memref<64xi32, #tpu.memory_space<hbm>>
          %dma_start3A_369 = tpu.memref_slice %arg2[%add3A_367] : memref<327680xi32, #tpu.memory_space<hbm>> -> memref<64xi32, #tpu.memory_space<hbm>>
          tpu.enqueue_dma source(%dma_start3A_369 : memref<64xi32, #tpu.memory_space<hbm>>) target(%arg15 : memref<64xi32, #tpu.memory_space<vmem>>) target_semaphore(%arg43 : memref<!tpu.dma_semaphore, #tpu.memory_space<semaphore_mem>>)
          %add3A_370 = arith.constant 8 : i32
          %add3A_371 = arith.addi %add3A_260, %add3A_370 : i32
          %mul3A_372 = arith.constant 64 : i32
          %mul3A_373 = arith.muli %add3A_371, %mul3A_372 : i32
          %add3A_374 = arith.addi %add3A, %mul3A_373 : i32
          %dma_start3A_375 = tpu.memref_slice %arg3[%add3A_374] : memref<327680xi32, #tpu.memory_space<hbm>> -> memref<64xi32, #tpu.memory_space<hbm>>
          %dma_start3A_376 = tpu.memref_slice %arg3[%add3A_374] : memref<327680xi32, #tpu.memory_space<hbm>> -> memref<64xi32, #tpu.memory_space<hbm>>
          tpu.enqueue_dma source(%dma_start3A_376 : memref<64xi32, #tpu.memory_space<hbm>>) target(%arg23 : memref<64xi32, #tpu.memory_space<vmem>>) target_semaphore(%arg51 : memref<!tpu.dma_semaphore, #tpu.memory_space<semaphore_mem>>)
        } else {
        }
        %add3A_278 = arith.constant 4 : i32
        %add3A_279 = arith.addi %add3A_260, %add3A_278 : i32
        %lt3A_280 = arith.constant 256 : i32
        %lt3A_281 = arith.cmpi slt, %add3A_279, %lt3A_280 : i32
        %convert_element_type3A_282 = arith.extui %lt3A_281 : i1 to i32
        %cond3A_283 = arith.constant 0 : i32
        %cond3A_284 = arith.cmpi ne, %convert_element_type3A_282, %cond3A_283 : i32
        scf.if %cond3A_284 {
          %dma_wait3A_363 = arith.constant 0 : i32
          %dma_wait3A_364 = tpu.memref_slice %arg2[%dma_wait3A_363] : memref<327680xi32, #tpu.memory_space<hbm>> -> memref<64xi32, #tpu.memory_space<hbm>>
          %dma_wait3A_365 = arith.constant 0 : i32
          %dma_wait3A_366 = tpu.memref_slice %arg2[%dma_wait3A_365] : memref<327680xi32, #tpu.memory_space<hbm>> -> memref<64xi32, #tpu.memory_space<hbm>>
          tpu.wait_dma2 semaphore(%arg39 : memref<!tpu.dma_semaphore, #tpu.memory_space<semaphore_mem>>) src(%dma_wait3A_366 : memref<64xi32, #tpu.memory_space<hbm>>) dst(%arg11 : memref<64xi32, #tpu.memory_space<vmem>>)
          %dma_start3A_367 = arith.constant 0 : i32
          %dma_start3A_368 = arith.constant 0 : i32
          %dma_start3A_369 = tpu.memref_slice %arg4[%dma_start3A_367, %dma_start3A_368] : memref<10240x128xf32, #tpu.memory_space<hbm>> -> memref<10240x128xf32, #tpu.memory_space<hbm>>
          tpu.enqueue_indirect_dma source(%dma_start3A_369 : memref<10240x128xf32, #tpu.memory_space<hbm>>) target(%arg27 : memref<64x128xf32, #tpu.memory_space<vmem>>) offsets(%arg11 : memref<64xi32, #tpu.memory_space<vmem>>) semaphore(%arg35 : memref<!tpu.dma_semaphore, #tpu.memory_space<semaphore_mem>>)
        } else {
        }
        %add3A_285 = arith.constant 5 : i32
        %add3A_286 = arith.addi %add3A_155, %add3A_285 : i32
        %dma_wait3A_287 = arith.constant 0 : i32
        %dma_wait3A_288 = arith.constant 0 : i32
        %dma_wait3A_289 = tpu.memref_slice %arg4[%dma_wait3A_287, %dma_wait3A_288] : memref<10240x128xf32, #tpu.memory_space<hbm>> -> memref<64x128xf32, #tpu.memory_space<hbm>>
        %dma_wait3A_290 = arith.constant 0 : i32
        %dma_wait3A_291 = arith.constant 0 : i32
        %dma_wait3A_292 = tpu.memref_slice %arg4[%dma_wait3A_290, %dma_wait3A_291] : memref<10240x128xf32, #tpu.memory_space<hbm>> -> memref<64x128xf32, #tpu.memory_space<hbm>>
        tpu.wait_dma2 semaphore(%arg36 : memref<!tpu.dma_semaphore, #tpu.memory_space<semaphore_mem>>) src(%dma_wait3A_292 : memref<64x128xf32, #tpu.memory_space<hbm>>) dst(%arg28 : memref<64x128xf32, #tpu.memory_space<vmem>>)
        %dma_wait3A_293 = arith.constant 0 : i32
        %dma_wait3A_294 = tpu.memref_slice %arg2[%dma_wait3A_293] : memref<327680xi32, #tpu.memory_space<hbm>> -> memref<64xi32, #tpu.memory_space<hbm>>
        %dma_wait3A_295 = arith.constant 0 : i32
        %dma_wait3A_296 = tpu.memref_slice %arg2[%dma_wait3A_295] : memref<327680xi32, #tpu.memory_space<hbm>> -> memref<64xi32, #tpu.memory_space<hbm>>
        tpu.wait_dma2 semaphore(%arg52 : memref<!tpu.dma_semaphore, #tpu.memory_space<semaphore_mem>>) src(%dma_wait3A_296 : memref<64xi32, #tpu.memory_space<hbm>>) dst(%arg24 : memref<64xi32, #tpu.memory_space<vmem>>)
        "tpu.region"() ({
          %run_scoped3A_363 = tpu.sem_alloc : memref<!tpu.dma_semaphore, #tpu.memory_space<semaphore_mem>>
          %dma_start3A_364 = arith.constant 0 : i32
          %dma_start3A_365 = arith.constant 0 : i32
          %dma_start3A_366 = tpu.memref_slice %arg33[%dma_start3A_364, %dma_start3A_365] : memref<10240x128xf32, #tpu.memory_space<vmem_shared>> -> memref<10240x128xf32, #tpu.memory_space<vmem_shared>>
          tpu.enqueue_indirect_dma source(%arg28 : memref<64x128xf32, #tpu.memory_space<vmem>>) target(%dma_start3A_366 : memref<10240x128xf32, #tpu.memory_space<vmem_shared>>) offsets(%arg24 : memref<64xi32, #tpu.memory_space<vmem>>) semaphore(%run_scoped3A_363 : memref<!tpu.dma_semaphore, #tpu.memory_space<semaphore_mem>>) {add = true}
          %dma_wait3A_367 = arith.constant 0 : i32
          %dma_wait3A_368 = arith.constant 0 : i32
          %dma_wait3A_369 = tpu.memref_slice %arg33[%dma_wait3A_367, %dma_wait3A_368] : memref<10240x128xf32, #tpu.memory_space<vmem_shared>> -> memref<10240x128xf32, #tpu.memory_space<vmem_shared>>
          tpu.wait_indirect_dma semaphore(%run_scoped3A_363 : memref<!tpu.dma_semaphore, #tpu.memory_space<semaphore_mem>>) src(%arg28 : memref<64x128xf32, #tpu.memory_space<vmem>>) dst(%dma_wait3A_369 : memref<10240x128xf32, #tpu.memory_space<vmem_shared>>)
          tpu.yield
        }) : () -> ()
        "tpu.region"() ({
          %run_scoped3A_363 = tpu.sem_alloc : memref<!tpu.dma_semaphore, #tpu.memory_space<semaphore_mem>>
          %dma_start3A_364 = arith.constant 0 : i32
          %dma_start3A_365 = tpu.memref_slice %arg34[%dma_start3A_364] : memref<10240xf32, #tpu.memory_space<vmem_shared>> -> memref<10240xf32, #tpu.memory_space<vmem_shared>>
          tpu.enqueue_indirect_dma source(%arg32 : memref<64xf32, #tpu.memory_space<vmem>>) target(%dma_start3A_365 : memref<10240xf32, #tpu.memory_space<vmem_shared>>) offsets(%arg24 : memref<64xi32, #tpu.memory_space<vmem>>) semaphore(%run_scoped3A_363 : memref<!tpu.dma_semaphore, #tpu.memory_space<semaphore_mem>>) {add = true}
          %dma_wait3A_366 = arith.constant 0 : i32
          %dma_wait3A_367 = tpu.memref_slice %arg34[%dma_wait3A_366] : memref<10240xf32, #tpu.memory_space<vmem_shared>> -> memref<10240xf32, #tpu.memory_space<vmem_shared>>
          tpu.wait_indirect_dma semaphore(%run_scoped3A_363 : memref<!tpu.dma_semaphore, #tpu.memory_space<semaphore_mem>>) src(%arg32 : memref<64xf32, #tpu.memory_space<vmem>>) dst(%dma_wait3A_367 : memref<10240xf32, #tpu.memory_space<vmem_shared>>)
          tpu.yield
        }) : () -> ()
        %add3A_297 = arith.constant 8 : i32
        %add3A_298 = arith.addi %add3A_286, %add3A_297 : i32
        %lt3A_299 = arith.constant 256 : i32
        %lt3A_300 = arith.cmpi slt, %add3A_298, %lt3A_299 : i32
        %convert_element_type3A_301 = arith.extui %lt3A_300 : i1 to i32
        %cond3A_302 = arith.constant 0 : i32
        %cond3A_303 = arith.cmpi ne, %convert_element_type3A_301, %cond3A_302 : i32
        scf.if %cond3A_303 {
          %add3A_363 = arith.constant 8 : i32
          %add3A_364 = arith.addi %add3A_286, %add3A_363 : i32
          %mul3A_365 = arith.constant 64 : i32
          %mul3A_366 = arith.muli %add3A_364, %mul3A_365 : i32
          %add3A_367 = arith.addi %add3A, %mul3A_366 : i32
          %dma_start3A_368 = tpu.memref_slice %arg2[%add3A_367] : memref<327680xi32, #tpu.memory_space<hbm>> -> memref<64xi32, #tpu.memory_space<hbm>>
          %dma_start3A_369 = tpu.memref_slice %arg2[%add3A_367] : memref<327680xi32, #tpu.memory_space<hbm>> -> memref<64xi32, #tpu.memory_space<hbm>>
          tpu.enqueue_dma source(%dma_start3A_369 : memref<64xi32, #tpu.memory_space<hbm>>) target(%arg16 : memref<64xi32, #tpu.memory_space<vmem>>) target_semaphore(%arg44 : memref<!tpu.dma_semaphore, #tpu.memory_space<semaphore_mem>>)
          %add3A_370 = arith.constant 8 : i32
          %add3A_371 = arith.addi %add3A_286, %add3A_370 : i32
          %mul3A_372 = arith.constant 64 : i32
          %mul3A_373 = arith.muli %add3A_371, %mul3A_372 : i32
          %add3A_374 = arith.addi %add3A, %mul3A_373 : i32
          %dma_start3A_375 = tpu.memref_slice %arg3[%add3A_374] : memref<327680xi32, #tpu.memory_space<hbm>> -> memref<64xi32, #tpu.memory_space<hbm>>
          %dma_start3A_376 = tpu.memref_slice %arg3[%add3A_374] : memref<327680xi32, #tpu.memory_space<hbm>> -> memref<64xi32, #tpu.memory_space<hbm>>
          tpu.enqueue_dma source(%dma_start3A_376 : memref<64xi32, #tpu.memory_space<hbm>>) target(%arg24 : memref<64xi32, #tpu.memory_space<vmem>>) target_semaphore(%arg52 : memref<!tpu.dma_semaphore, #tpu.memory_space<semaphore_mem>>)
        } else {
        }
        %add3A_304 = arith.constant 4 : i32
        %add3A_305 = arith.addi %add3A_286, %add3A_304 : i32
        %lt3A_306 = arith.constant 256 : i32
        %lt3A_307 = arith.cmpi slt, %add3A_305, %lt3A_306 : i32
        %convert_element_type3A_308 = arith.extui %lt3A_307 : i1 to i32
        %cond3A_309 = arith.constant 0 : i32
        %cond3A_310 = arith.cmpi ne, %convert_element_type3A_308, %cond3A_309 : i32
        scf.if %cond3A_310 {
          %dma_wait3A_363 = arith.constant 0 : i32
          %dma_wait3A_364 = tpu.memref_slice %arg2[%dma_wait3A_363] : memref<327680xi32, #tpu.memory_space<hbm>> -> memref<64xi32, #tpu.memory_space<hbm>>
          %dma_wait3A_365 = arith.constant 0 : i32
          %dma_wait3A_366 = tpu.memref_slice %arg2[%dma_wait3A_365] : memref<327680xi32, #tpu.memory_space<hbm>> -> memref<64xi32, #tpu.memory_space<hbm>>
          tpu.wait_dma2 semaphore(%arg40 : memref<!tpu.dma_semaphore, #tpu.memory_space<semaphore_mem>>) src(%dma_wait3A_366 : memref<64xi32, #tpu.memory_space<hbm>>) dst(%arg12 : memref<64xi32, #tpu.memory_space<vmem>>)
          %dma_start3A_367 = arith.constant 0 : i32
          %dma_start3A_368 = arith.constant 0 : i32
          %dma_start3A_369 = tpu.memref_slice %arg4[%dma_start3A_367, %dma_start3A_368] : memref<10240x128xf32, #tpu.memory_space<hbm>> -> memref<10240x128xf32, #tpu.memory_space<hbm>>
          tpu.enqueue_indirect_dma source(%dma_start3A_369 : memref<10240x128xf32, #tpu.memory_space<hbm>>) target(%arg28 : memref<64x128xf32, #tpu.memory_space<vmem>>) offsets(%arg12 : memref<64xi32, #tpu.memory_space<vmem>>) semaphore(%arg36 : memref<!tpu.dma_semaphore, #tpu.memory_space<semaphore_mem>>)
        } else {
        }
        %add3A_311 = arith.constant 6 : i32
        %add3A_312 = arith.addi %add3A_155, %add3A_311 : i32
        %dma_wait3A_313 = arith.constant 0 : i32
        %dma_wait3A_314 = arith.constant 0 : i32
        %dma_wait3A_315 = tpu.memref_slice %arg4[%dma_wait3A_313, %dma_wait3A_314] : memref<10240x128xf32, #tpu.memory_space<hbm>> -> memref<64x128xf32, #tpu.memory_space<hbm>>
        %dma_wait3A_316 = arith.constant 0 : i32
        %dma_wait3A_317 = arith.constant 0 : i32
        %dma_wait3A_318 = tpu.memref_slice %arg4[%dma_wait3A_316, %dma_wait3A_317] : memref<10240x128xf32, #tpu.memory_space<hbm>> -> memref<64x128xf32, #tpu.memory_space<hbm>>
        tpu.wait_dma2 semaphore(%arg37 : memref<!tpu.dma_semaphore, #tpu.memory_space<semaphore_mem>>) src(%dma_wait3A_318 : memref<64x128xf32, #tpu.memory_space<hbm>>) dst(%arg29 : memref<64x128xf32, #tpu.memory_space<vmem>>)
        %dma_wait3A_319 = arith.constant 0 : i32
        %dma_wait3A_320 = tpu.memref_slice %arg2[%dma_wait3A_319] : memref<327680xi32, #tpu.memory_space<hbm>> -> memref<64xi32, #tpu.memory_space<hbm>>
        %dma_wait3A_321 = arith.constant 0 : i32
        %dma_wait3A_322 = tpu.memref_slice %arg2[%dma_wait3A_321] : memref<327680xi32, #tpu.memory_space<hbm>> -> memref<64xi32, #tpu.memory_space<hbm>>
        tpu.wait_dma2 semaphore(%arg53 : memref<!tpu.dma_semaphore, #tpu.memory_space<semaphore_mem>>) src(%dma_wait3A_322 : memref<64xi32, #tpu.memory_space<hbm>>) dst(%arg25 : memref<64xi32, #tpu.memory_space<vmem>>)
        "tpu.region"() ({
          %run_scoped3A_363 = tpu.sem_alloc : memref<!tpu.dma_semaphore, #tpu.memory_space<semaphore_mem>>
          %dma_start3A_364 = arith.constant 0 : i32
          %dma_start3A_365 = arith.constant 0 : i32
          %dma_start3A_366 = tpu.memref_slice %arg33[%dma_start3A_364, %dma_start3A_365] : memref<10240x128xf32, #tpu.memory_space<vmem_shared>> -> memref<10240x128xf32, #tpu.memory_space<vmem_shared>>
          tpu.enqueue_indirect_dma source(%arg29 : memref<64x128xf32, #tpu.memory_space<vmem>>) target(%dma_start3A_366 : memref<10240x128xf32, #tpu.memory_space<vmem_shared>>) offsets(%arg25 : memref<64xi32, #tpu.memory_space<vmem>>) semaphore(%run_scoped3A_363 : memref<!tpu.dma_semaphore, #tpu.memory_space<semaphore_mem>>) {add = true}
          %dma_wait3A_367 = arith.constant 0 : i32
          %dma_wait3A_368 = arith.constant 0 : i32
          %dma_wait3A_369 = tpu.memref_slice %arg33[%dma_wait3A_367, %dma_wait3A_368] : memref<10240x128xf32, #tpu.memory_space<vmem_shared>> -> memref<10240x128xf32, #tpu.memory_space<vmem_shared>>
          tpu.wait_indirect_dma semaphore(%run_scoped3A_363 : memref<!tpu.dma_semaphore, #tpu.memory_space<semaphore_mem>>) src(%arg29 : memref<64x128xf32, #tpu.memory_space<vmem>>) dst(%dma_wait3A_369 : memref<10240x128xf32, #tpu.memory_space<vmem_shared>>)
          tpu.yield
        }) : () -> ()
        "tpu.region"() ({
          %run_scoped3A_363 = tpu.sem_alloc : memref<!tpu.dma_semaphore, #tpu.memory_space<semaphore_mem>>
          %dma_start3A_364 = arith.constant 0 : i32
          %dma_start3A_365 = tpu.memref_slice %arg34[%dma_start3A_364] : memref<10240xf32, #tpu.memory_space<vmem_shared>> -> memref<10240xf32, #tpu.memory_space<vmem_shared>>
          tpu.enqueue_indirect_dma source(%arg32 : memref<64xf32, #tpu.memory_space<vmem>>) target(%dma_start3A_365 : memref<10240xf32, #tpu.memory_space<vmem_shared>>) offsets(%arg25 : memref<64xi32, #tpu.memory_space<vmem>>) semaphore(%run_scoped3A_363 : memref<!tpu.dma_semaphore, #tpu.memory_space<semaphore_mem>>) {add = true}
          %dma_wait3A_366 = arith.constant 0 : i32
          %dma_wait3A_367 = tpu.memref_slice %arg34[%dma_wait3A_366] : memref<10240xf32, #tpu.memory_space<vmem_shared>> -> memref<10240xf32, #tpu.memory_space<vmem_shared>>
          tpu.wait_indirect_dma semaphore(%run_scoped3A_363 : memref<!tpu.dma_semaphore, #tpu.memory_space<semaphore_mem>>) src(%arg32 : memref<64xf32, #tpu.memory_space<vmem>>) dst(%dma_wait3A_367 : memref<10240xf32, #tpu.memory_space<vmem_shared>>)
          tpu.yield
        }) : () -> ()
        %add3A_323 = arith.constant 8 : i32
        %add3A_324 = arith.addi %add3A_312, %add3A_323 : i32
        %lt3A_325 = arith.constant 256 : i32
        %lt3A_326 = arith.cmpi slt, %add3A_324, %lt3A_325 : i32
        %convert_element_type3A_327 = arith.extui %lt3A_326 : i1 to i32
        %cond3A_328 = arith.constant 0 : i32
        %cond3A_329 = arith.cmpi ne, %convert_element_type3A_327, %cond3A_328 : i32
        scf.if %cond3A_329 {
          %add3A_363 = arith.constant 8 : i32
          %add3A_364 = arith.addi %add3A_312, %add3A_363 : i32
          %mul3A_365 = arith.constant 64 : i32
          %mul3A_366 = arith.muli %add3A_364, %mul3A_365 : i32
          %add3A_367 = arith.addi %add3A, %mul3A_366 : i32
          %dma_start3A_368 = tpu.memref_slice %arg2[%add3A_367] : memref<327680xi32, #tpu.memory_space<hbm>> -> memref<64xi32, #tpu.memory_space<hbm>>
          %dma_start3A_369 = tpu.memref_slice %arg2[%add3A_367] : memref<327680xi32, #tpu.memory_space<hbm>> -> memref<64xi32, #tpu.memory_space<hbm>>
          tpu.enqueue_dma source(%dma_start3A_369 : memref<64xi32, #tpu.memory_space<hbm>>) target(%arg17 : memref<64xi32, #tpu.memory_space<vmem>>) target_semaphore(%arg45 : memref<!tpu.dma_semaphore, #tpu.memory_space<semaphore_mem>>)
          %add3A_370 = arith.constant 8 : i32
          %add3A_371 = arith.addi %add3A_312, %add3A_370 : i32
          %mul3A_372 = arith.constant 64 : i32
          %mul3A_373 = arith.muli %add3A_371, %mul3A_372 : i32
          %add3A_374 = arith.addi %add3A, %mul3A_373 : i32
          %dma_start3A_375 = tpu.memref_slice %arg3[%add3A_374] : memref<327680xi32, #tpu.memory_space<hbm>> -> memref<64xi32, #tpu.memory_space<hbm>>
          %dma_start3A_376 = tpu.memref_slice %arg3[%add3A_374] : memref<327680xi32, #tpu.memory_space<hbm>> -> memref<64xi32, #tpu.memory_space<hbm>>
          tpu.enqueue_dma source(%dma_start3A_376 : memref<64xi32, #tpu.memory_space<hbm>>) target(%arg25 : memref<64xi32, #tpu.memory_space<vmem>>) target_semaphore(%arg53 : memref<!tpu.dma_semaphore, #tpu.memory_space<semaphore_mem>>)
        } else {
        }
        %add3A_330 = arith.constant 4 : i32
        %add3A_331 = arith.addi %add3A_312, %add3A_330 : i32
        %lt3A_332 = arith.constant 256 : i32
        %lt3A_333 = arith.cmpi slt, %add3A_331, %lt3A_332 : i32
        %convert_element_type3A_334 = arith.extui %lt3A_333 : i1 to i32
        %cond3A_335 = arith.constant 0 : i32
        %cond3A_336 = arith.cmpi ne, %convert_element_type3A_334, %cond3A_335 : i32
        scf.if %cond3A_336 {
          %dma_wait3A_363 = arith.constant 0 : i32
          %dma_wait3A_364 = tpu.memref_slice %arg2[%dma_wait3A_363] : memref<327680xi32, #tpu.memory_space<hbm>> -> memref<64xi32, #tpu.memory_space<hbm>>
          %dma_wait3A_365 = arith.constant 0 : i32
          %dma_wait3A_366 = tpu.memref_slice %arg2[%dma_wait3A_365] : memref<327680xi32, #tpu.memory_space<hbm>> -> memref<64xi32, #tpu.memory_space<hbm>>
          tpu.wait_dma2 semaphore(%arg41 : memref<!tpu.dma_semaphore, #tpu.memory_space<semaphore_mem>>) src(%dma_wait3A_366 : memref<64xi32, #tpu.memory_space<hbm>>) dst(%arg13 : memref<64xi32, #tpu.memory_space<vmem>>)
          %dma_start3A_367 = arith.constant 0 : i32
          %dma_start3A_368 = arith.constant 0 : i32
          %dma_start3A_369 = tpu.memref_slice %arg4[%dma_start3A_367, %dma_start3A_368] : memref<10240x128xf32, #tpu.memory_space<hbm>> -> memref<10240x128xf32, #tpu.memory_space<hbm>>
          tpu.enqueue_indirect_dma source(%dma_start3A_369 : memref<10240x128xf32, #tpu.memory_space<hbm>>) target(%arg29 : memref<64x128xf32, #tpu.memory_space<vmem>>) offsets(%arg13 : memref<64xi32, #tpu.memory_space<vmem>>) semaphore(%arg37 : memref<!tpu.dma_semaphore, #tpu.memory_space<semaphore_mem>>)
        } else {
        }
        %add3A_337 = arith.constant 7 : i32
        %add3A_338 = arith.addi %add3A_155, %add3A_337 : i32
        %dma_wait3A_339 = arith.constant 0 : i32
        %dma_wait3A_340 = arith.constant 0 : i32
        %dma_wait3A_341 = tpu.memref_slice %arg4[%dma_wait3A_339, %dma_wait3A_340] : memref<10240x128xf32, #tpu.memory_space<hbm>> -> memref<64x128xf32, #tpu.memory_space<hbm>>
        %dma_wait3A_342 = arith.constant 0 : i32
        %dma_wait3A_343 = arith.constant 0 : i32
        %dma_wait3A_344 = tpu.memref_slice %arg4[%dma_wait3A_342, %dma_wait3A_343] : memref<10240x128xf32, #tpu.memory_space<hbm>> -> memref<64x128xf32, #tpu.memory_space<hbm>>
        tpu.wait_dma2 semaphore(%arg38 : memref<!tpu.dma_semaphore, #tpu.memory_space<semaphore_mem>>) src(%dma_wait3A_344 : memref<64x128xf32, #tpu.memory_space<hbm>>) dst(%arg30 : memref<64x128xf32, #tpu.memory_space<vmem>>)
        %dma_wait3A_345 = arith.constant 0 : i32
        %dma_wait3A_346 = tpu.memref_slice %arg2[%dma_wait3A_345] : memref<327680xi32, #tpu.memory_space<hbm>> -> memref<64xi32, #tpu.memory_space<hbm>>
        %dma_wait3A_347 = arith.constant 0 : i32
        %dma_wait3A_348 = tpu.memref_slice %arg2[%dma_wait3A_347] : memref<327680xi32, #tpu.memory_space<hbm>> -> memref<64xi32, #tpu.memory_space<hbm>>
        tpu.wait_dma2 semaphore(%arg54 : memref<!tpu.dma_semaphore, #tpu.memory_space<semaphore_mem>>) src(%dma_wait3A_348 : memref<64xi32, #tpu.memory_space<hbm>>) dst(%arg26 : memref<64xi32, #tpu.memory_space<vmem>>)
        "tpu.region"() ({
          %run_scoped3A_363 = tpu.sem_alloc : memref<!tpu.dma_semaphore, #tpu.memory_space<semaphore_mem>>
          %dma_start3A_364 = arith.constant 0 : i32
          %dma_start3A_365 = arith.constant 0 : i32
          %dma_start3A_366 = tpu.memref_slice %arg33[%dma_start3A_364, %dma_start3A_365] : memref<10240x128xf32, #tpu.memory_space<vmem_shared>> -> memref<10240x128xf32, #tpu.memory_space<vmem_shared>>
          tpu.enqueue_indirect_dma source(%arg30 : memref<64x128xf32, #tpu.memory_space<vmem>>) target(%dma_start3A_366 : memref<10240x128xf32, #tpu.memory_space<vmem_shared>>) offsets(%arg26 : memref<64xi32, #tpu.memory_space<vmem>>) semaphore(%run_scoped3A_363 : memref<!tpu.dma_semaphore, #tpu.memory_space<semaphore_mem>>) {add = true}
          %dma_wait3A_367 = arith.constant 0 : i32
          %dma_wait3A_368 = arith.constant 0 : i32
          %dma_wait3A_369 = tpu.memref_slice %arg33[%dma_wait3A_367, %dma_wait3A_368] : memref<10240x128xf32, #tpu.memory_space<vmem_shared>> -> memref<10240x128xf32, #tpu.memory_space<vmem_shared>>
          tpu.wait_indirect_dma semaphore(%run_scoped3A_363 : memref<!tpu.dma_semaphore, #tpu.memory_space<semaphore_mem>>) src(%arg30 : memref<64x128xf32, #tpu.memory_space<vmem>>) dst(%dma_wait3A_369 : memref<10240x128xf32, #tpu.memory_space<vmem_shared>>)
          tpu.yield
        }) : () -> ()
        "tpu.region"() ({
          %run_scoped3A_363 = tpu.sem_alloc : memref<!tpu.dma_semaphore, #tpu.memory_space<semaphore_mem>>
          %dma_start3A_364 = arith.constant 0 : i32
          %dma_start3A_365 = tpu.memref_slice %arg34[%dma_start3A_364] : memref<10240xf32, #tpu.memory_space<vmem_shared>> -> memref<10240xf32, #tpu.memory_space<vmem_shared>>
          tpu.enqueue_indirect_dma source(%arg32 : memref<64xf32, #tpu.memory_space<vmem>>) target(%dma_start3A_365 : memref<10240xf32, #tpu.memory_space<vmem_shared>>) offsets(%arg26 : memref<64xi32, #tpu.memory_space<vmem>>) semaphore(%run_scoped3A_363 : memref<!tpu.dma_semaphore, #tpu.memory_space<semaphore_mem>>) {add = true}
          %dma_wait3A_366 = arith.constant 0 : i32
          %dma_wait3A_367 = tpu.memref_slice %arg34[%dma_wait3A_366] : memref<10240xf32, #tpu.memory_space<vmem_shared>> -> memref<10240xf32, #tpu.memory_space<vmem_shared>>
          tpu.wait_indirect_dma semaphore(%run_scoped3A_363 : memref<!tpu.dma_semaphore, #tpu.memory_space<semaphore_mem>>) src(%arg32 : memref<64xf32, #tpu.memory_space<vmem>>) dst(%dma_wait3A_367 : memref<10240xf32, #tpu.memory_space<vmem_shared>>)
          tpu.yield
        }) : () -> ()
        %add3A_349 = arith.constant 8 : i32
        %add3A_350 = arith.addi %add3A_338, %add3A_349 : i32
        %lt3A_351 = arith.constant 256 : i32
        %lt3A_352 = arith.cmpi slt, %add3A_350, %lt3A_351 : i32
        %convert_element_type3A_353 = arith.extui %lt3A_352 : i1 to i32
        %cond3A_354 = arith.constant 0 : i32
        %cond3A_355 = arith.cmpi ne, %convert_element_type3A_353, %cond3A_354 : i32
        scf.if %cond3A_355 {
          %add3A_363 = arith.constant 8 : i32
          %add3A_364 = arith.addi %add3A_338, %add3A_363 : i32
          %mul3A_365 = arith.constant 64 : i32
          %mul3A_366 = arith.muli %add3A_364, %mul3A_365 : i32
          %add3A_367 = arith.addi %add3A, %mul3A_366 : i32
          %dma_start3A_368 = tpu.memref_slice %arg2[%add3A_367] : memref<327680xi32, #tpu.memory_space<hbm>> -> memref<64xi32, #tpu.memory_space<hbm>>
          %dma_start3A_369 = tpu.memref_slice %arg2[%add3A_367] : memref<327680xi32, #tpu.memory_space<hbm>> -> memref<64xi32, #tpu.memory_space<hbm>>
          tpu.enqueue_dma source(%dma_start3A_369 : memref<64xi32, #tpu.memory_space<hbm>>) target(%arg18 : memref<64xi32, #tpu.memory_space<vmem>>) target_semaphore(%arg46 : memref<!tpu.dma_semaphore, #tpu.memory_space<semaphore_mem>>)
          %add3A_370 = arith.constant 8 : i32
          %add3A_371 = arith.addi %add3A_338, %add3A_370 : i32
          %mul3A_372 = arith.constant 64 : i32
          %mul3A_373 = arith.muli %add3A_371, %mul3A_372 : i32
          %add3A_374 = arith.addi %add3A, %mul3A_373 : i32
          %dma_start3A_375 = tpu.memref_slice %arg3[%add3A_374] : memref<327680xi32, #tpu.memory_space<hbm>> -> memref<64xi32, #tpu.memory_space<hbm>>
          %dma_start3A_376 = tpu.memref_slice %arg3[%add3A_374] : memref<327680xi32, #tpu.memory_space<hbm>> -> memref<64xi32, #tpu.memory_space<hbm>>
          tpu.enqueue_dma source(%dma_start3A_376 : memref<64xi32, #tpu.memory_space<hbm>>) target(%arg26 : memref<64xi32, #tpu.memory_space<vmem>>) target_semaphore(%arg54 : memref<!tpu.dma_semaphore, #tpu.memory_space<semaphore_mem>>)
        } else {
        }
        %add3A_356 = arith.constant 4 : i32
        %add3A_357 = arith.addi %add3A_338, %add3A_356 : i32
        %lt3A_358 = arith.constant 256 : i32
        %lt3A_359 = arith.cmpi slt, %add3A_357, %lt3A_358 : i32
        %convert_element_type3A_360 = arith.extui %lt3A_359 : i1 to i32
        %cond3A_361 = arith.constant 0 : i32
        %cond3A_362 = arith.cmpi ne, %convert_element_type3A_360, %cond3A_361 : i32
        scf.if %cond3A_362 {
          %dma_wait3A_363 = arith.constant 0 : i32
          %dma_wait3A_364 = tpu.memref_slice %arg2[%dma_wait3A_363] : memref<327680xi32, #tpu.memory_space<hbm>> -> memref<64xi32, #tpu.memory_space<hbm>>
          %dma_wait3A_365 = arith.constant 0 : i32
          %dma_wait3A_366 = tpu.memref_slice %arg2[%dma_wait3A_365] : memref<327680xi32, #tpu.memory_space<hbm>> -> memref<64xi32, #tpu.memory_space<hbm>>
          tpu.wait_dma2 semaphore(%arg42 : memref<!tpu.dma_semaphore, #tpu.memory_space<semaphore_mem>>) src(%dma_wait3A_366 : memref<64xi32, #tpu.memory_space<hbm>>) dst(%arg14 : memref<64xi32, #tpu.memory_space<vmem>>)
          %dma_start3A_367 = arith.constant 0 : i32
          %dma_start3A_368 = arith.constant 0 : i32
          %dma_start3A_369 = tpu.memref_slice %arg4[%dma_start3A_367, %dma_start3A_368] : memref<10240x128xf32, #tpu.memory_space<hbm>> -> memref<10240x128xf32, #tpu.memory_space<hbm>>
          tpu.enqueue_indirect_dma source(%dma_start3A_369 : memref<10240x128xf32, #tpu.memory_space<hbm>>) target(%arg30 : memref<64x128xf32, #tpu.memory_space<vmem>>) offsets(%arg14 : memref<64xi32, #tpu.memory_space<vmem>>) semaphore(%arg38 : memref<!tpu.dma_semaphore, #tpu.memory_space<semaphore_mem>>)
        } else {
        }
      }
      %scan3A_150 = arith.constant 32 : i32
    } else {
    }
    %eq3A_131 = arith.constant 1 : i32
    %eq3A_132 = arith.cmpi eq, %arg0, %eq3A_131 : i32
    %convert_element_type3A_133 = arith.extui %eq3A_132 : i1 to i32
    %cond3A_134 = arith.constant 0 : i32
    %cond3A_135 = arith.cmpi ne, %convert_element_type3A_133, %cond3A_134 : i32
    scf.if %cond3A_135 {
      %scan3A = arith.constant 0 : i32
      %scan3A_147 = arith.constant 8 : i32
      %scan3A_148 = arith.addi %scan3A, %scan3A_147 : i32
      %scan3A_149 = arith.constant 1 : i32
      scf.for %scan3A_151 = %scan3A to %scan3A_148 step %scan3A_149  : i32 {
        %mul3A_152 = arith.constant 8 : i32
        %mul3A_153 = arith.muli %scan3A_151, %mul3A_152 : i32
        %add3A_154 = arith.constant 0 : i32
        %add3A_155 = arith.addi %add3A_154, %mul3A_153 : i32
        %add3A_156 = arith.constant 0 : i32
        %add3A_157 = arith.addi %add3A_155, %add3A_156 : i32
        %dma_wait3A_158 = arith.constant 0 : i32
        %dma_wait3A_159 = arith.constant 0 : i32
        %dma_wait3A_160 = tpu.memref_slice %arg4[%dma_wait3A_158, %dma_wait3A_159] : memref<10240x128xf32, #tpu.memory_space<hbm>> -> memref<64x128xf32, #tpu.memory_space<hbm>>
        %dma_wait3A_161 = arith.constant 0 : i32
        %dma_wait3A_162 = arith.constant 0 : i32
        %dma_wait3A_163 = tpu.memref_slice %arg4[%dma_wait3A_161, %dma_wait3A_162] : memref<10240x128xf32, #tpu.memory_space<hbm>> -> memref<64x128xf32, #tpu.memory_space<hbm>>
        tpu.wait_dma2 semaphore(%arg35 : memref<!tpu.dma_semaphore, #tpu.memory_space<semaphore_mem>>) src(%dma_wait3A_163 : memref<64x128xf32, #tpu.memory_space<hbm>>) dst(%arg27 : memref<64x128xf32, #tpu.memory_space<vmem>>)
        %dma_wait3A_164 = arith.constant 0 : i32
        %dma_wait3A_165 = tpu.memref_slice %arg2[%dma_wait3A_164] : memref<327680xi32, #tpu.memory_space<hbm>> -> memref<64xi32, #tpu.memory_space<hbm>>
        %dma_wait3A_166 = arith.constant 0 : i32
        %dma_wait3A_167 = tpu.memref_slice %arg2[%dma_wait3A_166] : memref<327680xi32, #tpu.memory_space<hbm>> -> memref<64xi32, #tpu.memory_space<hbm>>
        tpu.wait_dma2 semaphore(%arg47 : memref<!tpu.dma_semaphore, #tpu.memory_space<semaphore_mem>>) src(%dma_wait3A_167 : memref<64xi32, #tpu.memory_space<hbm>>) dst(%arg19 : memref<64xi32, #tpu.memory_space<vmem>>)
        "tpu.region"() ({
          %run_scoped3A_363 = tpu.sem_alloc : memref<!tpu.dma_semaphore, #tpu.memory_space<semaphore_mem>>
          %dma_start3A_364 = arith.constant 0 : i32
          %dma_start3A_365 = arith.constant 0 : i32
          %dma_start3A_366 = tpu.memref_slice %arg33[%dma_start3A_364, %dma_start3A_365] : memref<10240x128xf32, #tpu.memory_space<vmem_shared>> -> memref<10240x128xf32, #tpu.memory_space<vmem_shared>>
          tpu.enqueue_indirect_dma source(%arg27 : memref<64x128xf32, #tpu.memory_space<vmem>>) target(%dma_start3A_366 : memref<10240x128xf32, #tpu.memory_space<vmem_shared>>) offsets(%arg19 : memref<64xi32, #tpu.memory_space<vmem>>) semaphore(%run_scoped3A_363 : memref<!tpu.dma_semaphore, #tpu.memory_space<semaphore_mem>>) {add = true}
          %dma_wait3A_367 = arith.constant 0 : i32
          %dma_wait3A_368 = arith.constant 0 : i32
          %dma_wait3A_369 = tpu.memref_slice %arg33[%dma_wait3A_367, %dma_wait3A_368] : memref<10240x128xf32, #tpu.memory_space<vmem_shared>> -> memref<10240x128xf32, #tpu.memory_space<vmem_shared>>
          tpu.wait_indirect_dma semaphore(%run_scoped3A_363 : memref<!tpu.dma_semaphore, #tpu.memory_space<semaphore_mem>>) src(%arg27 : memref<64x128xf32, #tpu.memory_space<vmem>>) dst(%dma_wait3A_369 : memref<10240x128xf32, #tpu.memory_space<vmem_shared>>)
          tpu.yield
        }) : () -> ()
        "tpu.region"() ({
          %run_scoped3A_363 = tpu.sem_alloc : memref<!tpu.dma_semaphore, #tpu.memory_space<semaphore_mem>>
          %dma_start3A_364 = arith.constant 0 : i32
          %dma_start3A_365 = tpu.memref_slice %arg34[%dma_start3A_364] : memref<10240xf32, #tpu.memory_space<vmem_shared>> -> memref<10240xf32, #tpu.memory_space<vmem_shared>>
          tpu.enqueue_indirect_dma source(%arg32 : memref<64xf32, #tpu.memory_space<vmem>>) target(%dma_start3A_365 : memref<10240xf32, #tpu.memory_space<vmem_shared>>) offsets(%arg19 : memref<64xi32, #tpu.memory_space<vmem>>) semaphore(%run_scoped3A_363 : memref<!tpu.dma_semaphore, #tpu.memory_space<semaphore_mem>>) {add = true}
          %dma_wait3A_366 = arith.constant 0 : i32
          %dma_wait3A_367 = tpu.memref_slice %arg34[%dma_wait3A_366] : memref<10240xf32, #tpu.memory_space<vmem_shared>> -> memref<10240xf32, #tpu.memory_space<vmem_shared>>
          tpu.wait_indirect_dma semaphore(%run_scoped3A_363 : memref<!tpu.dma_semaphore, #tpu.memory_space<semaphore_mem>>) src(%arg32 : memref<64xf32, #tpu.memory_space<vmem>>) dst(%dma_wait3A_367 : memref<10240xf32, #tpu.memory_space<vmem_shared>>)
          tpu.yield
        }) : () -> ()
        %add3A_168 = arith.constant 8 : i32
        %add3A_169 = arith.addi %add3A_157, %add3A_168 : i32
        %lt3A = arith.constant 64 : i32
        %lt3A_170 = arith.cmpi slt, %add3A_169, %lt3A : i32
        %convert_element_type3A_171 = arith.extui %lt3A_170 : i1 to i32
        %cond3A_172 = arith.constant 0 : i32
        %cond3A_173 = arith.cmpi ne, %convert_element_type3A_171, %cond3A_172 : i32
        scf.if %cond3A_173 {
          %add3A_363 = arith.constant 8 : i32
          %add3A_364 = arith.addi %add3A_157, %add3A_363 : i32
          %mul3A_365 = arith.constant 64 : i32
          %mul3A_366 = arith.muli %add3A_364, %mul3A_365 : i32
          %add3A_367 = arith.addi %add3A, %mul3A_366 : i32
          %dma_start3A_368 = tpu.memref_slice %arg2[%add3A_367] : memref<327680xi32, #tpu.memory_space<hbm>> -> memref<64xi32, #tpu.memory_space<hbm>>
          %dma_start3A_369 = tpu.memref_slice %arg2[%add3A_367] : memref<327680xi32, #tpu.memory_space<hbm>> -> memref<64xi32, #tpu.memory_space<hbm>>
          tpu.enqueue_dma source(%dma_start3A_369 : memref<64xi32, #tpu.memory_space<hbm>>) target(%arg11 : memref<64xi32, #tpu.memory_space<vmem>>) target_semaphore(%arg39 : memref<!tpu.dma_semaphore, #tpu.memory_space<semaphore_mem>>)
          %add3A_370 = arith.constant 8 : i32
          %add3A_371 = arith.addi %add3A_157, %add3A_370 : i32
          %mul3A_372 = arith.constant 64 : i32
          %mul3A_373 = arith.muli %add3A_371, %mul3A_372 : i32
          %add3A_374 = arith.addi %add3A, %mul3A_373 : i32
          %dma_start3A_375 = tpu.memref_slice %arg3[%add3A_374] : memref<327680xi32, #tpu.memory_space<hbm>> -> memref<64xi32, #tpu.memory_space<hbm>>
          %dma_start3A_376 = tpu.memref_slice %arg3[%add3A_374] : memref<327680xi32, #tpu.memory_space<hbm>> -> memref<64xi32, #tpu.memory_space<hbm>>
          tpu.enqueue_dma source(%dma_start3A_376 : memref<64xi32, #tpu.memory_space<hbm>>) target(%arg19 : memref<64xi32, #tpu.memory_space<vmem>>) target_semaphore(%arg47 : memref<!tpu.dma_semaphore, #tpu.memory_space<semaphore_mem>>)
        } else {
        }
        %add3A_174 = arith.constant 4 : i32
        %add3A_175 = arith.addi %add3A_157, %add3A_174 : i32
        %lt3A_176 = arith.constant 64 : i32
        %lt3A_177 = arith.cmpi slt, %add3A_175, %lt3A_176 : i32
        %convert_element_type3A_178 = arith.extui %lt3A_177 : i1 to i32
        %cond3A_179 = arith.constant 0 : i32
        %cond3A_180 = arith.cmpi ne, %convert_element_type3A_178, %cond3A_179 : i32
        scf.if %cond3A_180 {
          %dma_wait3A_363 = arith.constant 0 : i32
          %dma_wait3A_364 = tpu.memref_slice %arg2[%dma_wait3A_363] : memref<327680xi32, #tpu.memory_space<hbm>> -> memref<64xi32, #tpu.memory_space<hbm>>
          %dma_wait3A_365 = arith.constant 0 : i32
          %dma_wait3A_366 = tpu.memref_slice %arg2[%dma_wait3A_365] : memref<327680xi32, #tpu.memory_space<hbm>> -> memref<64xi32, #tpu.memory_space<hbm>>
          tpu.wait_dma2 semaphore(%arg43 : memref<!tpu.dma_semaphore, #tpu.memory_space<semaphore_mem>>) src(%dma_wait3A_366 : memref<64xi32, #tpu.memory_space<hbm>>) dst(%arg15 : memref<64xi32, #tpu.memory_space<vmem>>)
          %dma_start3A_367 = arith.constant 0 : i32
          %dma_start3A_368 = arith.constant 0 : i32
          %dma_start3A_369 = tpu.memref_slice %arg4[%dma_start3A_367, %dma_start3A_368] : memref<10240x128xf32, #tpu.memory_space<hbm>> -> memref<10240x128xf32, #tpu.memory_space<hbm>>
          tpu.enqueue_indirect_dma source(%dma_start3A_369 : memref<10240x128xf32, #tpu.memory_space<hbm>>) target(%arg27 : memref<64x128xf32, #tpu.memory_space<vmem>>) offsets(%arg15 : memref<64xi32, #tpu.memory_space<vmem>>) semaphore(%arg35 : memref<!tpu.dma_semaphore, #tpu.memory_space<semaphore_mem>>)
        } else {
        }
        %add3A_181 = arith.constant 1 : i32
        %add3A_182 = arith.addi %add3A_155, %add3A_181 : i32
        %dma_wait3A_183 = arith.constant 0 : i32
        %dma_wait3A_184 = arith.constant 0 : i32
        %dma_wait3A_185 = tpu.memref_slice %arg4[%dma_wait3A_183, %dma_wait3A_184] : memref<10240x128xf32, #tpu.memory_space<hbm>> -> memref<64x128xf32, #tpu.memory_space<hbm>>
        %dma_wait3A_186 = arith.constant 0 : i32
        %dma_wait3A_187 = arith.constant 0 : i32
        %dma_wait3A_188 = tpu.memref_slice %arg4[%dma_wait3A_186, %dma_wait3A_187] : memref<10240x128xf32, #tpu.memory_space<hbm>> -> memref<64x128xf32, #tpu.memory_space<hbm>>
        tpu.wait_dma2 semaphore(%arg36 : memref<!tpu.dma_semaphore, #tpu.memory_space<semaphore_mem>>) src(%dma_wait3A_188 : memref<64x128xf32, #tpu.memory_space<hbm>>) dst(%arg28 : memref<64x128xf32, #tpu.memory_space<vmem>>)
        %dma_wait3A_189 = arith.constant 0 : i32
        %dma_wait3A_190 = tpu.memref_slice %arg2[%dma_wait3A_189] : memref<327680xi32, #tpu.memory_space<hbm>> -> memref<64xi32, #tpu.memory_space<hbm>>
        %dma_wait3A_191 = arith.constant 0 : i32
        %dma_wait3A_192 = tpu.memref_slice %arg2[%dma_wait3A_191] : memref<327680xi32, #tpu.memory_space<hbm>> -> memref<64xi32, #tpu.memory_space<hbm>>
        tpu.wait_dma2 semaphore(%arg48 : memref<!tpu.dma_semaphore, #tpu.memory_space<semaphore_mem>>) src(%dma_wait3A_192 : memref<64xi32, #tpu.memory_space<hbm>>) dst(%arg20 : memref<64xi32, #tpu.memory_space<vmem>>)
        "tpu.region"() ({
          %run_scoped3A_363 = tpu.sem_alloc : memref<!tpu.dma_semaphore, #tpu.memory_space<semaphore_mem>>
          %dma_start3A_364 = arith.constant 0 : i32
          %dma_start3A_365 = arith.constant 0 : i32
          %dma_start3A_366 = tpu.memref_slice %arg33[%dma_start3A_364, %dma_start3A_365] : memref<10240x128xf32, #tpu.memory_space<vmem_shared>> -> memref<10240x128xf32, #tpu.memory_space<vmem_shared>>
          tpu.enqueue_indirect_dma source(%arg28 : memref<64x128xf32, #tpu.memory_space<vmem>>) target(%dma_start3A_366 : memref<10240x128xf32, #tpu.memory_space<vmem_shared>>) offsets(%arg20 : memref<64xi32, #tpu.memory_space<vmem>>) semaphore(%run_scoped3A_363 : memref<!tpu.dma_semaphore, #tpu.memory_space<semaphore_mem>>) {add = true}
          %dma_wait3A_367 = arith.constant 0 : i32
          %dma_wait3A_368 = arith.constant 0 : i32
          %dma_wait3A_369 = tpu.memref_slice %arg33[%dma_wait3A_367, %dma_wait3A_368] : memref<10240x128xf32, #tpu.memory_space<vmem_shared>> -> memref<10240x128xf32, #tpu.memory_space<vmem_shared>>
          tpu.wait_indirect_dma semaphore(%run_scoped3A_363 : memref<!tpu.dma_semaphore, #tpu.memory_space<semaphore_mem>>) src(%arg28 : memref<64x128xf32, #tpu.memory_space<vmem>>) dst(%dma_wait3A_369 : memref<10240x128xf32, #tpu.memory_space<vmem_shared>>)
          tpu.yield
        }) : () -> ()
        "tpu.region"() ({
          %run_scoped3A_363 = tpu.sem_alloc : memref<!tpu.dma_semaphore, #tpu.memory_space<semaphore_mem>>
          %dma_start3A_364 = arith.constant 0 : i32
          %dma_start3A_365 = tpu.memref_slice %arg34[%dma_start3A_364] : memref<10240xf32, #tpu.memory_space<vmem_shared>> -> memref<10240xf32, #tpu.memory_space<vmem_shared>>
          tpu.enqueue_indirect_dma source(%arg32 : memref<64xf32, #tpu.memory_space<vmem>>) target(%dma_start3A_365 : memref<10240xf32, #tpu.memory_space<vmem_shared>>) offsets(%arg20 : memref<64xi32, #tpu.memory_space<vmem>>) semaphore(%run_scoped3A_363 : memref<!tpu.dma_semaphore, #tpu.memory_space<semaphore_mem>>) {add = true}
          %dma_wait3A_366 = arith.constant 0 : i32
          %dma_wait3A_367 = tpu.memref_slice %arg34[%dma_wait3A_366] : memref<10240xf32, #tpu.memory_space<vmem_shared>> -> memref<10240xf32, #tpu.memory_space<vmem_shared>>
          tpu.wait_indirect_dma semaphore(%run_scoped3A_363 : memref<!tpu.dma_semaphore, #tpu.memory_space<semaphore_mem>>) src(%arg32 : memref<64xf32, #tpu.memory_space<vmem>>) dst(%dma_wait3A_367 : memref<10240xf32, #tpu.memory_space<vmem_shared>>)
          tpu.yield
        }) : () -> ()
        %add3A_193 = arith.constant 8 : i32
        %add3A_194 = arith.addi %add3A_182, %add3A_193 : i32
        %lt3A_195 = arith.constant 64 : i32
        %lt3A_196 = arith.cmpi slt, %add3A_194, %lt3A_195 : i32
        %convert_element_type3A_197 = arith.extui %lt3A_196 : i1 to i32
        %cond3A_198 = arith.constant 0 : i32
        %cond3A_199 = arith.cmpi ne, %convert_element_type3A_197, %cond3A_198 : i32
        scf.if %cond3A_199 {
          %add3A_363 = arith.constant 8 : i32
          %add3A_364 = arith.addi %add3A_182, %add3A_363 : i32
          %mul3A_365 = arith.constant 64 : i32
          %mul3A_366 = arith.muli %add3A_364, %mul3A_365 : i32
          %add3A_367 = arith.addi %add3A, %mul3A_366 : i32
          %dma_start3A_368 = tpu.memref_slice %arg2[%add3A_367] : memref<327680xi32, #tpu.memory_space<hbm>> -> memref<64xi32, #tpu.memory_space<hbm>>
          %dma_start3A_369 = tpu.memref_slice %arg2[%add3A_367] : memref<327680xi32, #tpu.memory_space<hbm>> -> memref<64xi32, #tpu.memory_space<hbm>>
          tpu.enqueue_dma source(%dma_start3A_369 : memref<64xi32, #tpu.memory_space<hbm>>) target(%arg12 : memref<64xi32, #tpu.memory_space<vmem>>) target_semaphore(%arg40 : memref<!tpu.dma_semaphore, #tpu.memory_space<semaphore_mem>>)
          %add3A_370 = arith.constant 8 : i32
          %add3A_371 = arith.addi %add3A_182, %add3A_370 : i32
          %mul3A_372 = arith.constant 64 : i32
          %mul3A_373 = arith.muli %add3A_371, %mul3A_372 : i32
          %add3A_374 = arith.addi %add3A, %mul3A_373 : i32
          %dma_start3A_375 = tpu.memref_slice %arg3[%add3A_374] : memref<327680xi32, #tpu.memory_space<hbm>> -> memref<64xi32, #tpu.memory_space<hbm>>
          %dma_start3A_376 = tpu.memref_slice %arg3[%add3A_374] : memref<327680xi32, #tpu.memory_space<hbm>> -> memref<64xi32, #tpu.memory_space<hbm>>
          tpu.enqueue_dma source(%dma_start3A_376 : memref<64xi32, #tpu.memory_space<hbm>>) target(%arg20 : memref<64xi32, #tpu.memory_space<vmem>>) target_semaphore(%arg48 : memref<!tpu.dma_semaphore, #tpu.memory_space<semaphore_mem>>)
        } else {
        }
        %add3A_200 = arith.constant 4 : i32
        %add3A_201 = arith.addi %add3A_182, %add3A_200 : i32
        %lt3A_202 = arith.constant 64 : i32
        %lt3A_203 = arith.cmpi slt, %add3A_201, %lt3A_202 : i32
        %convert_element_type3A_204 = arith.extui %lt3A_203 : i1 to i32
        %cond3A_205 = arith.constant 0 : i32
        %cond3A_206 = arith.cmpi ne, %convert_element_type3A_204, %cond3A_205 : i32
        scf.if %cond3A_206 {
          %dma_wait3A_363 = arith.constant 0 : i32
          %dma_wait3A_364 = tpu.memref_slice %arg2[%dma_wait3A_363] : memref<327680xi32, #tpu.memory_space<hbm>> -> memref<64xi32, #tpu.memory_space<hbm>>
          %dma_wait3A_365 = arith.constant 0 : i32
          %dma_wait3A_366 = tpu.memref_slice %arg2[%dma_wait3A_365] : memref<327680xi32, #tpu.memory_space<hbm>> -> memref<64xi32, #tpu.memory_space<hbm>>
          tpu.wait_dma2 semaphore(%arg44 : memref<!tpu.dma_semaphore, #tpu.memory_space<semaphore_mem>>) src(%dma_wait3A_366 : memref<64xi32, #tpu.memory_space<hbm>>) dst(%arg16 : memref<64xi32, #tpu.memory_space<vmem>>)
          %dma_start3A_367 = arith.constant 0 : i32
          %dma_start3A_368 = arith.constant 0 : i32
          %dma_start3A_369 = tpu.memref_slice %arg4[%dma_start3A_367, %dma_start3A_368] : memref<10240x128xf32, #tpu.memory_space<hbm>> -> memref<10240x128xf32, #tpu.memory_space<hbm>>
          tpu.enqueue_indirect_dma source(%dma_start3A_369 : memref<10240x128xf32, #tpu.memory_space<hbm>>) target(%arg28 : memref<64x128xf32, #tpu.memory_space<vmem>>) offsets(%arg16 : memref<64xi32, #tpu.memory_space<vmem>>) semaphore(%arg36 : memref<!tpu.dma_semaphore, #tpu.memory_space<semaphore_mem>>)
        } else {
        }
        %add3A_207 = arith.constant 2 : i32
        %add3A_208 = arith.addi %add3A_155, %add3A_207 : i32
        %dma_wait3A_209 = arith.constant 0 : i32
        %dma_wait3A_210 = arith.constant 0 : i32
        %dma_wait3A_211 = tpu.memref_slice %arg4[%dma_wait3A_209, %dma_wait3A_210] : memref<10240x128xf32, #tpu.memory_space<hbm>> -> memref<64x128xf32, #tpu.memory_space<hbm>>
        %dma_wait3A_212 = arith.constant 0 : i32
        %dma_wait3A_213 = arith.constant 0 : i32
        %dma_wait3A_214 = tpu.memref_slice %arg4[%dma_wait3A_212, %dma_wait3A_213] : memref<10240x128xf32, #tpu.memory_space<hbm>> -> memref<64x128xf32, #tpu.memory_space<hbm>>
        tpu.wait_dma2 semaphore(%arg37 : memref<!tpu.dma_semaphore, #tpu.memory_space<semaphore_mem>>) src(%dma_wait3A_214 : memref<64x128xf32, #tpu.memory_space<hbm>>) dst(%arg29 : memref<64x128xf32, #tpu.memory_space<vmem>>)
        %dma_wait3A_215 = arith.constant 0 : i32
        %dma_wait3A_216 = tpu.memref_slice %arg2[%dma_wait3A_215] : memref<327680xi32, #tpu.memory_space<hbm>> -> memref<64xi32, #tpu.memory_space<hbm>>
        %dma_wait3A_217 = arith.constant 0 : i32
        %dma_wait3A_218 = tpu.memref_slice %arg2[%dma_wait3A_217] : memref<327680xi32, #tpu.memory_space<hbm>> -> memref<64xi32, #tpu.memory_space<hbm>>
        tpu.wait_dma2 semaphore(%arg49 : memref<!tpu.dma_semaphore, #tpu.memory_space<semaphore_mem>>) src(%dma_wait3A_218 : memref<64xi32, #tpu.memory_space<hbm>>) dst(%arg21 : memref<64xi32, #tpu.memory_space<vmem>>)
        "tpu.region"() ({
          %run_scoped3A_363 = tpu.sem_alloc : memref<!tpu.dma_semaphore, #tpu.memory_space<semaphore_mem>>
          %dma_start3A_364 = arith.constant 0 : i32
          %dma_start3A_365 = arith.constant 0 : i32
          %dma_start3A_366 = tpu.memref_slice %arg33[%dma_start3A_364, %dma_start3A_365] : memref<10240x128xf32, #tpu.memory_space<vmem_shared>> -> memref<10240x128xf32, #tpu.memory_space<vmem_shared>>
          tpu.enqueue_indirect_dma source(%arg29 : memref<64x128xf32, #tpu.memory_space<vmem>>) target(%dma_start3A_366 : memref<10240x128xf32, #tpu.memory_space<vmem_shared>>) offsets(%arg21 : memref<64xi32, #tpu.memory_space<vmem>>) semaphore(%run_scoped3A_363 : memref<!tpu.dma_semaphore, #tpu.memory_space<semaphore_mem>>) {add = true}
          %dma_wait3A_367 = arith.constant 0 : i32
          %dma_wait3A_368 = arith.constant 0 : i32
          %dma_wait3A_369 = tpu.memref_slice %arg33[%dma_wait3A_367, %dma_wait3A_368] : memref<10240x128xf32, #tpu.memory_space<vmem_shared>> -> memref<10240x128xf32, #tpu.memory_space<vmem_shared>>
          tpu.wait_indirect_dma semaphore(%run_scoped3A_363 : memref<!tpu.dma_semaphore, #tpu.memory_space<semaphore_mem>>) src(%arg29 : memref<64x128xf32, #tpu.memory_space<vmem>>) dst(%dma_wait3A_369 : memref<10240x128xf32, #tpu.memory_space<vmem_shared>>)
          tpu.yield
        }) : () -> ()
        "tpu.region"() ({
          %run_scoped3A_363 = tpu.sem_alloc : memref<!tpu.dma_semaphore, #tpu.memory_space<semaphore_mem>>
          %dma_start3A_364 = arith.constant 0 : i32
          %dma_start3A_365 = tpu.memref_slice %arg34[%dma_start3A_364] : memref<10240xf32, #tpu.memory_space<vmem_shared>> -> memref<10240xf32, #tpu.memory_space<vmem_shared>>
          tpu.enqueue_indirect_dma source(%arg32 : memref<64xf32, #tpu.memory_space<vmem>>) target(%dma_start3A_365 : memref<10240xf32, #tpu.memory_space<vmem_shared>>) offsets(%arg21 : memref<64xi32, #tpu.memory_space<vmem>>) semaphore(%run_scoped3A_363 : memref<!tpu.dma_semaphore, #tpu.memory_space<semaphore_mem>>) {add = true}
          %dma_wait3A_366 = arith.constant 0 : i32
          %dma_wait3A_367 = tpu.memref_slice %arg34[%dma_wait3A_366] : memref<10240xf32, #tpu.memory_space<vmem_shared>> -> memref<10240xf32, #tpu.memory_space<vmem_shared>>
          tpu.wait_indirect_dma semaphore(%run_scoped3A_363 : memref<!tpu.dma_semaphore, #tpu.memory_space<semaphore_mem>>) src(%arg32 : memref<64xf32, #tpu.memory_space<vmem>>) dst(%dma_wait3A_367 : memref<10240xf32, #tpu.memory_space<vmem_shared>>)
          tpu.yield
        }) : () -> ()
        %add3A_219 = arith.constant 8 : i32
        %add3A_220 = arith.addi %add3A_208, %add3A_219 : i32
        %lt3A_221 = arith.constant 64 : i32
        %lt3A_222 = arith.cmpi slt, %add3A_220, %lt3A_221 : i32
        %convert_element_type3A_223 = arith.extui %lt3A_222 : i1 to i32
        %cond3A_224 = arith.constant 0 : i32
        %cond3A_225 = arith.cmpi ne, %convert_element_type3A_223, %cond3A_224 : i32
        scf.if %cond3A_225 {
          %add3A_363 = arith.constant 8 : i32
          %add3A_364 = arith.addi %add3A_208, %add3A_363 : i32
          %mul3A_365 = arith.constant 64 : i32
          %mul3A_366 = arith.muli %add3A_364, %mul3A_365 : i32
          %add3A_367 = arith.addi %add3A, %mul3A_366 : i32
          %dma_start3A_368 = tpu.memref_slice %arg2[%add3A_367] : memref<327680xi32, #tpu.memory_space<hbm>> -> memref<64xi32, #tpu.memory_space<hbm>>
          %dma_start3A_369 = tpu.memref_slice %arg2[%add3A_367] : memref<327680xi32, #tpu.memory_space<hbm>> -> memref<64xi32, #tpu.memory_space<hbm>>
          tpu.enqueue_dma source(%dma_start3A_369 : memref<64xi32, #tpu.memory_space<hbm>>) target(%arg13 : memref<64xi32, #tpu.memory_space<vmem>>) target_semaphore(%arg41 : memref<!tpu.dma_semaphore, #tpu.memory_space<semaphore_mem>>)
          %add3A_370 = arith.constant 8 : i32
          %add3A_371 = arith.addi %add3A_208, %add3A_370 : i32
          %mul3A_372 = arith.constant 64 : i32
          %mul3A_373 = arith.muli %add3A_371, %mul3A_372 : i32
          %add3A_374 = arith.addi %add3A, %mul3A_373 : i32
          %dma_start3A_375 = tpu.memref_slice %arg3[%add3A_374] : memref<327680xi32, #tpu.memory_space<hbm>> -> memref<64xi32, #tpu.memory_space<hbm>>
          %dma_start3A_376 = tpu.memref_slice %arg3[%add3A_374] : memref<327680xi32, #tpu.memory_space<hbm>> -> memref<64xi32, #tpu.memory_space<hbm>>
          tpu.enqueue_dma source(%dma_start3A_376 : memref<64xi32, #tpu.memory_space<hbm>>) target(%arg21 : memref<64xi32, #tpu.memory_space<vmem>>) target_semaphore(%arg49 : memref<!tpu.dma_semaphore, #tpu.memory_space<semaphore_mem>>)
        } else {
        }
        %add3A_226 = arith.constant 4 : i32
        %add3A_227 = arith.addi %add3A_208, %add3A_226 : i32
        %lt3A_228 = arith.constant 64 : i32
        %lt3A_229 = arith.cmpi slt, %add3A_227, %lt3A_228 : i32
        %convert_element_type3A_230 = arith.extui %lt3A_229 : i1 to i32
        %cond3A_231 = arith.constant 0 : i32
        %cond3A_232 = arith.cmpi ne, %convert_element_type3A_230, %cond3A_231 : i32
        scf.if %cond3A_232 {
          %dma_wait3A_363 = arith.constant 0 : i32
          %dma_wait3A_364 = tpu.memref_slice %arg2[%dma_wait3A_363] : memref<327680xi32, #tpu.memory_space<hbm>> -> memref<64xi32, #tpu.memory_space<hbm>>
          %dma_wait3A_365 = arith.constant 0 : i32
          %dma_wait3A_366 = tpu.memref_slice %arg2[%dma_wait3A_365] : memref<327680xi32, #tpu.memory_space<hbm>> -> memref<64xi32, #tpu.memory_space<hbm>>
          tpu.wait_dma2 semaphore(%arg45 : memref<!tpu.dma_semaphore, #tpu.memory_space<semaphore_mem>>) src(%dma_wait3A_366 : memref<64xi32, #tpu.memory_space<hbm>>) dst(%arg17 : memref<64xi32, #tpu.memory_space<vmem>>)
          %dma_start3A_367 = arith.constant 0 : i32
          %dma_start3A_368 = arith.constant 0 : i32
          %dma_start3A_369 = tpu.memref_slice %arg4[%dma_start3A_367, %dma_start3A_368] : memref<10240x128xf32, #tpu.memory_space<hbm>> -> memref<10240x128xf32, #tpu.memory_space<hbm>>
          tpu.enqueue_indirect_dma source(%dma_start3A_369 : memref<10240x128xf32, #tpu.memory_space<hbm>>) target(%arg29 : memref<64x128xf32, #tpu.memory_space<vmem>>) offsets(%arg17 : memref<64xi32, #tpu.memory_space<vmem>>) semaphore(%arg37 : memref<!tpu.dma_semaphore, #tpu.memory_space<semaphore_mem>>)
        } else {
        }
        %add3A_233 = arith.constant 3 : i32
        %add3A_234 = arith.addi %add3A_155, %add3A_233 : i32
        %dma_wait3A_235 = arith.constant 0 : i32
        %dma_wait3A_236 = arith.constant 0 : i32
        %dma_wait3A_237 = tpu.memref_slice %arg4[%dma_wait3A_235, %dma_wait3A_236] : memref<10240x128xf32, #tpu.memory_space<hbm>> -> memref<64x128xf32, #tpu.memory_space<hbm>>
        %dma_wait3A_238 = arith.constant 0 : i32
        %dma_wait3A_239 = arith.constant 0 : i32
        %dma_wait3A_240 = tpu.memref_slice %arg4[%dma_wait3A_238, %dma_wait3A_239] : memref<10240x128xf32, #tpu.memory_space<hbm>> -> memref<64x128xf32, #tpu.memory_space<hbm>>
        tpu.wait_dma2 semaphore(%arg38 : memref<!tpu.dma_semaphore, #tpu.memory_space<semaphore_mem>>) src(%dma_wait3A_240 : memref<64x128xf32, #tpu.memory_space<hbm>>) dst(%arg30 : memref<64x128xf32, #tpu.memory_space<vmem>>)
        %dma_wait3A_241 = arith.constant 0 : i32
        %dma_wait3A_242 = tpu.memref_slice %arg2[%dma_wait3A_241] : memref<327680xi32, #tpu.memory_space<hbm>> -> memref<64xi32, #tpu.memory_space<hbm>>
        %dma_wait3A_243 = arith.constant 0 : i32
        %dma_wait3A_244 = tpu.memref_slice %arg2[%dma_wait3A_243] : memref<327680xi32, #tpu.memory_space<hbm>> -> memref<64xi32, #tpu.memory_space<hbm>>
        tpu.wait_dma2 semaphore(%arg50 : memref<!tpu.dma_semaphore, #tpu.memory_space<semaphore_mem>>) src(%dma_wait3A_244 : memref<64xi32, #tpu.memory_space<hbm>>) dst(%arg22 : memref<64xi32, #tpu.memory_space<vmem>>)
        "tpu.region"() ({
          %run_scoped3A_363 = tpu.sem_alloc : memref<!tpu.dma_semaphore, #tpu.memory_space<semaphore_mem>>
          %dma_start3A_364 = arith.constant 0 : i32
          %dma_start3A_365 = arith.constant 0 : i32
          %dma_start3A_366 = tpu.memref_slice %arg33[%dma_start3A_364, %dma_start3A_365] : memref<10240x128xf32, #tpu.memory_space<vmem_shared>> -> memref<10240x128xf32, #tpu.memory_space<vmem_shared>>
          tpu.enqueue_indirect_dma source(%arg30 : memref<64x128xf32, #tpu.memory_space<vmem>>) target(%dma_start3A_366 : memref<10240x128xf32, #tpu.memory_space<vmem_shared>>) offsets(%arg22 : memref<64xi32, #tpu.memory_space<vmem>>) semaphore(%run_scoped3A_363 : memref<!tpu.dma_semaphore, #tpu.memory_space<semaphore_mem>>) {add = true}
          %dma_wait3A_367 = arith.constant 0 : i32
          %dma_wait3A_368 = arith.constant 0 : i32
          %dma_wait3A_369 = tpu.memref_slice %arg33[%dma_wait3A_367, %dma_wait3A_368] : memref<10240x128xf32, #tpu.memory_space<vmem_shared>> -> memref<10240x128xf32, #tpu.memory_space<vmem_shared>>
          tpu.wait_indirect_dma semaphore(%run_scoped3A_363 : memref<!tpu.dma_semaphore, #tpu.memory_space<semaphore_mem>>) src(%arg30 : memref<64x128xf32, #tpu.memory_space<vmem>>) dst(%dma_wait3A_369 : memref<10240x128xf32, #tpu.memory_space<vmem_shared>>)
          tpu.yield
        }) : () -> ()
        "tpu.region"() ({
          %run_scoped3A_363 = tpu.sem_alloc : memref<!tpu.dma_semaphore, #tpu.memory_space<semaphore_mem>>
          %dma_start3A_364 = arith.constant 0 : i32
          %dma_start3A_365 = tpu.memref_slice %arg34[%dma_start3A_364] : memref<10240xf32, #tpu.memory_space<vmem_shared>> -> memref<10240xf32, #tpu.memory_space<vmem_shared>>
          tpu.enqueue_indirect_dma source(%arg32 : memref<64xf32, #tpu.memory_space<vmem>>) target(%dma_start3A_365 : memref<10240xf32, #tpu.memory_space<vmem_shared>>) offsets(%arg22 : memref<64xi32, #tpu.memory_space<vmem>>) semaphore(%run_scoped3A_363 : memref<!tpu.dma_semaphore, #tpu.memory_space<semaphore_mem>>) {add = true}
          %dma_wait3A_366 = arith.constant 0 : i32
          %dma_wait3A_367 = tpu.memref_slice %arg34[%dma_wait3A_366] : memref<10240xf32, #tpu.memory_space<vmem_shared>> -> memref<10240xf32, #tpu.memory_space<vmem_shared>>
          tpu.wait_indirect_dma semaphore(%run_scoped3A_363 : memref<!tpu.dma_semaphore, #tpu.memory_space<semaphore_mem>>) src(%arg32 : memref<64xf32, #tpu.memory_space<vmem>>) dst(%dma_wait3A_367 : memref<10240xf32, #tpu.memory_space<vmem_shared>>)
          tpu.yield
        }) : () -> ()
        %add3A_245 = arith.constant 8 : i32
        %add3A_246 = arith.addi %add3A_234, %add3A_245 : i32
        %lt3A_247 = arith.constant 64 : i32
        %lt3A_248 = arith.cmpi slt, %add3A_246, %lt3A_247 : i32
        %convert_element_type3A_249 = arith.extui %lt3A_248 : i1 to i32
        %cond3A_250 = arith.constant 0 : i32
        %cond3A_251 = arith.cmpi ne, %convert_element_type3A_249, %cond3A_250 : i32
        scf.if %cond3A_251 {
          %add3A_363 = arith.constant 8 : i32
          %add3A_364 = arith.addi %add3A_234, %add3A_363 : i32
          %mul3A_365 = arith.constant 64 : i32
          %mul3A_366 = arith.muli %add3A_364, %mul3A_365 : i32
          %add3A_367 = arith.addi %add3A, %mul3A_366 : i32
          %dma_start3A_368 = tpu.memref_slice %arg2[%add3A_367] : memref<327680xi32, #tpu.memory_space<hbm>> -> memref<64xi32, #tpu.memory_space<hbm>>
          %dma_start3A_369 = tpu.memref_slice %arg2[%add3A_367] : memref<327680xi32, #tpu.memory_space<hbm>> -> memref<64xi32, #tpu.memory_space<hbm>>
          tpu.enqueue_dma source(%dma_start3A_369 : memref<64xi32, #tpu.memory_space<hbm>>) target(%arg14 : memref<64xi32, #tpu.memory_space<vmem>>) target_semaphore(%arg42 : memref<!tpu.dma_semaphore, #tpu.memory_space<semaphore_mem>>)
          %add3A_370 = arith.constant 8 : i32
          %add3A_371 = arith.addi %add3A_234, %add3A_370 : i32
          %mul3A_372 = arith.constant 64 : i32
          %mul3A_373 = arith.muli %add3A_371, %mul3A_372 : i32
          %add3A_374 = arith.addi %add3A, %mul3A_373 : i32
          %dma_start3A_375 = tpu.memref_slice %arg3[%add3A_374] : memref<327680xi32, #tpu.memory_space<hbm>> -> memref<64xi32, #tpu.memory_space<hbm>>
          %dma_start3A_376 = tpu.memref_slice %arg3[%add3A_374] : memref<327680xi32, #tpu.memory_space<hbm>> -> memref<64xi32, #tpu.memory_space<hbm>>
          tpu.enqueue_dma source(%dma_start3A_376 : memref<64xi32, #tpu.memory_space<hbm>>) target(%arg22 : memref<64xi32, #tpu.memory_space<vmem>>) target_semaphore(%arg50 : memref<!tpu.dma_semaphore, #tpu.memory_space<semaphore_mem>>)
        } else {
        }
        %add3A_252 = arith.constant 4 : i32
        %add3A_253 = arith.addi %add3A_234, %add3A_252 : i32
        %lt3A_254 = arith.constant 64 : i32
        %lt3A_255 = arith.cmpi slt, %add3A_253, %lt3A_254 : i32
        %convert_element_type3A_256 = arith.extui %lt3A_255 : i1 to i32
        %cond3A_257 = arith.constant 0 : i32
        %cond3A_258 = arith.cmpi ne, %convert_element_type3A_256, %cond3A_257 : i32
        scf.if %cond3A_258 {
          %dma_wait3A_363 = arith.constant 0 : i32
          %dma_wait3A_364 = tpu.memref_slice %arg2[%dma_wait3A_363] : memref<327680xi32, #tpu.memory_space<hbm>> -> memref<64xi32, #tpu.memory_space<hbm>>
          %dma_wait3A_365 = arith.constant 0 : i32
          %dma_wait3A_366 = tpu.memref_slice %arg2[%dma_wait3A_365] : memref<327680xi32, #tpu.memory_space<hbm>> -> memref<64xi32, #tpu.memory_space<hbm>>
          tpu.wait_dma2 semaphore(%arg46 : memref<!tpu.dma_semaphore, #tpu.memory_space<semaphore_mem>>) src(%dma_wait3A_366 : memref<64xi32, #tpu.memory_space<hbm>>) dst(%arg18 : memref<64xi32, #tpu.memory_space<vmem>>)
          %dma_start3A_367 = arith.constant 0 : i32
          %dma_start3A_368 = arith.constant 0 : i32
          %dma_start3A_369 = tpu.memref_slice %arg4[%dma_start3A_367, %dma_start3A_368] : memref<10240x128xf32, #tpu.memory_space<hbm>> -> memref<10240x128xf32, #tpu.memory_space<hbm>>
          tpu.enqueue_indirect_dma source(%dma_start3A_369 : memref<10240x128xf32, #tpu.memory_space<hbm>>) target(%arg30 : memref<64x128xf32, #tpu.memory_space<vmem>>) offsets(%arg18 : memref<64xi32, #tpu.memory_space<vmem>>) semaphore(%arg38 : memref<!tpu.dma_semaphore, #tpu.memory_space<semaphore_mem>>)
        } else {
        }
        %add3A_259 = arith.constant 4 : i32
        %add3A_260 = arith.addi %add3A_155, %add3A_259 : i32
        %dma_wait3A_261 = arith.constant 0 : i32
        %dma_wait3A_262 = arith.constant 0 : i32
        %dma_wait3A_263 = tpu.memref_slice %arg4[%dma_wait3A_261, %dma_wait3A_262] : memref<10240x128xf32, #tpu.memory_space<hbm>> -> memref<64x128xf32, #tpu.memory_space<hbm>>
        %dma_wait3A_264 = arith.constant 0 : i32
        %dma_wait3A_265 = arith.constant 0 : i32
        %dma_wait3A_266 = tpu.memref_slice %arg4[%dma_wait3A_264, %dma_wait3A_265] : memref<10240x128xf32, #tpu.memory_space<hbm>> -> memref<64x128xf32, #tpu.memory_space<hbm>>
        tpu.wait_dma2 semaphore(%arg35 : memref<!tpu.dma_semaphore, #tpu.memory_space<semaphore_mem>>) src(%dma_wait3A_266 : memref<64x128xf32, #tpu.memory_space<hbm>>) dst(%arg27 : memref<64x128xf32, #tpu.memory_space<vmem>>)
        %dma_wait3A_267 = arith.constant 0 : i32
        %dma_wait3A_268 = tpu.memref_slice %arg2[%dma_wait3A_267] : memref<327680xi32, #tpu.memory_space<hbm>> -> memref<64xi32, #tpu.memory_space<hbm>>
        %dma_wait3A_269 = arith.constant 0 : i32
        %dma_wait3A_270 = tpu.memref_slice %arg2[%dma_wait3A_269] : memref<327680xi32, #tpu.memory_space<hbm>> -> memref<64xi32, #tpu.memory_space<hbm>>
        tpu.wait_dma2 semaphore(%arg51 : memref<!tpu.dma_semaphore, #tpu.memory_space<semaphore_mem>>) src(%dma_wait3A_270 : memref<64xi32, #tpu.memory_space<hbm>>) dst(%arg23 : memref<64xi32, #tpu.memory_space<vmem>>)
        "tpu.region"() ({
          %run_scoped3A_363 = tpu.sem_alloc : memref<!tpu.dma_semaphore, #tpu.memory_space<semaphore_mem>>
          %dma_start3A_364 = arith.constant 0 : i32
          %dma_start3A_365 = arith.constant 0 : i32
          %dma_start3A_366 = tpu.memref_slice %arg33[%dma_start3A_364, %dma_start3A_365] : memref<10240x128xf32, #tpu.memory_space<vmem_shared>> -> memref<10240x128xf32, #tpu.memory_space<vmem_shared>>
          tpu.enqueue_indirect_dma source(%arg27 : memref<64x128xf32, #tpu.memory_space<vmem>>) target(%dma_start3A_366 : memref<10240x128xf32, #tpu.memory_space<vmem_shared>>) offsets(%arg23 : memref<64xi32, #tpu.memory_space<vmem>>) semaphore(%run_scoped3A_363 : memref<!tpu.dma_semaphore, #tpu.memory_space<semaphore_mem>>) {add = true}
          %dma_wait3A_367 = arith.constant 0 : i32
          %dma_wait3A_368 = arith.constant 0 : i32
          %dma_wait3A_369 = tpu.memref_slice %arg33[%dma_wait3A_367, %dma_wait3A_368] : memref<10240x128xf32, #tpu.memory_space<vmem_shared>> -> memref<10240x128xf32, #tpu.memory_space<vmem_shared>>
          tpu.wait_indirect_dma semaphore(%run_scoped3A_363 : memref<!tpu.dma_semaphore, #tpu.memory_space<semaphore_mem>>) src(%arg27 : memref<64x128xf32, #tpu.memory_space<vmem>>) dst(%dma_wait3A_369 : memref<10240x128xf32, #tpu.memory_space<vmem_shared>>)
          tpu.yield
        }) : () -> ()
        "tpu.region"() ({
          %run_scoped3A_363 = tpu.sem_alloc : memref<!tpu.dma_semaphore, #tpu.memory_space<semaphore_mem>>
          %dma_start3A_364 = arith.constant 0 : i32
          %dma_start3A_365 = tpu.memref_slice %arg34[%dma_start3A_364] : memref<10240xf32, #tpu.memory_space<vmem_shared>> -> memref<10240xf32, #tpu.memory_space<vmem_shared>>
          tpu.enqueue_indirect_dma source(%arg32 : memref<64xf32, #tpu.memory_space<vmem>>) target(%dma_start3A_365 : memref<10240xf32, #tpu.memory_space<vmem_shared>>) offsets(%arg23 : memref<64xi32, #tpu.memory_space<vmem>>) semaphore(%run_scoped3A_363 : memref<!tpu.dma_semaphore, #tpu.memory_space<semaphore_mem>>) {add = true}
          %dma_wait3A_366 = arith.constant 0 : i32
          %dma_wait3A_367 = tpu.memref_slice %arg34[%dma_wait3A_366] : memref<10240xf32, #tpu.memory_space<vmem_shared>> -> memref<10240xf32, #tpu.memory_space<vmem_shared>>
          tpu.wait_indirect_dma semaphore(%run_scoped3A_363 : memref<!tpu.dma_semaphore, #tpu.memory_space<semaphore_mem>>) src(%arg32 : memref<64xf32, #tpu.memory_space<vmem>>) dst(%dma_wait3A_367 : memref<10240xf32, #tpu.memory_space<vmem_shared>>)
          tpu.yield
        }) : () -> ()
        %add3A_271 = arith.constant 8 : i32
        %add3A_272 = arith.addi %add3A_260, %add3A_271 : i32
        %lt3A_273 = arith.constant 64 : i32
        %lt3A_274 = arith.cmpi slt, %add3A_272, %lt3A_273 : i32
        %convert_element_type3A_275 = arith.extui %lt3A_274 : i1 to i32
        %cond3A_276 = arith.constant 0 : i32
        %cond3A_277 = arith.cmpi ne, %convert_element_type3A_275, %cond3A_276 : i32
        scf.if %cond3A_277 {
          %add3A_363 = arith.constant 8 : i32
          %add3A_364 = arith.addi %add3A_260, %add3A_363 : i32
          %mul3A_365 = arith.constant 64 : i32
          %mul3A_366 = arith.muli %add3A_364, %mul3A_365 : i32
          %add3A_367 = arith.addi %add3A, %mul3A_366 : i32
          %dma_start3A_368 = tpu.memref_slice %arg2[%add3A_367] : memref<327680xi32, #tpu.memory_space<hbm>> -> memref<64xi32, #tpu.memory_space<hbm>>
          %dma_start3A_369 = tpu.memref_slice %arg2[%add3A_367] : memref<327680xi32, #tpu.memory_space<hbm>> -> memref<64xi32, #tpu.memory_space<hbm>>
          tpu.enqueue_dma source(%dma_start3A_369 : memref<64xi32, #tpu.memory_space<hbm>>) target(%arg15 : memref<64xi32, #tpu.memory_space<vmem>>) target_semaphore(%arg43 : memref<!tpu.dma_semaphore, #tpu.memory_space<semaphore_mem>>)
          %add3A_370 = arith.constant 8 : i32
          %add3A_371 = arith.addi %add3A_260, %add3A_370 : i32
          %mul3A_372 = arith.constant 64 : i32
          %mul3A_373 = arith.muli %add3A_371, %mul3A_372 : i32
          %add3A_374 = arith.addi %add3A, %mul3A_373 : i32
          %dma_start3A_375 = tpu.memref_slice %arg3[%add3A_374] : memref<327680xi32, #tpu.memory_space<hbm>> -> memref<64xi32, #tpu.memory_space<hbm>>
          %dma_start3A_376 = tpu.memref_slice %arg3[%add3A_374] : memref<327680xi32, #tpu.memory_space<hbm>> -> memref<64xi32, #tpu.memory_space<hbm>>
          tpu.enqueue_dma source(%dma_start3A_376 : memref<64xi32, #tpu.memory_space<hbm>>) target(%arg23 : memref<64xi32, #tpu.memory_space<vmem>>) target_semaphore(%arg51 : memref<!tpu.dma_semaphore, #tpu.memory_space<semaphore_mem>>)
        } else {
        }
        %add3A_278 = arith.constant 4 : i32
        %add3A_279 = arith.addi %add3A_260, %add3A_278 : i32
        %lt3A_280 = arith.constant 64 : i32
        %lt3A_281 = arith.cmpi slt, %add3A_279, %lt3A_280 : i32
        %convert_element_type3A_282 = arith.extui %lt3A_281 : i1 to i32
        %cond3A_283 = arith.constant 0 : i32
        %cond3A_284 = arith.cmpi ne, %convert_element_type3A_282, %cond3A_283 : i32
        scf.if %cond3A_284 {
          %dma_wait3A_363 = arith.constant 0 : i32
          %dma_wait3A_364 = tpu.memref_slice %arg2[%dma_wait3A_363] : memref<327680xi32, #tpu.memory_space<hbm>> -> memref<64xi32, #tpu.memory_space<hbm>>
          %dma_wait3A_365 = arith.constant 0 : i32
          %dma_wait3A_366 = tpu.memref_slice %arg2[%dma_wait3A_365] : memref<327680xi32, #tpu.memory_space<hbm>> -> memref<64xi32, #tpu.memory_space<hbm>>
          tpu.wait_dma2 semaphore(%arg39 : memref<!tpu.dma_semaphore, #tpu.memory_space<semaphore_mem>>) src(%dma_wait3A_366 : memref<64xi32, #tpu.memory_space<hbm>>) dst(%arg11 : memref<64xi32, #tpu.memory_space<vmem>>)
          %dma_start3A_367 = arith.constant 0 : i32
          %dma_start3A_368 = arith.constant 0 : i32
          %dma_start3A_369 = tpu.memref_slice %arg4[%dma_start3A_367, %dma_start3A_368] : memref<10240x128xf32, #tpu.memory_space<hbm>> -> memref<10240x128xf32, #tpu.memory_space<hbm>>
          tpu.enqueue_indirect_dma source(%dma_start3A_369 : memref<10240x128xf32, #tpu.memory_space<hbm>>) target(%arg27 : memref<64x128xf32, #tpu.memory_space<vmem>>) offsets(%arg11 : memref<64xi32, #tpu.memory_space<vmem>>) semaphore(%arg35 : memref<!tpu.dma_semaphore, #tpu.memory_space<semaphore_mem>>)
        } else {
        }
        %add3A_285 = arith.constant 5 : i32
        %add3A_286 = arith.addi %add3A_155, %add3A_285 : i32
        %dma_wait3A_287 = arith.constant 0 : i32
        %dma_wait3A_288 = arith.constant 0 : i32
        %dma_wait3A_289 = tpu.memref_slice %arg4[%dma_wait3A_287, %dma_wait3A_288] : memref<10240x128xf32, #tpu.memory_space<hbm>> -> memref<64x128xf32, #tpu.memory_space<hbm>>
        %dma_wait3A_290 = arith.constant 0 : i32
        %dma_wait3A_291 = arith.constant 0 : i32
        %dma_wait3A_292 = tpu.memref_slice %arg4[%dma_wait3A_290, %dma_wait3A_291] : memref<10240x128xf32, #tpu.memory_space<hbm>> -> memref<64x128xf32, #tpu.memory_space<hbm>>
        tpu.wait_dma2 semaphore(%arg36 : memref<!tpu.dma_semaphore, #tpu.memory_space<semaphore_mem>>) src(%dma_wait3A_292 : memref<64x128xf32, #tpu.memory_space<hbm>>) dst(%arg28 : memref<64x128xf32, #tpu.memory_space<vmem>>)
        %dma_wait3A_293 = arith.constant 0 : i32
        %dma_wait3A_294 = tpu.memref_slice %arg2[%dma_wait3A_293] : memref<327680xi32, #tpu.memory_space<hbm>> -> memref<64xi32, #tpu.memory_space<hbm>>
        %dma_wait3A_295 = arith.constant 0 : i32
        %dma_wait3A_296 = tpu.memref_slice %arg2[%dma_wait3A_295] : memref<327680xi32, #tpu.memory_space<hbm>> -> memref<64xi32, #tpu.memory_space<hbm>>
        tpu.wait_dma2 semaphore(%arg52 : memref<!tpu.dma_semaphore, #tpu.memory_space<semaphore_mem>>) src(%dma_wait3A_296 : memref<64xi32, #tpu.memory_space<hbm>>) dst(%arg24 : memref<64xi32, #tpu.memory_space<vmem>>)
        "tpu.region"() ({
          %run_scoped3A_363 = tpu.sem_alloc : memref<!tpu.dma_semaphore, #tpu.memory_space<semaphore_mem>>
          %dma_start3A_364 = arith.constant 0 : i32
          %dma_start3A_365 = arith.constant 0 : i32
          %dma_start3A_366 = tpu.memref_slice %arg33[%dma_start3A_364, %dma_start3A_365] : memref<10240x128xf32, #tpu.memory_space<vmem_shared>> -> memref<10240x128xf32, #tpu.memory_space<vmem_shared>>
          tpu.enqueue_indirect_dma source(%arg28 : memref<64x128xf32, #tpu.memory_space<vmem>>) target(%dma_start3A_366 : memref<10240x128xf32, #tpu.memory_space<vmem_shared>>) offsets(%arg24 : memref<64xi32, #tpu.memory_space<vmem>>) semaphore(%run_scoped3A_363 : memref<!tpu.dma_semaphore, #tpu.memory_space<semaphore_mem>>) {add = true}
          %dma_wait3A_367 = arith.constant 0 : i32
          %dma_wait3A_368 = arith.constant 0 : i32
          %dma_wait3A_369 = tpu.memref_slice %arg33[%dma_wait3A_367, %dma_wait3A_368] : memref<10240x128xf32, #tpu.memory_space<vmem_shared>> -> memref<10240x128xf32, #tpu.memory_space<vmem_shared>>
          tpu.wait_indirect_dma semaphore(%run_scoped3A_363 : memref<!tpu.dma_semaphore, #tpu.memory_space<semaphore_mem>>) src(%arg28 : memref<64x128xf32, #tpu.memory_space<vmem>>) dst(%dma_wait3A_369 : memref<10240x128xf32, #tpu.memory_space<vmem_shared>>)
          tpu.yield
        }) : () -> ()
        "tpu.region"() ({
          %run_scoped3A_363 = tpu.sem_alloc : memref<!tpu.dma_semaphore, #tpu.memory_space<semaphore_mem>>
          %dma_start3A_364 = arith.constant 0 : i32
          %dma_start3A_365 = tpu.memref_slice %arg34[%dma_start3A_364] : memref<10240xf32, #tpu.memory_space<vmem_shared>> -> memref<10240xf32, #tpu.memory_space<vmem_shared>>
          tpu.enqueue_indirect_dma source(%arg32 : memref<64xf32, #tpu.memory_space<vmem>>) target(%dma_start3A_365 : memref<10240xf32, #tpu.memory_space<vmem_shared>>) offsets(%arg24 : memref<64xi32, #tpu.memory_space<vmem>>) semaphore(%run_scoped3A_363 : memref<!tpu.dma_semaphore, #tpu.memory_space<semaphore_mem>>) {add = true}
          %dma_wait3A_366 = arith.constant 0 : i32
          %dma_wait3A_367 = tpu.memref_slice %arg34[%dma_wait3A_366] : memref<10240xf32, #tpu.memory_space<vmem_shared>> -> memref<10240xf32, #tpu.memory_space<vmem_shared>>
          tpu.wait_indirect_dma semaphore(%run_scoped3A_363 : memref<!tpu.dma_semaphore, #tpu.memory_space<semaphore_mem>>) src(%arg32 : memref<64xf32, #tpu.memory_space<vmem>>) dst(%dma_wait3A_367 : memref<10240xf32, #tpu.memory_space<vmem_shared>>)
          tpu.yield
        }) : () -> ()
        %add3A_297 = arith.constant 8 : i32
        %add3A_298 = arith.addi %add3A_286, %add3A_297 : i32
        %lt3A_299 = arith.constant 64 : i32
        %lt3A_300 = arith.cmpi slt, %add3A_298, %lt3A_299 : i32
        %convert_element_type3A_301 = arith.extui %lt3A_300 : i1 to i32
        %cond3A_302 = arith.constant 0 : i32
        %cond3A_303 = arith.cmpi ne, %convert_element_type3A_301, %cond3A_302 : i32
        scf.if %cond3A_303 {
          %add3A_363 = arith.constant 8 : i32
          %add3A_364 = arith.addi %add3A_286, %add3A_363 : i32
          %mul3A_365 = arith.constant 64 : i32
          %mul3A_366 = arith.muli %add3A_364, %mul3A_365 : i32
          %add3A_367 = arith.addi %add3A, %mul3A_366 : i32
          %dma_start3A_368 = tpu.memref_slice %arg2[%add3A_367] : memref<327680xi32, #tpu.memory_space<hbm>> -> memref<64xi32, #tpu.memory_space<hbm>>
          %dma_start3A_369 = tpu.memref_slice %arg2[%add3A_367] : memref<327680xi32, #tpu.memory_space<hbm>> -> memref<64xi32, #tpu.memory_space<hbm>>
          tpu.enqueue_dma source(%dma_start3A_369 : memref<64xi32, #tpu.memory_space<hbm>>) target(%arg16 : memref<64xi32, #tpu.memory_space<vmem>>) target_semaphore(%arg44 : memref<!tpu.dma_semaphore, #tpu.memory_space<semaphore_mem>>)
          %add3A_370 = arith.constant 8 : i32
          %add3A_371 = arith.addi %add3A_286, %add3A_370 : i32
          %mul3A_372 = arith.constant 64 : i32
          %mul3A_373 = arith.muli %add3A_371, %mul3A_372 : i32
          %add3A_374 = arith.addi %add3A, %mul3A_373 : i32
          %dma_start3A_375 = tpu.memref_slice %arg3[%add3A_374] : memref<327680xi32, #tpu.memory_space<hbm>> -> memref<64xi32, #tpu.memory_space<hbm>>
          %dma_start3A_376 = tpu.memref_slice %arg3[%add3A_374] : memref<327680xi32, #tpu.memory_space<hbm>> -> memref<64xi32, #tpu.memory_space<hbm>>
          tpu.enqueue_dma source(%dma_start3A_376 : memref<64xi32, #tpu.memory_space<hbm>>) target(%arg24 : memref<64xi32, #tpu.memory_space<vmem>>) target_semaphore(%arg52 : memref<!tpu.dma_semaphore, #tpu.memory_space<semaphore_mem>>)
        } else {
        }
        %add3A_304 = arith.constant 4 : i32
        %add3A_305 = arith.addi %add3A_286, %add3A_304 : i32
        %lt3A_306 = arith.constant 64 : i32
        %lt3A_307 = arith.cmpi slt, %add3A_305, %lt3A_306 : i32
        %convert_element_type3A_308 = arith.extui %lt3A_307 : i1 to i32
        %cond3A_309 = arith.constant 0 : i32
        %cond3A_310 = arith.cmpi ne, %convert_element_type3A_308, %cond3A_309 : i32
        scf.if %cond3A_310 {
          %dma_wait3A_363 = arith.constant 0 : i32
          %dma_wait3A_364 = tpu.memref_slice %arg2[%dma_wait3A_363] : memref<327680xi32, #tpu.memory_space<hbm>> -> memref<64xi32, #tpu.memory_space<hbm>>
          %dma_wait3A_365 = arith.constant 0 : i32
          %dma_wait3A_366 = tpu.memref_slice %arg2[%dma_wait3A_365] : memref<327680xi32, #tpu.memory_space<hbm>> -> memref<64xi32, #tpu.memory_space<hbm>>
          tpu.wait_dma2 semaphore(%arg40 : memref<!tpu.dma_semaphore, #tpu.memory_space<semaphore_mem>>) src(%dma_wait3A_366 : memref<64xi32, #tpu.memory_space<hbm>>) dst(%arg12 : memref<64xi32, #tpu.memory_space<vmem>>)
          %dma_start3A_367 = arith.constant 0 : i32
          %dma_start3A_368 = arith.constant 0 : i32
          %dma_start3A_369 = tpu.memref_slice %arg4[%dma_start3A_367, %dma_start3A_368] : memref<10240x128xf32, #tpu.memory_space<hbm>> -> memref<10240x128xf32, #tpu.memory_space<hbm>>
          tpu.enqueue_indirect_dma source(%dma_start3A_369 : memref<10240x128xf32, #tpu.memory_space<hbm>>) target(%arg28 : memref<64x128xf32, #tpu.memory_space<vmem>>) offsets(%arg12 : memref<64xi32, #tpu.memory_space<vmem>>) semaphore(%arg36 : memref<!tpu.dma_semaphore, #tpu.memory_space<semaphore_mem>>)
        } else {
        }
        %add3A_311 = arith.constant 6 : i32
        %add3A_312 = arith.addi %add3A_155, %add3A_311 : i32
        %dma_wait3A_313 = arith.constant 0 : i32
        %dma_wait3A_314 = arith.constant 0 : i32
        %dma_wait3A_315 = tpu.memref_slice %arg4[%dma_wait3A_313, %dma_wait3A_314] : memref<10240x128xf32, #tpu.memory_space<hbm>> -> memref<64x128xf32, #tpu.memory_space<hbm>>
        %dma_wait3A_316 = arith.constant 0 : i32
        %dma_wait3A_317 = arith.constant 0 : i32
        %dma_wait3A_318 = tpu.memref_slice %arg4[%dma_wait3A_316, %dma_wait3A_317] : memref<10240x128xf32, #tpu.memory_space<hbm>> -> memref<64x128xf32, #tpu.memory_space<hbm>>
        tpu.wait_dma2 semaphore(%arg37 : memref<!tpu.dma_semaphore, #tpu.memory_space<semaphore_mem>>) src(%dma_wait3A_318 : memref<64x128xf32, #tpu.memory_space<hbm>>) dst(%arg29 : memref<64x128xf32, #tpu.memory_space<vmem>>)
        %dma_wait3A_319 = arith.constant 0 : i32
        %dma_wait3A_320 = tpu.memref_slice %arg2[%dma_wait3A_319] : memref<327680xi32, #tpu.memory_space<hbm>> -> memref<64xi32, #tpu.memory_space<hbm>>
        %dma_wait3A_321 = arith.constant 0 : i32
        %dma_wait3A_322 = tpu.memref_slice %arg2[%dma_wait3A_321] : memref<327680xi32, #tpu.memory_space<hbm>> -> memref<64xi32, #tpu.memory_space<hbm>>
        tpu.wait_dma2 semaphore(%arg53 : memref<!tpu.dma_semaphore, #tpu.memory_space<semaphore_mem>>) src(%dma_wait3A_322 : memref<64xi32, #tpu.memory_space<hbm>>) dst(%arg25 : memref<64xi32, #tpu.memory_space<vmem>>)
        "tpu.region"() ({
          %run_scoped3A_363 = tpu.sem_alloc : memref<!tpu.dma_semaphore, #tpu.memory_space<semaphore_mem>>
          %dma_start3A_364 = arith.constant 0 : i32
          %dma_start3A_365 = arith.constant 0 : i32
          %dma_start3A_366 = tpu.memref_slice %arg33[%dma_start3A_364, %dma_start3A_365] : memref<10240x128xf32, #tpu.memory_space<vmem_shared>> -> memref<10240x128xf32, #tpu.memory_space<vmem_shared>>
          tpu.enqueue_indirect_dma source(%arg29 : memref<64x128xf32, #tpu.memory_space<vmem>>) target(%dma_start3A_366 : memref<10240x128xf32, #tpu.memory_space<vmem_shared>>) offsets(%arg25 : memref<64xi32, #tpu.memory_space<vmem>>) semaphore(%run_scoped3A_363 : memref<!tpu.dma_semaphore, #tpu.memory_space<semaphore_mem>>) {add = true}
          %dma_wait3A_367 = arith.constant 0 : i32
          %dma_wait3A_368 = arith.constant 0 : i32
          %dma_wait3A_369 = tpu.memref_slice %arg33[%dma_wait3A_367, %dma_wait3A_368] : memref<10240x128xf32, #tpu.memory_space<vmem_shared>> -> memref<10240x128xf32, #tpu.memory_space<vmem_shared>>
          tpu.wait_indirect_dma semaphore(%run_scoped3A_363 : memref<!tpu.dma_semaphore, #tpu.memory_space<semaphore_mem>>) src(%arg29 : memref<64x128xf32, #tpu.memory_space<vmem>>) dst(%dma_wait3A_369 : memref<10240x128xf32, #tpu.memory_space<vmem_shared>>)
          tpu.yield
        }) : () -> ()
        "tpu.region"() ({
          %run_scoped3A_363 = tpu.sem_alloc : memref<!tpu.dma_semaphore, #tpu.memory_space<semaphore_mem>>
          %dma_start3A_364 = arith.constant 0 : i32
          %dma_start3A_365 = tpu.memref_slice %arg34[%dma_start3A_364] : memref<10240xf32, #tpu.memory_space<vmem_shared>> -> memref<10240xf32, #tpu.memory_space<vmem_shared>>
          tpu.enqueue_indirect_dma source(%arg32 : memref<64xf32, #tpu.memory_space<vmem>>) target(%dma_start3A_365 : memref<10240xf32, #tpu.memory_space<vmem_shared>>) offsets(%arg25 : memref<64xi32, #tpu.memory_space<vmem>>) semaphore(%run_scoped3A_363 : memref<!tpu.dma_semaphore, #tpu.memory_space<semaphore_mem>>) {add = true}
          %dma_wait3A_366 = arith.constant 0 : i32
          %dma_wait3A_367 = tpu.memref_slice %arg34[%dma_wait3A_366] : memref<10240xf32, #tpu.memory_space<vmem_shared>> -> memref<10240xf32, #tpu.memory_space<vmem_shared>>
          tpu.wait_indirect_dma semaphore(%run_scoped3A_363 : memref<!tpu.dma_semaphore, #tpu.memory_space<semaphore_mem>>) src(%arg32 : memref<64xf32, #tpu.memory_space<vmem>>) dst(%dma_wait3A_367 : memref<10240xf32, #tpu.memory_space<vmem_shared>>)
          tpu.yield
        }) : () -> ()
        %add3A_323 = arith.constant 8 : i32
        %add3A_324 = arith.addi %add3A_312, %add3A_323 : i32
        %lt3A_325 = arith.constant 64 : i32
        %lt3A_326 = arith.cmpi slt, %add3A_324, %lt3A_325 : i32
        %convert_element_type3A_327 = arith.extui %lt3A_326 : i1 to i32
        %cond3A_328 = arith.constant 0 : i32
        %cond3A_329 = arith.cmpi ne, %convert_element_type3A_327, %cond3A_328 : i32
        scf.if %cond3A_329 {
          %add3A_363 = arith.constant 8 : i32
          %add3A_364 = arith.addi %add3A_312, %add3A_363 : i32
          %mul3A_365 = arith.constant 64 : i32
          %mul3A_366 = arith.muli %add3A_364, %mul3A_365 : i32
          %add3A_367 = arith.addi %add3A, %mul3A_366 : i32
          %dma_start3A_368 = tpu.memref_slice %arg2[%add3A_367] : memref<327680xi32, #tpu.memory_space<hbm>> -> memref<64xi32, #tpu.memory_space<hbm>>
          %dma_start3A_369 = tpu.memref_slice %arg2[%add3A_367] : memref<327680xi32, #tpu.memory_space<hbm>> -> memref<64xi32, #tpu.memory_space<hbm>>
          tpu.enqueue_dma source(%dma_start3A_369 : memref<64xi32, #tpu.memory_space<hbm>>) target(%arg17 : memref<64xi32, #tpu.memory_space<vmem>>) target_semaphore(%arg45 : memref<!tpu.dma_semaphore, #tpu.memory_space<semaphore_mem>>)
          %add3A_370 = arith.constant 8 : i32
          %add3A_371 = arith.addi %add3A_312, %add3A_370 : i32
          %mul3A_372 = arith.constant 64 : i32
          %mul3A_373 = arith.muli %add3A_371, %mul3A_372 : i32
          %add3A_374 = arith.addi %add3A, %mul3A_373 : i32
          %dma_start3A_375 = tpu.memref_slice %arg3[%add3A_374] : memref<327680xi32, #tpu.memory_space<hbm>> -> memref<64xi32, #tpu.memory_space<hbm>>
          %dma_start3A_376 = tpu.memref_slice %arg3[%add3A_374] : memref<327680xi32, #tpu.memory_space<hbm>> -> memref<64xi32, #tpu.memory_space<hbm>>
          tpu.enqueue_dma source(%dma_start3A_376 : memref<64xi32, #tpu.memory_space<hbm>>) target(%arg25 : memref<64xi32, #tpu.memory_space<vmem>>) target_semaphore(%arg53 : memref<!tpu.dma_semaphore, #tpu.memory_space<semaphore_mem>>)
        } else {
        }
        %add3A_330 = arith.constant 4 : i32
        %add3A_331 = arith.addi %add3A_312, %add3A_330 : i32
        %lt3A_332 = arith.constant 64 : i32
        %lt3A_333 = arith.cmpi slt, %add3A_331, %lt3A_332 : i32
        %convert_element_type3A_334 = arith.extui %lt3A_333 : i1 to i32
        %cond3A_335 = arith.constant 0 : i32
        %cond3A_336 = arith.cmpi ne, %convert_element_type3A_334, %cond3A_335 : i32
        scf.if %cond3A_336 {
          %dma_wait3A_363 = arith.constant 0 : i32
          %dma_wait3A_364 = tpu.memref_slice %arg2[%dma_wait3A_363] : memref<327680xi32, #tpu.memory_space<hbm>> -> memref<64xi32, #tpu.memory_space<hbm>>
          %dma_wait3A_365 = arith.constant 0 : i32
          %dma_wait3A_366 = tpu.memref_slice %arg2[%dma_wait3A_365] : memref<327680xi32, #tpu.memory_space<hbm>> -> memref<64xi32, #tpu.memory_space<hbm>>
          tpu.wait_dma2 semaphore(%arg41 : memref<!tpu.dma_semaphore, #tpu.memory_space<semaphore_mem>>) src(%dma_wait3A_366 : memref<64xi32, #tpu.memory_space<hbm>>) dst(%arg13 : memref<64xi32, #tpu.memory_space<vmem>>)
          %dma_start3A_367 = arith.constant 0 : i32
          %dma_start3A_368 = arith.constant 0 : i32
          %dma_start3A_369 = tpu.memref_slice %arg4[%dma_start3A_367, %dma_start3A_368] : memref<10240x128xf32, #tpu.memory_space<hbm>> -> memref<10240x128xf32, #tpu.memory_space<hbm>>
          tpu.enqueue_indirect_dma source(%dma_start3A_369 : memref<10240x128xf32, #tpu.memory_space<hbm>>) target(%arg29 : memref<64x128xf32, #tpu.memory_space<vmem>>) offsets(%arg13 : memref<64xi32, #tpu.memory_space<vmem>>) semaphore(%arg37 : memref<!tpu.dma_semaphore, #tpu.memory_space<semaphore_mem>>)
        } else {
        }
        %add3A_337 = arith.constant 7 : i32
        %add3A_338 = arith.addi %add3A_155, %add3A_337 : i32
        %dma_wait3A_339 = arith.constant 0 : i32
        %dma_wait3A_340 = arith.constant 0 : i32
        %dma_wait3A_341 = tpu.memref_slice %arg4[%dma_wait3A_339, %dma_wait3A_340] : memref<10240x128xf32, #tpu.memory_space<hbm>> -> memref<64x128xf32, #tpu.memory_space<hbm>>
        %dma_wait3A_342 = arith.constant 0 : i32
        %dma_wait3A_343 = arith.constant 0 : i32
        %dma_wait3A_344 = tpu.memref_slice %arg4[%dma_wait3A_342, %dma_wait3A_343] : memref<10240x128xf32, #tpu.memory_space<hbm>> -> memref<64x128xf32, #tpu.memory_space<hbm>>
        tpu.wait_dma2 semaphore(%arg38 : memref<!tpu.dma_semaphore, #tpu.memory_space<semaphore_mem>>) src(%dma_wait3A_344 : memref<64x128xf32, #tpu.memory_space<hbm>>) dst(%arg30 : memref<64x128xf32, #tpu.memory_space<vmem>>)
        %dma_wait3A_345 = arith.constant 0 : i32
        %dma_wait3A_346 = tpu.memref_slice %arg2[%dma_wait3A_345] : memref<327680xi32, #tpu.memory_space<hbm>> -> memref<64xi32, #tpu.memory_space<hbm>>
        %dma_wait3A_347 = arith.constant 0 : i32
        %dma_wait3A_348 = tpu.memref_slice %arg2[%dma_wait3A_347] : memref<327680xi32, #tpu.memory_space<hbm>> -> memref<64xi32, #tpu.memory_space<hbm>>
        tpu.wait_dma2 semaphore(%arg54 : memref<!tpu.dma_semaphore, #tpu.memory_space<semaphore_mem>>) src(%dma_wait3A_348 : memref<64xi32, #tpu.memory_space<hbm>>) dst(%arg26 : memref<64xi32, #tpu.memory_space<vmem>>)
        "tpu.region"() ({
          %run_scoped3A_363 = tpu.sem_alloc : memref<!tpu.dma_semaphore, #tpu.memory_space<semaphore_mem>>
          %dma_start3A_364 = arith.constant 0 : i32
          %dma_start3A_365 = arith.constant 0 : i32
          %dma_start3A_366 = tpu.memref_slice %arg33[%dma_start3A_364, %dma_start3A_365] : memref<10240x128xf32, #tpu.memory_space<vmem_shared>> -> memref<10240x128xf32, #tpu.memory_space<vmem_shared>>
          tpu.enqueue_indirect_dma source(%arg30 : memref<64x128xf32, #tpu.memory_space<vmem>>) target(%dma_start3A_366 : memref<10240x128xf32, #tpu.memory_space<vmem_shared>>) offsets(%arg26 : memref<64xi32, #tpu.memory_space<vmem>>) semaphore(%run_scoped3A_363 : memref<!tpu.dma_semaphore, #tpu.memory_space<semaphore_mem>>) {add = true}
          %dma_wait3A_367 = arith.constant 0 : i32
          %dma_wait3A_368 = arith.constant 0 : i32
          %dma_wait3A_369 = tpu.memref_slice %arg33[%dma_wait3A_367, %dma_wait3A_368] : memref<10240x128xf32, #tpu.memory_space<vmem_shared>> -> memref<10240x128xf32, #tpu.memory_space<vmem_shared>>
          tpu.wait_indirect_dma semaphore(%run_scoped3A_363 : memref<!tpu.dma_semaphore, #tpu.memory_space<semaphore_mem>>) src(%arg30 : memref<64x128xf32, #tpu.memory_space<vmem>>) dst(%dma_wait3A_369 : memref<10240x128xf32, #tpu.memory_space<vmem_shared>>)
          tpu.yield
        }) : () -> ()
        "tpu.region"() ({
          %run_scoped3A_363 = tpu.sem_alloc : memref<!tpu.dma_semaphore, #tpu.memory_space<semaphore_mem>>
          %dma_start3A_364 = arith.constant 0 : i32
          %dma_start3A_365 = tpu.memref_slice %arg34[%dma_start3A_364] : memref<10240xf32, #tpu.memory_space<vmem_shared>> -> memref<10240xf32, #tpu.memory_space<vmem_shared>>
          tpu.enqueue_indirect_dma source(%arg32 : memref<64xf32, #tpu.memory_space<vmem>>) target(%dma_start3A_365 : memref<10240xf32, #tpu.memory_space<vmem_shared>>) offsets(%arg26 : memref<64xi32, #tpu.memory_space<vmem>>) semaphore(%run_scoped3A_363 : memref<!tpu.dma_semaphore, #tpu.memory_space<semaphore_mem>>) {add = true}
          %dma_wait3A_366 = arith.constant 0 : i32
          %dma_wait3A_367 = tpu.memref_slice %arg34[%dma_wait3A_366] : memref<10240xf32, #tpu.memory_space<vmem_shared>> -> memref<10240xf32, #tpu.memory_space<vmem_shared>>
          tpu.wait_indirect_dma semaphore(%run_scoped3A_363 : memref<!tpu.dma_semaphore, #tpu.memory_space<semaphore_mem>>) src(%arg32 : memref<64xf32, #tpu.memory_space<vmem>>) dst(%dma_wait3A_367 : memref<10240xf32, #tpu.memory_space<vmem_shared>>)
          tpu.yield
        }) : () -> ()
        %add3A_349 = arith.constant 8 : i32
        %add3A_350 = arith.addi %add3A_338, %add3A_349 : i32
        %lt3A_351 = arith.constant 64 : i32
        %lt3A_352 = arith.cmpi slt, %add3A_350, %lt3A_351 : i32
        %convert_element_type3A_353 = arith.extui %lt3A_352 : i1 to i32
        %cond3A_354 = arith.constant 0 : i32
        %cond3A_355 = arith.cmpi ne, %convert_element_type3A_353, %cond3A_354 : i32
        scf.if %cond3A_355 {
          %add3A_363 = arith.constant 8 : i32
          %add3A_364 = arith.addi %add3A_338, %add3A_363 : i32
          %mul3A_365 = arith.constant 64 : i32
          %mul3A_366 = arith.muli %add3A_364, %mul3A_365 : i32
          %add3A_367 = arith.addi %add3A, %mul3A_366 : i32
          %dma_start3A_368 = tpu.memref_slice %arg2[%add3A_367] : memref<327680xi32, #tpu.memory_space<hbm>> -> memref<64xi32, #tpu.memory_space<hbm>>
          %dma_start3A_369 = tpu.memref_slice %arg2[%add3A_367] : memref<327680xi32, #tpu.memory_space<hbm>> -> memref<64xi32, #tpu.memory_space<hbm>>
          tpu.enqueue_dma source(%dma_start3A_369 : memref<64xi32, #tpu.memory_space<hbm>>) target(%arg18 : memref<64xi32, #tpu.memory_space<vmem>>) target_semaphore(%arg46 : memref<!tpu.dma_semaphore, #tpu.memory_space<semaphore_mem>>)
          %add3A_370 = arith.constant 8 : i32
          %add3A_371 = arith.addi %add3A_338, %add3A_370 : i32
          %mul3A_372 = arith.constant 64 : i32
          %mul3A_373 = arith.muli %add3A_371, %mul3A_372 : i32
          %add3A_374 = arith.addi %add3A, %mul3A_373 : i32
          %dma_start3A_375 = tpu.memref_slice %arg3[%add3A_374] : memref<327680xi32, #tpu.memory_space<hbm>> -> memref<64xi32, #tpu.memory_space<hbm>>
          %dma_start3A_376 = tpu.memref_slice %arg3[%add3A_374] : memref<327680xi32, #tpu.memory_space<hbm>> -> memref<64xi32, #tpu.memory_space<hbm>>
          tpu.enqueue_dma source(%dma_start3A_376 : memref<64xi32, #tpu.memory_space<hbm>>) target(%arg26 : memref<64xi32, #tpu.memory_space<vmem>>) target_semaphore(%arg54 : memref<!tpu.dma_semaphore, #tpu.memory_space<semaphore_mem>>)
        } else {
        }
        %add3A_356 = arith.constant 4 : i32
        %add3A_357 = arith.addi %add3A_338, %add3A_356 : i32
        %lt3A_358 = arith.constant 64 : i32
        %lt3A_359 = arith.cmpi slt, %add3A_357, %lt3A_358 : i32
        %convert_element_type3A_360 = arith.extui %lt3A_359 : i1 to i32
        %cond3A_361 = arith.constant 0 : i32
        %cond3A_362 = arith.cmpi ne, %convert_element_type3A_360, %cond3A_361 : i32
        scf.if %cond3A_362 {
          %dma_wait3A_363 = arith.constant 0 : i32
          %dma_wait3A_364 = tpu.memref_slice %arg2[%dma_wait3A_363] : memref<327680xi32, #tpu.memory_space<hbm>> -> memref<64xi32, #tpu.memory_space<hbm>>
          %dma_wait3A_365 = arith.constant 0 : i32
          %dma_wait3A_366 = tpu.memref_slice %arg2[%dma_wait3A_365] : memref<327680xi32, #tpu.memory_space<hbm>> -> memref<64xi32, #tpu.memory_space<hbm>>
          tpu.wait_dma2 semaphore(%arg42 : memref<!tpu.dma_semaphore, #tpu.memory_space<semaphore_mem>>) src(%dma_wait3A_366 : memref<64xi32, #tpu.memory_space<hbm>>) dst(%arg14 : memref<64xi32, #tpu.memory_space<vmem>>)
          %dma_start3A_367 = arith.constant 0 : i32
          %dma_start3A_368 = arith.constant 0 : i32
          %dma_start3A_369 = tpu.memref_slice %arg4[%dma_start3A_367, %dma_start3A_368] : memref<10240x128xf32, #tpu.memory_space<hbm>> -> memref<10240x128xf32, #tpu.memory_space<hbm>>
          tpu.enqueue_indirect_dma source(%dma_start3A_369 : memref<10240x128xf32, #tpu.memory_space<hbm>>) target(%arg30 : memref<64x128xf32, #tpu.memory_space<vmem>>) offsets(%arg14 : memref<64xi32, #tpu.memory_space<vmem>>) semaphore(%arg38 : memref<!tpu.dma_semaphore, #tpu.memory_space<semaphore_mem>>)
        } else {
        }
      }
      %scan3A_150 = arith.constant 8 : i32
    } else {
    }
    %barrier3A_136 = arith.constant 0 : index
    tpu.barrier barrier_id(%barrier3A_136)
    %eq3A_137 = arith.constant 0 : i32
    %eq3A_138 = arith.cmpi eq, %arg0, %eq3A_137 : i32
    %convert_element_type3A_139 = arith.extui %eq3A_138 : i1 to i32
    %cond3A_140 = arith.constant 0 : i32
    %cond3A_141 = arith.cmpi ne, %convert_element_type3A_139, %cond3A_140 : i32
    scf.if %cond3A_141 {
      "tpu.region"() ({
        %run_scoped3A_147 = tpu.sem_alloc : memref<!tpu.dma_semaphore, #tpu.memory_space<semaphore_mem>>
        %dma_start3A_148 = arith.constant 0 : i32
        %dma_start3A_149 = tpu.memref_slice %arg7[%mul3A_0, %dma_start3A_148] : memref<10240x128xf32, #tpu.memory_space<hbm>> -> memref<640x128xf32, #tpu.memory_space<hbm>>
        %dma_start3A_150 = arith.constant 0 : i32
        %dma_start3A_151 = tpu.memref_slice %arg33[%mul3A_0, %dma_start3A_150] : memref<10240x128xf32, #tpu.memory_space<vmem_shared>> -> memref<640x128xf32, #tpu.memory_space<vmem_shared>>
        tpu.enqueue_dma source(%dma_start3A_151 : memref<640x128xf32, #tpu.memory_space<vmem_shared>>) target(%dma_start3A_149 : memref<640x128xf32, #tpu.memory_space<hbm>>) target_semaphore(%run_scoped3A_147 : memref<!tpu.dma_semaphore, #tpu.memory_space<semaphore_mem>>)
        %dma_wait3A_152 = arith.constant 0 : i32
        %dma_wait3A_153 = tpu.memref_slice %arg7[%mul3A_0, %dma_wait3A_152] : memref<10240x128xf32, #tpu.memory_space<hbm>> -> memref<640x128xf32, #tpu.memory_space<hbm>>
        %dma_wait3A_154 = arith.constant 0 : i32
        %dma_wait3A_155 = tpu.memref_slice %arg33[%mul3A_0, %dma_wait3A_154] : memref<10240x128xf32, #tpu.memory_space<vmem_shared>> -> memref<640x128xf32, #tpu.memory_space<vmem_shared>>
        tpu.wait_dma2 semaphore(%run_scoped3A_147 : memref<!tpu.dma_semaphore, #tpu.memory_space<semaphore_mem>>) src(%dma_wait3A_155 : memref<640x128xf32, #tpu.memory_space<vmem_shared>>) dst(%dma_wait3A_153 : memref<640x128xf32, #tpu.memory_space<hbm>>)
        tpu.yield
      }) : () -> ()
      "tpu.region"() ({
        %run_scoped3A_147 = tpu.sem_alloc : memref<!tpu.dma_semaphore, #tpu.memory_space<semaphore_mem>>
        %dma_start3A_148 = tpu.memref_slice %arg9[%mul3A_0] : memref<10240xf32, #tpu.memory_space<hbm>> -> memref<640xf32, #tpu.memory_space<hbm>>
        %dma_start3A_149 = tpu.memref_slice %arg34[%mul3A_0] : memref<10240xf32, #tpu.memory_space<vmem_shared>> -> memref<640xf32, #tpu.memory_space<vmem_shared>>
        tpu.enqueue_dma source(%dma_start3A_149 : memref<640xf32, #tpu.memory_space<vmem_shared>>) target(%dma_start3A_148 : memref<640xf32, #tpu.memory_space<hbm>>) target_semaphore(%run_scoped3A_147 : memref<!tpu.dma_semaphore, #tpu.memory_space<semaphore_mem>>)
        %dma_wait3A_150 = tpu.memref_slice %arg9[%mul3A_0] : memref<10240xf32, #tpu.memory_space<hbm>> -> memref<640xf32, #tpu.memory_space<hbm>>
        %dma_wait3A_151 = tpu.memref_slice %arg34[%mul3A_0] : memref<10240xf32, #tpu.memory_space<vmem_shared>> -> memref<640xf32, #tpu.memory_space<vmem_shared>>
        tpu.wait_dma2 semaphore(%run_scoped3A_147 : memref<!tpu.dma_semaphore, #tpu.memory_space<semaphore_mem>>) src(%dma_wait3A_151 : memref<640xf32, #tpu.memory_space<vmem_shared>>) dst(%dma_wait3A_150 : memref<640xf32, #tpu.memory_space<hbm>>)
        tpu.yield
      }) : () -> ()
    } else {
    }
    %eq3A_142 = arith.constant 1 : i32
    %eq3A_143 = arith.cmpi eq, %arg0, %eq3A_142 : i32
    %convert_element_type3A_144 = arith.extui %eq3A_143 : i1 to i32
    %cond3A_145 = arith.constant 0 : i32
    %cond3A_146 = arith.cmpi ne, %convert_element_type3A_144, %cond3A_145 : i32
    scf.if %cond3A_146 {
      "tpu.region"() ({
        %run_scoped3A_147 = tpu.sem_alloc : memref<!tpu.dma_semaphore, #tpu.memory_space<semaphore_mem>>
        %dma_start3A_148 = arith.constant 0 : i32
        %dma_start3A_149 = tpu.memref_slice %arg8[%mul3A_0, %dma_start3A_148] : memref<10240x128xf32, #tpu.memory_space<hbm>> -> memref<640x128xf32, #tpu.memory_space<hbm>>
        %dma_start3A_150 = arith.constant 0 : i32
        %dma_start3A_151 = tpu.memref_slice %arg33[%mul3A_0, %dma_start3A_150] : memref<10240x128xf32, #tpu.memory_space<vmem_shared>> -> memref<640x128xf32, #tpu.memory_space<vmem_shared>>
        tpu.enqueue_dma source(%dma_start3A_151 : memref<640x128xf32, #tpu.memory_space<vmem_shared>>) target(%dma_start3A_149 : memref<640x128xf32, #tpu.memory_space<hbm>>) target_semaphore(%run_scoped3A_147 : memref<!tpu.dma_semaphore, #tpu.memory_space<semaphore_mem>>)
        %dma_wait3A_152 = arith.constant 0 : i32
        %dma_wait3A_153 = tpu.memref_slice %arg8[%mul3A_0, %dma_wait3A_152] : memref<10240x128xf32, #tpu.memory_space<hbm>> -> memref<640x128xf32, #tpu.memory_space<hbm>>
        %dma_wait3A_154 = arith.constant 0 : i32
        %dma_wait3A_155 = tpu.memref_slice %arg33[%mul3A_0, %dma_wait3A_154] : memref<10240x128xf32, #tpu.memory_space<vmem_shared>> -> memref<640x128xf32, #tpu.memory_space<vmem_shared>>
        tpu.wait_dma2 semaphore(%run_scoped3A_147 : memref<!tpu.dma_semaphore, #tpu.memory_space<semaphore_mem>>) src(%dma_wait3A_155 : memref<640x128xf32, #tpu.memory_space<vmem_shared>>) dst(%dma_wait3A_153 : memref<640x128xf32, #tpu.memory_space<hbm>>)
        tpu.yield
      }) : () -> ()
      "tpu.region"() ({
        %run_scoped3A_147 = tpu.sem_alloc : memref<!tpu.dma_semaphore, #tpu.memory_space<semaphore_mem>>
        %dma_start3A_148 = tpu.memref_slice %arg10[%mul3A_0] : memref<10240xf32, #tpu.memory_space<hbm>> -> memref<640xf32, #tpu.memory_space<hbm>>
        %dma_start3A_149 = tpu.memref_slice %arg34[%mul3A_0] : memref<10240xf32, #tpu.memory_space<vmem_shared>> -> memref<640xf32, #tpu.memory_space<vmem_shared>>
        tpu.enqueue_dma source(%dma_start3A_149 : memref<640xf32, #tpu.memory_space<vmem_shared>>) target(%dma_start3A_148 : memref<640xf32, #tpu.memory_space<hbm>>) target_semaphore(%run_scoped3A_147 : memref<!tpu.dma_semaphore, #tpu.memory_space<semaphore_mem>>)
        %dma_wait3A_150 = tpu.memref_slice %arg10[%mul3A_0] : memref<10240xf32, #tpu.memory_space<hbm>> -> memref<640xf32, #tpu.memory_space<hbm>>
        %dma_wait3A_151 = tpu.memref_slice %arg34[%mul3A_0] : memref<10240xf32, #tpu.memory_space<vmem_shared>> -> memref<640xf32, #tpu.memory_space<vmem_shared>>
        tpu.wait_dma2 semaphore(%run_scoped3A_147 : memref<!tpu.dma_semaphore, #tpu.memory_space<semaphore_mem>>) src(%dma_wait3A_151 : memref<640xf32, #tpu.memory_space<vmem_shared>>) dst(%dma_wait3A_150 : memref<640xf32, #tpu.memory_space<hbm>>)
        tpu.yield
      }) : () -> ()
    } else {
    }
    return
  }
}

module attributes {stable_mosaic.version = 14 : i64} {
  func.func @_tc_finish(%arg0: i32, %arg1: memref<512x128xf32, #tpu.memory_space<vmem>>, %arg2: memref<512x128xf32, #tpu.memory_space<vmem>>, %arg3: memref<512x1xf32, #tpu.memory_space<vmem>>, %arg4: memref<512x1xf32, #tpu.memory_space<vmem>>, %arg5: memref<512x128xf32, #tpu.memory_space<vmem>>, %arg6: memref<128x128xf32, #tpu.memory_space<vmem>>, %arg7: memref<128x128xf32, #tpu.memory_space<vmem>>, %arg8: memref<1x128xf32, #tpu.memory_space<vmem>>, %arg9: memref<512x128xf32, #tpu.memory_space<vmem>>) attributes {dimension_semantics = [#tpu.dimension_semantics<arbitrary>], iteration_bounds = array<i64: 20>, scalar_prefetch = 0 : i64, scratch_operands = 0 : i64, tpu.core_type = #tpu.core_type<tc>, window_params = [{transform_indices = @transform_0, window_bounds = array<i64: 512, 128>}, {transform_indices = @transform_1, window_bounds = array<i64: 512, 128>}, {transform_indices = @transform_2, window_bounds = array<i64: 512, 1>}, {transform_indices = @transform_3, window_bounds = array<i64: 512, 1>}, {transform_indices = @transform_4, window_bounds = array<i64: 512, 128>}, {pipeline_mode = #tpu.pipeline_mode<synchronous>, transform_indices = @transform_5, window_bounds = array<i64: 128, 128>}, {pipeline_mode = #tpu.pipeline_mode<synchronous>, transform_indices = @transform_6, window_bounds = array<i64: 128, 128>}, {pipeline_mode = #tpu.pipeline_mode<synchronous>, transform_indices = @transform_7, window_bounds = array<i64: 1, 128>}, {transform_indices = @transform_8, window_bounds = array<i64: 512, 128>}]} {
    %get3A = arith.constant 0 : index
    %get3A_0 = arith.constant 0 : index
    %get3A_1 = vector.load %arg3[%get3A, %get3A_0] : memref<512x1xf32, #tpu.memory_space<vmem>>, vector<512x1xf32>
    %get3A_2 = arith.constant 0 : index
    %get3A_3 = arith.constant 0 : index
    %get3A_4 = vector.load %arg4[%get3A_2, %get3A_3] : memref<512x1xf32, #tpu.memory_space<vmem>>, vector<512x1xf32>
    %add3A = arith.addf %get3A_1, %get3A_4 : vector<512x1xf32>
    %max3A = arith.constant 1.000000e+00 : f32
    %max3A_5 = vector.broadcast %max3A : f32 to vector<512x1xf32>
    %max3A_6 = arith.maximumf %add3A, %max3A_5 : vector<512x1xf32>
    %get3A_7 = arith.constant 0 : index
    %get3A_8 = arith.constant 0 : index
    %get3A_9 = vector.load %arg1[%get3A_7, %get3A_8] : memref<512x128xf32, #tpu.memory_space<vmem>>, vector<512x128xf32>
    %get3A_10 = arith.constant 0 : index
    %get3A_11 = arith.constant 0 : index
    %get3A_12 = vector.load %arg2[%get3A_10, %get3A_11] : memref<512x128xf32, #tpu.memory_space<vmem>>, vector<512x128xf32>
    %add3A_13 = arith.addf %get3A_9, %get3A_12 : vector<512x128xf32>
    %div3A = vector.broadcast %max3A_6 : vector<512x1xf32> to vector<512x128xf32>
    %div3A_14 = arith.divf %add3A_13, %div3A : vector<512x128xf32>
    %get3A_15 = arith.constant 0 : index
    %get3A_16 = arith.constant 0 : index
    %get3A_17 = vector.load %arg6[%get3A_15, %get3A_16] : memref<128x128xf32, #tpu.memory_space<vmem>>, vector<128x128xf32>
    %dot_general3A = arith.constant dense<0.000000e+00> : vector<512x128xf32>
    %dot_general3A_18 = tpu.matmul %div3A_14, %get3A_17, %dot_general3A {dimension_numbers = #tpu.dot_dimension_numbers<[1], [0], [0], [1], [0, 0, 1, 1], [], []>, transpose_lhs_hint = false} : vector<512x128xf32>, vector<128x128xf32>, vector<512x128xf32> -> vector<512x128xf32>
    %get3A_19 = arith.constant 0 : index
    %get3A_20 = arith.constant 0 : index
    %get3A_21 = vector.load %arg5[%get3A_19, %get3A_20] : memref<512x128xf32, #tpu.memory_space<vmem>>, vector<512x128xf32>
    %get3A_22 = arith.constant 0 : index
    %get3A_23 = arith.constant 0 : index
    %get3A_24 = vector.load %arg7[%get3A_22, %get3A_23] : memref<128x128xf32, #tpu.memory_space<vmem>>, vector<128x128xf32>
    %dot_general3A_25 = arith.constant dense<0.000000e+00> : vector<512x128xf32>
    %dot_general3A_26 = tpu.matmul %get3A_21, %get3A_24, %dot_general3A_25 {dimension_numbers = #tpu.dot_dimension_numbers<[1], [0], [0], [1], [0, 0, 1, 1], [], []>, transpose_lhs_hint = false} : vector<512x128xf32>, vector<128x128xf32>, vector<512x128xf32> -> vector<512x128xf32>
    %add3A_27 = arith.addf %dot_general3A_18, %dot_general3A_26 : vector<512x128xf32>
    %get3A_28 = arith.constant 0 : index
    %get3A_29 = arith.constant 0 : index
    %get3A_30 = vector.load %arg8[%get3A_28, %get3A_29] : memref<1x128xf32, #tpu.memory_space<vmem>>, vector<1x128xf32>
    %add3A_31 = vector.broadcast %get3A_30 : vector<1x128xf32> to vector<512x128xf32>
    %add3A_32 = arith.addf %add3A_27, %add3A_31 : vector<512x128xf32>
    %mul3A = arith.mulf %add3A_32, %add3A_32 : vector<512x128xf32>
    %reduce_sum3A = arith.constant dense<0.000000e+00> : vector<512xf32>
    %reduce_sum3A_33 = vector.multi_reduction <add>, %mul3A, %reduce_sum3A [1] : vector<512x128xf32> to vector<512xf32>
    %broadcast_in_dim3A = vector.shape_cast %reduce_sum3A_33 : vector<512xf32> to vector<512x1xf32>
    %sqrt3A = math.sqrt %broadcast_in_dim3A : vector<512x1xf32>
    %max3A_34 = arith.constant 9.99999996E-13 : f32
    %max3A_35 = vector.broadcast %max3A_34 : f32 to vector<512x1xf32>
    %max3A_36 = arith.maximumf %sqrt3A, %max3A_35 : vector<512x1xf32>
    %div3A_37 = vector.broadcast %max3A_36 : vector<512x1xf32> to vector<512x128xf32>
    %div3A_38 = arith.divf %add3A_32, %div3A_37 : vector<512x128xf32>
    %max3A_39 = arith.constant 0.000000e+00 : f32
    %max3A_40 = vector.broadcast %max3A_39 : f32 to vector<512x128xf32>
    %max3A_41 = arith.maximumf %div3A_38, %max3A_40 : vector<512x128xf32>
    %swap3A = arith.constant 0 : index
    %swap3A_42 = arith.constant 0 : index
    %swap3A_43 = vector.load %arg9[%swap3A, %swap3A_42] : memref<512x128xf32, #tpu.memory_space<vmem>>, vector<512x128xf32>
    tpu.vector_store %arg9[%swap3A, %swap3A_42], %max3A_41 {strides = array<i32>} : memref<512x128xf32, #tpu.memory_space<vmem>>, vector<512x128xf32>,
    return
  }
  func.func @transform_0(%arg0: i32) -> (i32, i32) {
    %c0_i32 = arith.constant 0 : i32
    %c0_i32_0 = arith.constant 0 : i32
    return %arg0, %c0_i32 : i32, i32
  }
  func.func @transform_1(%arg0: i32) -> (i32, i32) {
    %c0_i32 = arith.constant 0 : i32
    %c0_i32_0 = arith.constant 0 : i32
    return %arg0, %c0_i32 : i32, i32
  }
  func.func @transform_2(%arg0: i32) -> (i32, i32) {
    %c0_i32 = arith.constant 0 : i32
    %c0_i32_0 = arith.constant 0 : i32
    return %arg0, %c0_i32 : i32, i32
  }
  func.func @transform_3(%arg0: i32) -> (i32, i32) {
    %c0_i32 = arith.constant 0 : i32
    %c0_i32_0 = arith.constant 0 : i32
    return %arg0, %c0_i32 : i32, i32
  }
  func.func @transform_4(%arg0: i32) -> (i32, i32) {
    %c0_i32 = arith.constant 0 : i32
    %c0_i32_0 = arith.constant 0 : i32
    return %arg0, %c0_i32 : i32, i32
  }
  func.func @transform_5(%arg0: i32) -> (i32, i32) {
    %c0_i32 = arith.constant 0 : i32
    %c0_i32_0 = arith.constant 0 : i32
    %c0_i32_1 = arith.constant 0 : i32
    return %c0_i32, %c0_i32_0 : i32, i32
  }
  func.func @transform_6(%arg0: i32) -> (i32, i32) {
    %c0_i32 = arith.constant 0 : i32
    %c0_i32_0 = arith.constant 0 : i32
    %c0_i32_1 = arith.constant 0 : i32
    return %c0_i32, %c0_i32_0 : i32, i32
  }
  func.func @transform_7(%arg0: i32) -> (i32, i32) {
    %c0_i32 = arith.constant 0 : i32
    %c0_i32_0 = arith.constant 0 : i32
    %c0_i32_1 = arith.constant 0 : i32
    return %c0_i32, %c0_i32_0 : i32, i32
  }
  func.func @transform_8(%arg0: i32) -> (i32, i32) {
    %c0_i32 = arith.constant 0 : i32
    %c0_i32_0 = arith.constant 0 : i32
    return %arg0, %c0_i32 : i32, i32
  }
}

</mosaic_0001>

<sc_bundles>
// kernel: kernel.4.cloned.1.call-start
scs
__scs_entry_jumppad:
0x0: {  	(pc) =	sbr.rel $0x88, $3  }
0x1: {  	(tag) =	ssettag $0x0;
	lr =	simm.s32 $0x1  }
0x2: {  	[smem:$0x3F9C] =	sst lr;
	_ =	strace $0xD0000000  }
0x3: {  	_ = 	snop  }
0x4: {  	_ = 	snop  }
0x5: {  	_ = 	snop  }
0x6: {  	_ = 	snop  }
0x7: {  	_ = 	snop  }
__scs_overlays_trampoline_lowered:
0x8: {  	[smem:$0x3FAB] =	sst s0  }
0x9: {  	[smem:$0x3FAC] =	sst s1  }
0xa: {  	[smem:$0x3FAD] =	sst s2  }
0xb: {  	[smem:$0x3FAE] =	sst s3  }
0xc: {  	[smem:$0x3FAF] =	sst s4  }
0xd: {  	[smem:$0x3FB0] =	sst s5  }
0xe: {  	[smem:$0x3FB1] =	sst s6  }
0xf: {  	[smem:$0x3FB2] =	sst s7  }
0x10: {  	[smem:$0x3FB3] =	sst s8  }
0x11: {  	[smem:$0x3FB4] =	sst s9;
	s0 =	simm.s32 @!p0 $0x0  }
0x12: {  	s1 =	sld [smem:$0x3F9A];
	s0 =	simm.s32 @p0 $0x1  }
0x13: {  	[smem:$0x3FB5] =	sst s0;
	s0 =	simm.s32 @!p1 $0x0  }
0x14: {  	s2 =	sld [smem:$0x3F99];
	s0 =	simm.s32 @p1 $0x1  }
0x15: {  	[smem:$0x3FB6] =	sst s0;
	s0 =	simm.s32 @!p2 $0x0  }
0x16: {  	s3 =	sld [smem:$0x3FDB];
	s0 =	simm.s32 @p2 $0x1  }
0x17: {  	s4 =	simm.s32 $0x1BF5;
	[smem:$0x3FB8] =	sst s0  }
0x18: {  	s0 =	sld [smem:$0x3F9B];
	_ =	swait.ge [sflag:s4], $0x0  }
0x19: {  	s7 =	sld [smem:$0x3F9C]  }
0x1a: {  	s8 =	sadd.s32 $0xFFFFE003, lr  }
0x1b: {  	s9 =	sadd.s32 $0xFFFFFEF7, lr;
	s5 =	simm.s32 $0xFFFFFFFF;
	p2 =	slt.u32 s8, $0xFFFFF086  }
0x1c: {  	p1 =	slt.u32 s9, $0xF7A;
	s5 =	simm.s32 @!p2 $0x0  }
0x1d: {  	s5 =	simm.s32 @p1 $0x1;
	p0 =	seq.s32 s7, s2  }
0x1e: {  	s7 =	smul.u32 @!p0 $0xF7A, s2;
	p2 =	seq.s32 @!p0 s5, $0x0  }
0x1f: {  	s9 =	smul.u32 $0xF7A, s1;
	s8 =	simm.s32 @!p0 $0x1BF5;
	p2 =	por !p2, p0  }
0x20: {  	[sflag:s8] =	ssyncset.s32 @!p0 $0xFFFFF086;
	s6 =	sadd.s32 @!p0 s3, s7;
	s7 =	simm.s32 @!p0 $0x108  }
0x21: {  	s3 =	sadd.s32 s3, s9;
	s6 =	sadd.s32 @!p0 $0x88, s6;
	s7 =	simm.s32 @p2 $0x1082  }
0x22: {  	[simem:s7], [sflag:s8] =	dma.local @!p0 [hbm:s6], $0xF7A  }
0x23: {  	s9 =	sor.u32 $0xD0000000, s2;
	s6 =	simm.s32 $0x108;
	_ =	swait.ge @!p0 [sflag:s8], $0x0  }
0x24: {  	s3 =	sadd.s32 $0x88, s3;
	s6 =	simm.s32 @!p1 $0x1082;
	[sflag:s4] =	ssyncset.s32 $0xFFFFF086  }
0x25: {  	[simem:s6], [sflag:s4] =	dma.local [hbm:s3], $0xF7A  }
0x26: {  	[smem:$0x3F9C] =	sst s1;
	(tag) =	ssettag s2;
	_ =	strace s9  }
0x27: {  	s1 =	sld [smem:$0x3FAC]  }
0x28: {  	s2 =	sld [smem:$0x3FAD]  }
0x29: {  	s4 =	sld [smem:$0x3FAF]  }
0x2a: {  	p0 =	seq.s32 s5, $0x0;
	s5 =	sld [smem:$0x3FB0]  }
0x2b: {  	s6 =	sld [smem:$0x3FB1]  }
0x2c: {  	s7 =	sld [smem:$0x3FB2]  }
0x2d: {  	s3 =	simm.s32 $0x108;
	s8 =	sld [smem:$0x3FB3]  }
0x2e: {  	s3 =	simm.s32 @!p0 $0x1082;
	s9 =	sld [smem:$0x3FB4]  }
0x2f: {  	lr =	sadd.s32 s0, s3;
	s0 =	sld [smem:$0x3FAB]  }
0x30: {  	s3 =	sld [smem:$0x3FAE]  }
0x31: {  	[smem:$0x3FB7] =	sst s10  }
0x32: {  	s10 =	sld [smem:$0x3FB5];
	_ =	sdelay $0x3  }
0x33: {  	p0 =	seq.s32 s10, $0x1;
	s10 =	sld [smem:$0x3FB7];
	_ =	sdelay $0x3  }
0x34: {  	[smem:$0x3FB7] =	sst s10  }
0x35: {  	s10 =	sld [smem:$0x3FB6];
	_ =	sdelay $0x3  }
0x36: {  	p1 =	seq.s32 s10, $0x1;
	s10 =	sld [smem:$0x3FB7];
	_ =	sdelay $0x3  }
0x37: {  	[smem:$0x3FB7] =	sst s10  }
0x38: {  	s10 =	sld [smem:$0x3FB8]  }
0x39: {  	_ = 	snop;
	(pc) =	sbr.ind lr, $3  }
0x3a: {  	_ = 	snop  }
0x3b: {  	_ = 	snop  }
0x3c: {  	p2 =	seq.s32 s10, $0x1;
	s10 =	sld [smem:$0x3FB7]  }
0x3d: {  	_ =	shalt  }
0x3e: {  	_ =	shalt  }
0x3f: {  	_ =	shalt  }
0x40: {  	_ =	shalt  }
0x41: {  	_ =	shalt  }
0x42: {  	_ =	shalt  }
0x43: {  	_ =	shalt  }
0x44: {  	_ =	shalt  }
0x45: {  	_ =	shalt  }
0x46: {  	_ =	shalt  }
0x47: {  	_ =	shalt  }
0x48: {  	_ =	shalt  }
0x49: {  	_ =	shalt  }
0x4a: {  	_ =	shalt  }
0x4b: {  	_ =	shalt  }
0x4c: {  	_ =	shalt  }
0x4d: {  	_ =	shalt  }
0x4e: {  	_ =	shalt  }
0x4f: {  	_ =	shalt  }
0x50: {  	_ =	shalt  }
0x51: {  	_ =	shalt  }
0x52: {  	_ =	shalt  }
0x53: {  	_ =	shalt  }
0x54: {  	_ =	shalt  }
0x55: {  	_ =	shalt  }
0x56: {  	_ =	shalt  }
0x57: {  	_ =	shalt  }
0x58: {  	_ =	shalt  }
0x59: {  	_ =	shalt  }
0x5a: {  	_ =	shalt  }
0x5b: {  	_ =	shalt  }
0x5c: {  	_ =	shalt  }
0x5d: {  	_ =	shalt  }
0x5e: {  	_ =	shalt  }
0x5f: {  	_ =	shalt  }
0x60: {  	_ =	shalt  }
0x61: {  	_ =	shalt  }
0x62: {  	_ =	shalt  }
0x63: {  	_ =	shalt  }
0x64: {  	_ =	shalt  }
0x65: {  	_ =	shalt  }
0x66: {  	_ =	shalt  }
0x67: {  	_ =	shalt  }
0x68: {  	_ =	shalt  }
0x69: {  	_ =	shalt  }
0x6a: {  	_ =	shalt  }
0x6b: {  	_ =	shalt  }
0x6c: {  	_ =	shalt  }
0x6d: {  	_ =	shalt  }
0x6e: {  	_ =	shalt  }
0x6f: {  	_ =	shalt  }
0x70: {  	_ =	shalt  }
0x71: {  	_ =	shalt  }
0x72: {  	_ =	shalt  }
0x73: {  	_ =	shalt  }
0x74: {  	_ =	shalt  }
0x75: {  	_ =	shalt  }
0x76: {  	_ =	shalt  }
0x77: {  	_ =	shalt  }
0x78: {  	_ =	shalt  }
0x79: {  	_ =	shalt  }
0x7a: {  	_ =	shalt  }
0x7b: {  	_ =	shalt  }
0x7c: {  	_ =	shalt  }
0x7d: {  	_ =	shalt  }
0x7e: {  	_ =	shalt  }
0x7f: {  	_ =	shalt  }
0x80: {  	_ =	shalt  }
0x81: {  	_ =	shalt  }
0x82: {  	_ =	shalt  }
0x83: {  	_ =	shalt  }
0x84: {  	_ =	shalt  }
0x85: {  	_ =	shalt  }
0x86: {  	_ =	shalt  }
0x87: {  	_ =	shalt  }
.Lfunc_end0:
.L_simem_size_0:
called_computation_lowered:
.L_overlay_start_0:
0x88: {  	s2 =	sld [smem:$0x3FD9]  }
0x89: {  	s3 =	sld [smem:$0x3FFE];
	_ =	sdelay $0x1  }
0x8a: {  	s1 =	srdreg.scid  }
0x8b: {  	s0 =	sand.u32 $0x1, s1  }
0x8c: {  	s17 =	sshll.u32 s0, $0xA;
	s2 =	sadd.s32 s3, s2  }
0x8d: {  	s2 =	sadd.s32 s2, s17  }
0x8e: {  	[smem:$0x3FC3] =	sst s2  }
0x8f: {  	_ = 	snop  }
0x90: {  	s2 =	sld [smem:$0x3FD0];
	(tm) =	ssettm $0x1  }
0x91: {  	s18 =	sld [smem:$0x3FFB];
	_ =	sdelay $0x3  }
0x92: {  	_ =	strace s18  }
0x93: {  	s3 =	sld [smem:$0x3FFC];
	_ =	sdelay $0x3  }
0x94: {  	_ =	strace s3  }
0x95: {  	s3 =	sld [smem:$0x3FFD];
	_ =	sdelay $0x3  }
0x96: {  	_ =	strace s3  }
0x97: {  	_ =	strace $0x8FFFFFFF  }
0x98: {  	s19 =	sld [smem:$0x3FDB];
	_ =	sdelay $0x1  }
0x99: {  	s4 =	simm.s32 $_scs_section_size  }
0x9a: {  	s5 =	simm.s32 $_size__tile_overlayer_lowered;
	s6 =	simm.s32 $_tile_overlayer_lowered  }
0x9b: {  	s22 =	simm.s32 $0x1BFF;
	s21 =	sshll.u32 s6, $0x1;
	s3 =	sadd.s32 s4, s19  }
0x9c: {  	s7 =	simm.s32 $0x0;
	s20 =	sshll.u32 s5, $0x1;
	s5 =	sadd.s32 s21, s3  }
0x9d: {  	[timem:s7], [sflag:s22] =	dma.local [hbm:s5], s20  }
0x9e: {  	_ =	swait.ge [sflag:s22], s20  }
0x9f: {  	s4 =	ssub.s32 $0x0, s20;
	[sflag:s22] =	ssyncset.done $0x0  }
0xa0: {  	[sflag:s22] =	ssyncadd.s32 s4;
	_ =	sdelay $0x1  }
0xa1: {  	s23 =	simm.s32 $0x1B8B  }
0xa2: {  	_ =	swait.ge [sflag:s23], $0x1  }
0xa3: {  	[sflag:s23] =	ssyncset.done $0x0  }
0xa4: {  	s25 =	simm.s32 $0x1B8E;
	s24 =	sld [smem:$0x3FFE];
	[sflag:s23] =	ssyncadd.s32 $0xFFFFFFFF  }
0xa5: {  	s26 =	simm.s32 $execute0_lowered;
	[smem:$0x3FD2] =	sst s25  }
0xa6: {  	s5 =	sshll.u32 s26, $0x1;
	_ =	strace $0x80000046;
	[dreg:$0x1] =	wrdreg $0xFFFFFFFF  }
0xa7: {  	s28 =	simm.s32 $_size_execute0_lowered;
	s3 =	sadd.s32 s3, s5;
	[dreg:$0x0] =	wrdreg $0x0  }
0xa8: {  	s5 =	sshll.u32 s28, $0x1;
	[dreg:$0x2] =	wrdreg s3  }
0xa9: {  	[dreg:$0x3] =	wrdreg s5  }
0xaa: {  	[dreg:$0x4] =	wrdreg $0xC0  }
0xab: {  	_ =	task [dreg:s7], $0x5FFFF  }
0xac: {  	[dreg:$0x1] =	wrdreg $0xFFFFFFFF  }
0xad: {  	[dreg:$0x0] =	wrdreg $0x60  }
0xae: {  	[dreg:$0x2] =	wrdreg s2  }
0xaf: {  	[dreg:$0x3] =	wrdreg s24  }
0xb0: {  	[dreg:$0x4] =	wrdreg $0xA8800  }
0xb1: {  	[dreg:$0x5] =	wrdreg $0x1E8800  }
0xb2: {  	[dreg:$0x6] =	wrdreg $0x9  }
0xb3: {  	_ =	task.clear_ibuf [dreg:s7], $0x7FFFF;
	_ =	strace $0x90000046  }
0xb4: {  	s29 =	simm.s32 $0x9;
	_ =	strace $0x80000048  }
0xb5: {  	_ =	swait.ge [sflag:s29], $0x1  }
0xb6: {  	[sflag:s29] =	ssyncadd.s32 $0xFFFFFFFF  }
0xb7: {  	_ =	strace $0x90000048  }
0xb8: {  	_ =	sfence  }
0xb9: {  	s30 =	sld [smem:$0x0];
	_ =	sdelay $0x2  }
0xba: {  	s31 =	sshll.u32 s1, $0xD;
	s1 =	sshrl.u32 s1, $0x2  }
0xbb: {  	s3 =	sand.u32 $0x4000, s31;
	s1 =	sadd.s32 s1, s30  }
0xbc: {  	s0 =	sor.u32 s3, s0;
	s1 =	sshll.u32 s1, $0x11  }
0xbd: {  	s0 =	sor.u32 s1, s0  }
0xbe: {  	s0 =	sadd.s32 $0x8F2B, s0  }
0xbf: {  	[sflag:s0] =	ssyncadd.remote.s32 $0x1  }
0xc0: {  	_ =	sfence.sel $0xFFFF  }
0xc1: {  	[dreg:$0x0] =	wrdreg $0xFFFFFFFF;
	(pc) =	sbr.abs _section_cstart, $3  }
0xc2: {  	[dreg:$0x1] =	wrdreg $0xFFFFFFFF  }
0xc3: {  	_ =	task.clear_ibuf [dreg:s7], $0x2FFFF;
	_ =	strace $0x9FFFFFFF  }
0xc4: {  	(tm) =	ssettm $0x7FFFFFFF  }
0xc5: {  	_ =	shalt  }
tec
execute0_lowered:
.L_overlay_start_1:
0x0: {  	(tag) =	ssettag $0x1  }
0x1: {  	s0 =	srdreg.scid;
	s12 =	stileid.u32  }
0x2: {  	s4 =	rddreg [dreg:$0x0];
	s3 =	sand.u32 $0x1, s0;
	s14 =	smul.u32 $0x5000, s12  }
0x3: {  	s1 =	rddreg [dreg:$0x1];
	s5 =	simm.s32 $0x0;
	s2 =	sshll.u32 s3, $0xE  }
0x4: {  	[smem:$0x7FF] =	sst s5;
	s15 =	ssub.s32 $0x2, s3;
	s2 =	sadd.s32 s2, s14  }
0x5: {  	s6 =	sadd.s32 $0xC00, s1;
	s16 =	sshrl.u32 s15, $0x1;
	s7 =	sshrl.u32 s2, $0x3  }
0x6: {  	s0 =	ssub.s32 s15, s16;
	s15 =	sor.u32 $0x3C0, s2;
	s17 =	sadd.s32 s4, s7  }
0x7: {  	s18 =	sor.u32 $0x8, s7;
	s8 =	sadd.s32 s6, s7;
	[dreg:$0x5] =	wrdreg s17  }
0x8: {  	s20 =	sor.u32 $0x10, s7;
	[dreg:$0x6] =	wrdreg s8;
	s19 =	sadd.s32 s4, s18  }
0x9: {  	s22 =	sor.u32 $0x18, s7;
	s5 =	sadd.s32 s6, s18;
	[dreg:$0x7] =	wrdreg s19  }
0xa: {  	s24 =	sor.u32 $0x20, s7;
	s21 =	sadd.s32 s4, s20;
	[dreg:$0x8] =	wrdreg s5  }
0xb: {  	s26 =	sor.u32 $0x28, s7;
	s8 =	sadd.s32 s6, s20;
	[dreg:$0x9] =	wrdreg s21  }
0xc: {  	s9 =	sor.u32 $0x30, s7;
	s23 =	sadd.s32 s4, s22;
	[dreg:$0xa] =	wrdreg s8  }
0xd: {  	s11 =	sor.u32 $0x38, s7;
	s25 =	sadd.s32 s4, s24;
	[dreg:$0xb] =	wrdreg s23  }
0xe: {  	s16 =	sshrl.u32 s15, $0x3;
	s31 =	sadd.s32 s4, s26;
	[dreg:$0xd] =	wrdreg s25  }
0xf: {  	s10 =	sadd.s32 s4, s9;
	s13 =	sadd.s32 s6, s9;
	[dreg:$0xf] =	wrdreg s31  }
0x10: {  	s14 =	sadd.s32 s4, s11;
	s17 =	sor.u32 $0x380, s2;
	[dreg:$0x11] =	wrdreg s10  }
0x11: {  	s18 =	sadd.s32 s16, s6;
	s5 =	sadd.s32 s6, s22;
	[dreg:$0x12] =	wrdreg s13  }
0x12: {  	s8 =	sadd.s32 s6, s24;
	[dreg:$0x13] =	wrdreg s14;
	s7 =	sshrl.u32 s17, $0x3  }
0x13: {  	[dreg:$0x15] =	wrdreg s18;
	s19 =	sor.u32 $0x340, s2;
	s23 =	sor.u32 $0x300, s2  }
0x14: {  	s25 =	sor.u32 $0x2C0, s2;
	s31 =	sor.u32 $0x280, s2;
	[dreg:$0xc] =	wrdreg s5  }
0x15: {  	s13 =	sor.u32 $0x240, s2;
	s2 =	sor.u32 $0x200, s2;
	[dreg:$0xe] =	wrdreg s8  }
0x16: {  	s5 =	sadd.s32 s6, s26;
	s15 =	sshrl.u32 s2, $0x3;
	s2 =	rddreg [dreg:$0x2]  }
0x17: {  	s21 =	sadd.s32 s7, s6;
	[dreg:$0x10] =	wrdreg s5  }
0x18: {  	s7 =	sadd.s32 s7, s4;
	[dreg:$0x17] =	wrdreg s21  }
0x19: {  	s20 =	sshrl.u32 s19, $0x3;
	s5 =	sadd.s32 s6, s11;
	[dreg:$0x18] =	wrdreg s7  }
0x1a: {  	s24 =	sshrl.u32 s23, $0x3;
	s22 =	sadd.s32 s20, s6;
	[dreg:$0x14] =	wrdreg s5  }
0x1b: {  	s9 =	sshrl.u32 s31, $0x3;
	s26 =	sadd.s32 s24, s6;
	[dreg:$0x19] =	wrdreg s22  }
0x1c: {  	s14 =	sshrl.u32 s13, $0x3;
	s11 =	sadd.s32 s9, s6;
	[dreg:$0x1b] =	wrdreg s26  }
0x1d: {  	s17 =	smul.u32 $0xA00, s12;
	s18 =	sadd.s32 s14, s4;
	[dreg:$0x1f] =	wrdreg s11  }
0x1e: {  	s7 =	sshrl.u32 s25, $0x3;
	s19 =	sadd.s32 s15, s6;
	[smem:$0x7E3] =	sst s18  }
0x1f: {  	s29 =	sadd.s32 s17, s6;
	s5 =	sadd.s32 s16, s4;
	[smem:$0x7E4] =	sst s19  }
0x20: {  	s10 =	sadd.s32 s7, s6;
	s16 =	sadd.s32 s14, s6;
	s6 =	rddreg [dreg:$0x3]  }
0x21: {  	s30 =	simm.s32 $0x2800;
	[dreg:$0x16] =	wrdreg s5  }
0x22: {  	p0 =	sne.s32 s3, $0x0;
	s7 =	sadd.s32 s7, s4;
	[dreg:$0x1d] =	wrdreg s10  }
0x23: {  	s0 =	smax.u32 s0, $0x1;
	s8 =	sadd.s32 $0xAC00, s1;
	[dreg:$0x1e] =	wrdreg s7  }
0x24: {  	s23 =	sadd.s32 $0x32E00, s1;
	s5 =	sadd.s32 s20, s4;
	[smem:$0x7E2] =	sst s16  }
0x25: {  	s31 =	sadd.s32 $0x33E00, s1;
	s20 =	sadd.s32 s15, s4;
	[dreg:$0x1a] =	wrdreg s5  }
0x26: {  	s28 =	sadd.s32 s17, s4;
	s5 =	sadd.s32 s24, s4;
	[smem:$0x7E5] =	sst s20  }
0x27: {  	s21 =	smul.u32 $0x50000, s12;
	[dreg:$0x1c] =	wrdreg s5;
	s5 =	sadd.s32 s9, s4  }
0x28: {  	s25 =	sadd.s32 $0x5BE00, s1;
	s22 =	smul.u32 $0x280, s12;
	[smem:$0x7E1] =	sst s5  }
0x29: {  	s24 =	sadd.s32 $0x32C00, s1;
	_ =	strace $0x80000047;
	[smem:$0x7E6] =	sst s23  }
0x2a: {  	s7 =	simm.s32 $0x4;
	s26 =	sadd.s32 $0x80, s22;
	[smem:$0x7E7] =	sst s24  }
0x2b: {  	s14 =	sadd.s32 $0x100, s22;
	s15 =	sadd.s32 $0x180, s22;
	[smem:$0x7E8] =	sst s25  }
0x2c: {  	s16 =	sadd.s32 $0x200, s22;
	s9 =	sadd.s32 $0x33200, s1;
	[smem:$0x7E9] =	sst s31  }
0x2d: {  	s10 =	sshll.u32 s26, $0x7;
	s1 =	sadd.s32 $0x33800, s1;
	[smem:$0x7EA] =	sst s9  }
0x2e: {  	s4 =	sshrl.u32 s21, $0x2;
	s11 =	sadd.s32 s10, s2;
	[smem:$0x7EB] =	sst s1  }
0x2f: {  	s19 =	sadd.s32 s15, s6;
	s5 =	sadd.s32 s26, s6;
	[smem:$0x7EC] =	sst s11  }
0x30: {  	s20 =	sadd.s32 s16, s6;
	s21 =	sshrl.u32 s22, $0x3;
	[smem:$0x7F0] =	sst s5  }
0x31: {  	s13 =	sadd.s32 s4, s2;
	s10 =	sshll.u32 s15, $0x7;
	[smem:$0x7F2] =	sst s19  }
0x32: {  	s15 =	simm.s32 $0x15;
	s4 =	simm.s32 $0x6800;
	[smem:$0x7F3] =	sst s20  }
0x33: {  	s9 =	sshll.u32 s14, $0x7;
	s11 =	sshll.u32 s16, $0x7;
	[smem:$0x7F4] =	sst s21  }
0x34: {  	s17 =	sadd.s32 s10, s2;
	s1 =	sadd.s32 s14, s6;
	[smem:$0x7F5] =	sst s0  }
0x35: {  	s19 =	sadd.s32 s22, s6;
	s22 =	sadd.s32 $0x2000, s13;
	[smem:$0x7FC] =	sst s13  }
0x36: {  	s23 =	sadd.s32 $0x6000, s13;
	s24 =	sadd.s32 $0xA000, s13;
	[smem:$0x7EE] =	sst s17  }
0x37: {  	s25 =	sadd.s32 $0xE000, s13;
	s26 =	sadd.s32 $0x12000, s13;
	[smem:$0x7F1] =	sst s1  }
0x38: {  	s31 =	smul.u32 $0x2800, s12;
	s14 =	simm.s32 $0xA800;
	[smem:$0x7F6] =	sst s22  }
0x39: {  	s20 =	simm.s32 $0x480;
	s5 =	simm.s32 $0x500;
	[smem:$0x7F7] =	sst s23  }
0x3a: {  	s12 =	simm.s32 $0x780;
	s16 =	simm.s32 $0x800;
	[smem:$0x7F8] =	sst s24  }
0x3b: {  	s10 =	simm.s32 $0x0;
	s9 =	sadd.s32 s9, s2;
	[smem:$0x7F9] =	sst s25  }
.Ltmp0:
0x3c: {  	s18 =	sadd.s32 s11, s2;
	[smem:$0x7FA] =	sst s26;
	(pc) =	sbr.rel .LBB2_1-.Ltmp0, $4  }
0x3d: {  	s11 =	simm.s32 $0x400;
	s17 =	simm.s32 $0x580;
	[smem:$0x7FD] =	sst s19  }
0x3e: {  	s22 =	simm.s32 $0x680;
	s25 =	simm.s32 $0x700;
	[smem:$0x7ED] =	sst s9  }
0x3f: {  	s24 =	simm.s32 $0x40;
	s26 =	simm.s32 $0x4800;
	[smem:$0x7EF] =	sst s18  }
0x40: {  	[smem:$0x7FB] =	sst s31;
	s9 =	simm.s32 $0x600;
	s18 =	simm.s32 $0x3  }
.LBB2_7:
0x41: {  	s19 =	sld [smem:$0x7E9]  }
0x42: {  	s1 =	sld [smem:$0x7EB]  }
0x43: {  	s10 =	sld [smem:$0x7E0]  }
.LBB2_8:
0x44: {  	s0 =	sld [smem:$0x7FB];
	[bflag:$0x0] =	sbarrier.arrive $0xFFFF  }
0x45: {  	s13 =	sld [smem:$0x7FC]  }
0x46: {  	s3 =	stileid.u32  }
0x47: {  	s3 =	sshll.u32 s3, $0x6  }
0x48: {  	s3 =	sor.u32 $0x1C15, s3;
	s0 =	sadd.s32 s19, s0;
	s31 =	sshrl.u32 s13, $0x3  }
0x49: {  	[hbm:s0], [sflag:s3] =	dma.local [spmem:s31], $0x2800  }
0x4a: {  	_ =	swait.ge [sflag:s15], $0x2800  }
0x4b: {  	s21 =	sld [smem:$0x7F4]  }
0x4c: {  	s19 =	sld [smem:$0x7FD];
	_ =	sdelay $0x1  }
0x4d: {  	[sflag:s15] =	ssyncset.done $0x0  }
0x4e: {  	[sflag:s15] =	ssyncadd.s32 $0xFFFFD800;
	s0 =	sadd.s32 s1, s21;
	s23 =	sshrl.u32 s19, $0x3  }
0x4f: {  	[hbm:s0], [sflag:s3] =	dma.local [spmem:s23], $0x50  }
0x50: {  	_ =	swait.ge [sflag:s15], $0x50  }
0x51: {  	s31 =	sld [smem:$0x7F5];
	_ =	sdelay $0x1  }
0x52: {  	s10 =	sadd.s32 $0x1, s10  }
0x53: {  	p1 =	sne.s32 s10, s31  }
.Ltmp1:
0x54: {  	_ = 	snop;
	(pc) =	sbr.rel @!p1 .LBB2_9-.Ltmp1, $3  }
0x55: {  	_ =	sdelay $0x1  }
0x56: {  	[sflag:s15] =	ssyncset.done $0x0  }
0x57: {  	[sflag:s15] =	ssyncadd.s32 $0xFFFFFFB0  }
.LBB2_1:
0x58: {  	s0 =	sld [smem:$0x7E7];
	_ =	sdelay $0x1  }
0x59: {  	[smem:$0x7E0] =	sst s10;
	s10 =	simm.s32 $0x0  }
0x5a: {  	[tilespmem:s14], [sflag:$0x15] =	stream.linear.gather [hbm4b:s0+s10], $0x80, $0x38;
	[tilespmem:$0x1EB00] =	vst v63  }
0x5b: {  	_ =	swait.ge [sflag:s15], $0x80  }
0x5c: {  	s31 =	sld [smem:$0x7E6]  }
0x5d: {  	[sflag:s15] =	ssyncset.done $0x0  }
0x5e: {  	s1 =	simm.s32 $0x8800;
	[sflag:s15] =	ssyncadd.s32 $0xFFFFFF80  }
0x5f: {  	[tilespmem:s1], [sflag:$0x15] =	stream.linear.gather [hbm4b:s31+s10], $0x2000, $0x38;
	[tilespmem:$0x1EB00] =	vst v63  }
0x60: {  	_ =	swait.ge [sflag:s15], $0x2000  }
0x61: {  	[sflag:s15] =	ssyncset.done $0x0  }
0x62: {  	[sflag:s15] =	ssyncadd.s32 $0xFFFFE000  }
0x63: {  	[spmem:s13] =	stream.linear.scatter [tilespmem:s1], [sflag:$0x15], $0x2000, $0x38;
	[tilespmem:$0x1EB00] =	vst v63  }
0x64: {  	_ =	swait.ge [sflag:s15], $0x2000  }
0x65: {  	s3 =	sld [smem:$0x7F6]  }
0x66: {  	[sflag:s15] =	ssyncset.done $0x0  }
0x67: {  	[sflag:s15] =	ssyncadd.s32 $0xFFFFE000  }
0x68: {  	[spmem:s3] =	stream.linear.scatter [tilespmem:s1], [sflag:$0x15], $0x2000, $0x38;
	[tilespmem:$0x1EB00] =	vst v63  }
0x69: {  	_ =	swait.ge [sflag:s15], $0x2000  }
0x6a: {  	s13 =	sld [smem:$0x7EC]  }
0x6b: {  	[sflag:s15] =	ssyncset.done $0x0  }
0x6c: {  	[sflag:s15] =	ssyncadd.s32 $0xFFFFE000  }
0x6d: {  	[spmem:s13] =	stream.linear.scatter [tilespmem:s1], [sflag:$0x15], $0x2000, $0x38;
	[tilespmem:$0x1EB00] =	vst v63  }
0x6e: {  	_ =	swait.ge [sflag:s15], $0x2000  }
0x6f: {  	s21 =	sld [smem:$0x7F7]  }
0x70: {  	[sflag:s15] =	ssyncset.done $0x0  }
0x71: {  	[sflag:s15] =	ssyncadd.s32 $0xFFFFE000  }
0x72: {  	[spmem:s21] =	stream.linear.scatter [tilespmem:s1], [sflag:$0x15], $0x2000, $0x38;
	[tilespmem:$0x1EB00] =	vst v63  }
0x73: {  	_ =	swait.ge [sflag:s15], $0x2000  }
0x74: {  	s23 =	sld [smem:$0x7ED]  }
0x75: {  	[sflag:s15] =	ssyncset.done $0x0  }
0x76: {  	[sflag:s15] =	ssyncadd.s32 $0xFFFFE000  }
0x77: {  	[spmem:s23] =	stream.linear.scatter [tilespmem:s1], [sflag:$0x15], $0x2000, $0x38;
	[tilespmem:$0x1EB00] =	vst v63  }
0x78: {  	_ =	swait.ge [sflag:s15], $0x2000  }
0x79: {  	s31 =	sld [smem:$0x7F8]  }
0x7a: {  	[sflag:s15] =	ssyncset.done $0x0  }
0x7b: {  	[sflag:s15] =	ssyncadd.s32 $0xFFFFE000  }
0x7c: {  	[spmem:s31] =	stream.linear.scatter [tilespmem:s1], [sflag:$0x15], $0x2000, $0x38;
	[tilespmem:$0x1EB00] =	vst v63  }
0x7d: {  	_ =	swait.ge [sflag:s15], $0x2000  }
0x7e: {  	s3 =	sld [smem:$0x7EE]  }
0x7f: {  	[sflag:s15] =	ssyncset.done $0x0  }
0x80: {  	[sflag:s15] =	ssyncadd.s32 $0xFFFFE000  }
0x81: {  	[spmem:s3] =	stream.linear.scatter [tilespmem:s1], [sflag:$0x15], $0x2000, $0x38;
	[tilespmem:$0x1EB00] =	vst v63  }
0x82: {  	_ =	swait.ge [sflag:s15], $0x2000  }
0x83: {  	s13 =	sld [smem:$0x7F9]  }
0x84: {  	[sflag:s15] =	ssyncset.done $0x0  }
0x85: {  	[sflag:s15] =	ssyncadd.s32 $0xFFFFE000  }
0x86: {  	[spmem:s13] =	stream.linear.scatter [tilespmem:s1], [sflag:$0x15], $0x2000, $0x38;
	[tilespmem:$0x1EB00] =	vst v63  }
0x87: {  	_ =	swait.ge [sflag:s15], $0x2000  }
0x88: {  	s21 =	sld [smem:$0x7EF]  }
0x89: {  	[sflag:s15] =	ssyncset.done $0x0  }
0x8a: {  	[sflag:s15] =	ssyncadd.s32 $0xFFFFE000  }
0x8b: {  	[spmem:s21] =	stream.linear.scatter [tilespmem:s1], [sflag:$0x15], $0x2000, $0x38;
	[tilespmem:$0x1EB00] =	vst v63  }
0x8c: {  	_ =	swait.ge [sflag:s15], $0x2000  }
0x8d: {  	s23 =	sld [smem:$0x7FA]  }
0x8e: {  	[sflag:s15] =	ssyncset.done $0x0  }
0x8f: {  	[sflag:s15] =	ssyncadd.s32 $0xFFFFE000  }
0x90: {  	[spmem:s23] =	stream.linear.scatter [tilespmem:s1], [sflag:$0x15], $0x2000, $0x38;
	[tilespmem:$0x1EB00] =	vst v63  }
0x91: {  	_ =	swait.ge [sflag:s15], $0x2000  }
0x92: {  	[sflag:s15] =	ssyncset.done $0x0  }
0x93: {  	[sflag:s15] =	ssyncadd.s32 $0xFFFFE000  }
0x94: {  	[spmem:s19] =	stream.linear.scatter [tilespmem:s1], [sflag:$0x15], $0x80, $0x38;
	[tilespmem:$0x1EB00] =	vst v63  }
0x95: {  	_ =	swait.ge [sflag:s15], $0x80  }
0x96: {  	s31 =	sld [smem:$0x7F0]  }
0x97: {  	[sflag:s15] =	ssyncset.done $0x0  }
0x98: {  	[sflag:s15] =	ssyncadd.s32 $0xFFFFFF80  }
0x99: {  	[spmem:s31] =	stream.linear.scatter [tilespmem:s1], [sflag:$0x15], $0x80, $0x38;
	[tilespmem:$0x1EB00] =	vst v63  }
0x9a: {  	_ =	swait.ge [sflag:s15], $0x80  }
0x9b: {  	s3 =	sld [smem:$0x7F1]  }
0x9c: {  	[sflag:s15] =	ssyncset.done $0x0  }
0x9d: {  	[sflag:s15] =	ssyncadd.s32 $0xFFFFFF80  }
0x9e: {  	[spmem:s3] =	stream.linear.scatter [tilespmem:s1], [sflag:$0x15], $0x80, $0x38;
	[tilespmem:$0x1EB00] =	vst v63  }
0x9f: {  	_ =	swait.ge [sflag:s15], $0x80  }
0xa0: {  	s13 =	sld [smem:$0x7F2]  }
0xa1: {  	[sflag:s15] =	ssyncset.done $0x0  }
0xa2: {  	[sflag:s15] =	ssyncadd.s32 $0xFFFFFF80  }
0xa3: {  	[spmem:s13] =	stream.linear.scatter [tilespmem:s1], [sflag:$0x15], $0x80, $0x38;
	[tilespmem:$0x1EB00] =	vst v63  }
0xa4: {  	_ =	swait.ge [sflag:s15], $0x80  }
0xa5: {  	s19 =	sld [smem:$0x7F3]  }
0xa6: {  	[sflag:s15] =	ssyncset.done $0x0  }
0xa7: {  	[sflag:s15] =	ssyncadd.s32 $0xFFFFFF80  }
0xa8: {  	[spmem:s19] =	stream.linear.scatter [tilespmem:s1], [sflag:$0x15], $0x80, $0x38;
	[tilespmem:$0x1EB00] =	vst v63  }
0xa9: {  	_ =	swait.ge [sflag:s15], $0x80  }
0xaa: {  	[sflag:s15] =	ssyncset.done $0x0  }
0xab: {  	[sflag:s15] =	ssyncadd.s32 $0xFFFFFF80  }
0xac: {  	[bflag:$0x0] =	sbarrier.arrive $0xFFFF  }
0xad: {  	s21 =	rddreg [dreg:$0x5]  }
0xae: {  	[tilespmem:s10], [sflag:$0x5] =	stream.linear.gather [hbm4b:s21+s10], $0x40, $0x38;
	[tilespmem:$0x1EB00] =	vst v63  }
0xaf: {  	s23 =	rddreg [dreg:$0x6]  }
0xb0: {  	[tilespmem:s11], [sflag:$0xD] =	stream.linear.gather [hbm4b:s23+s10], $0x40, $0x38;
	[tilespmem:$0x1EB00] =	vst v63  }
0xb1: {  	s1 =	simm.s32 $0x80;
	s31 =	rddreg [dreg:$0x7]  }
0xb2: {  	[tilespmem:s1], [sflag:$0x6] =	stream.linear.gather [hbm4b:s31+s10], $0x40, $0x38;
	[tilespmem:$0x1EB00] =	vst v63  }
0xb3: {  	s3 =	rddreg [dreg:$0x8]  }
0xb4: {  	[tilespmem:s20], [sflag:$0xE] =	stream.linear.gather [hbm4b:s3+s10], $0x40, $0x38;
	[tilespmem:$0x1EB00] =	vst v63  }
0xb5: {  	s11 =	rddreg [dreg:$0x9];
	s3 =	simm.s32 $0x100  }
0xb6: {  	[tilespmem:s3], [sflag:$0x7] =	stream.linear.gather [hbm4b:s11+s10], $0x40, $0x38;
	[tilespmem:$0x1EB00] =	vst v63  }
0xb7: {  	s13 =	rddreg [dreg:$0xa]  }
0xb8: {  	[tilespmem:s5], [sflag:$0xF] =	stream.linear.gather [hbm4b:s13+s10], $0x40, $0x38;
	[tilespmem:$0x1EB00] =	vst v63  }
0xb9: {  	s19 =	rddreg [dreg:$0xb];
	s5 =	simm.s32 $0x180  }
0xba: {  	[tilespmem:s5], [sflag:$0x8] =	stream.linear.gather [hbm4b:s19+s10], $0x40, $0x38;
	[tilespmem:$0x1EB00] =	vst v63  }
0xbb: {  	s20 =	rddreg [dreg:$0xc]  }
0xbc: {  	[tilespmem:s17], [sflag:$0x10] =	stream.linear.gather [hbm4b:s20+s10], $0x40, $0x38;
	[tilespmem:$0x1EB00] =	vst v63  }
0xbd: {  	s21 =	rddreg [dreg:$0xd];
	s23 =	simm.s32 $0x200  }
0xbe: {  	[tilespmem:s23], [sflag:$0x9] =	stream.linear.gather [hbm4b:s21+s10], $0x40, $0x38;
	[tilespmem:$0x1EB00] =	vst v63  }
0xbf: {  	s31 =	rddreg [dreg:$0xe]  }
0xc0: {  	[tilespmem:s9], [sflag:$0x11] =	stream.linear.gather [hbm4b:s31+s10], $0x40, $0x38;
	[tilespmem:$0x1EB00] =	vst v63  }
0xc1: {  	s11 =	simm.s32 $0x280;
	s9 =	rddreg [dreg:$0xf]  }
0xc2: {  	[tilespmem:s11], [sflag:$0xA] =	stream.linear.gather [hbm4b:s9+s10], $0x40, $0x38;
	[tilespmem:$0x1EB00] =	vst v63  }
0xc3: {  	s13 =	rddreg [dreg:$0x10]  }
0xc4: {  	[tilespmem:s22], [sflag:$0x12] =	stream.linear.gather [hbm4b:s13+s10], $0x40, $0x38;
	[tilespmem:$0x1EB00] =	vst v63  }
0xc5: {  	s19 =	simm.s32 $0x300;
	s17 =	rddreg [dreg:$0x11]  }
0xc6: {  	[tilespmem:s19], [sflag:$0xB] =	stream.linear.gather [hbm4b:s17+s10], $0x40, $0x38;
	[tilespmem:$0x1EB00] =	vst v63  }
0xc7: {  	s20 =	rddreg [dreg:$0x12]  }
0xc8: {  	[tilespmem:s25], [sflag:$0x13] =	stream.linear.gather [hbm4b:s20+s10], $0x40, $0x38;
	[tilespmem:$0x1EB00] =	vst v63  }
0xc9: {  	s21 =	rddreg [dreg:$0x13];
	s9 =	simm.s32 $0x380  }
0xca: {  	[tilespmem:s9], [sflag:$0xC] =	stream.linear.gather [hbm4b:s21+s10], $0x40, $0x38;
	[tilespmem:$0x1EB00] =	vst v63  }
0xcb: {  	s23 =	simm.s32 $0x5;
	s22 =	rddreg [dreg:$0x14]  }
0xcc: {  	[tilespmem:s12], [sflag:$0x14] =	stream.linear.gather [hbm4b:s22+s10], $0x40, $0x38;
	[tilespmem:$0x1EB00] =	vst v63  }
0xcd: {  	_ =	swait.ge [sflag:s23], $0x40  }
0xce: {  	[sflag:s23] =	ssyncset.done $0x0  }
0xcf: {  	s25 =	simm.s32 $0x6;
	[sflag:s23] =	ssyncadd.s32 $0xFFFFFFC0  }
0xd0: {  	[tilespmem:s16], [sflag:$0x1] =	stream.indirect.gather [hbm4b:s8+s24], $0x80, s10, s24, $0xb8;
	[tilespmem:$0x1EB00] =	vst v63  }
0xd1: {  	_ =	swait.ge [sflag:s25], $0x40  }
0xd2: {  	[sflag:s25] =	ssyncset.done $0x0  }
0xd3: {  	[sflag:s25] =	ssyncadd.s32 $0xFFFFFFC0  }
0xd4: {  	[tilespmem:s30], [sflag:$0x2] =	stream.indirect.gather [hbm4b:s8+s24], $0x80, s1, s24, $0xb8;
	[tilespmem:$0x1EB00] =	vst v63  }
0xd5: {  	s30 =	simm.s32 $0x7  }
0xd6: {  	_ =	swait.ge [sflag:s30], $0x40  }
0xd7: {  	[sflag:s30] =	ssyncset.done $0x0  }
0xd8: {  	s31 =	simm.s32 $0x8;
	[sflag:s30] =	ssyncadd.s32 $0xFFFFFFC0  }
0xd9: {  	[tilespmem:s26], [sflag:$0x3] =	stream.indirect.gather [hbm4b:s8+s24], $0x80, s3, s24, $0xb8;
	[tilespmem:$0x1EB00] =	vst v63  }
.Ltmp2:
0xda: {  	_ =	swait.ge [sflag:s31], $0x40;
	(pc) =	sbr.rel @p0 .LBB2_6-.Ltmp2, $4  }
0xdb: {  	[sflag:s31] =	ssyncset.done $0x0  }
0xdc: {  	s19 =	simm.s32 $0x0;
	[sflag:s31] =	ssyncadd.s32 $0xFFFFFFC0  }
0xdd: {  	[tilespmem:s4], [sflag:$0x4] =	stream.indirect.gather [hbm4b:s8+s24], $0x80, s5, s24, $0xb8;
	[tilespmem:$0x1EB00] =	vst v63  }
0xde: {  	s21 =	simm.s32 $0x0;
	s12 =	simm.s32 $0x780;
	s4 =	simm.s32 $0x6800  }
.LBB2_2:
0xdf: {  	s10 =	simm.s32 $0x1  }
0xe0: {  	_ =	swait.ge [sflag:s10], $0x2000  }
0xe1: {  	[sflag:s10] =	ssyncset.done $0x0  }
0xe2: {  	s0 =	simm.s32 $0xD;
	[sflag:s10] =	ssyncadd.s32 $0xFFFFE000  }
0xe3: {  	_ =	swait.ge [sflag:s0], $0x40  }
0xe4: {  	[sflag:s0] =	ssyncset.done $0x0  }
0xe5: {  	s25 =	simm.s32 $0x400;
	s3 =	simm.s32 $0x800;
	[sflag:s0] =	ssyncadd.s32 $0xFFFFFFC0  }
0xe6: {  	[spmem:s2] =	stream.indirect.scatter.add.f32 [tilespmem:s3], [sflag:$0x15], $0x80, s25, s24, $0xb8;
	[tilespmem:$0x1EB00] =	vst v63  }
0xe7: {  	_ =	swait.ge [sflag:s15], $0x2000  }
0xe8: {  	[sflag:s15] =	ssyncset.done $0x0  }
0xe9: {  	[sflag:s15] =	ssyncadd.s32 $0xFFFFE000  }
0xea: {  	[spmem:s6] =	stream.indirect.scatter.add.f32 [tilespmem:s14], [sflag:$0x15], $0x1, s25, s24, $0xb8;
	[tilespmem:$0x1EB00] =	vst v63  }
0xeb: {  	p1 =	seq.s32 s19, $0x7C0;
	_ =	swait.ge [sflag:s15], $0x40  }
0xec: {  	s1 =	sadd.s32 @!p1 s19, s28;
	[sflag:s15] =	ssyncset.done $0x0  }
0xed: {  	s21 =	simm.s32 @!p1 $0x0;
	s23 =	sadd.s32 @!p1 $0x40, s1;
	[sflag:s15] =	ssyncadd.s32 $0xFFFFFFC0  }
0xee: {  	[tilespmem:s21], [sflag:$0x5] =	stream.linear.gather @!p1 [hbm4b:s23+s21], $0x40, $0x38;
	[tilespmem:$0x1EB00] =	vst v63  }
0xef: {  	s13 =	smov.u32 s28;
	s26 =	simm.s32 $0x9;
	s23 =	sadd.s32 @!p1 s19, s29  }
0xf0: {  	s28 =	smov.u32 s29;
	s29 =	simm.s32 @!p1 $0x400;
	s25 =	sadd.s32 @!p1 $0x40, s23  }
0xf1: {  	[tilespmem:s29], [sflag:$0xD] =	stream.linear.gather @!p1 [hbm4b:s25+s21], $0x40, $0x38;
	[tilespmem:$0x1EB00] =	vst v63  }
0xf2: {  	_ =	swait.ge [sflag:s26], $0x40  }
0xf3: {  	[sflag:s26] =	ssyncset.done $0x0  }
0xf4: {  	s30 =	simm.s32 $0x2;
	s29 =	simm.s32 $0x200;
	[sflag:s26] =	ssyncadd.s32 $0xFFFFFFC0  }
0xf5: {  	[tilespmem:s3], [sflag:$0x1] =	stream.indirect.gather [hbm4b:s8+s24], $0x80, s29, s24, $0xb8;
	[tilespmem:$0x1EB00] =	vst v63  }
0xf6: {  	_ =	swait.ge [sflag:s30], $0x2000  }
0xf7: {  	[sflag:s30] =	ssyncset.done $0x0  }
0xf8: {  	s31 =	simm.s32 $0xE;
	[sflag:s30] =	ssyncadd.s32 $0xFFFFE000  }
0xf9: {  	_ =	swait.ge [sflag:s31], $0x40  }
0xfa: {  	[sflag:s31] =	ssyncset.done $0x0  }
0xfb: {  	s5 =	simm.s32 $0x480;
	s22 =	simm.s32 $0x2800;
	[sflag:s31] =	ssyncadd.s32 $0xFFFFFFC0  }
0xfc: {  	[spmem:s2] =	stream.indirect.scatter.add.f32 [tilespmem:s22], [sflag:$0x15], $0x80, s5, s24, $0xb8;
	[tilespmem:$0x1EB00] =	vst v63  }
0xfd: {  	_ =	swait.ge [sflag:s15], $0x2000  }
0xfe: {  	[sflag:s15] =	ssyncset.done $0x0  }
0xff: {  	[sflag:s15] =	ssyncadd.s32 $0xFFFFE000  }
0x100: {  	[spmem:s6] =	stream.indirect.scatter.add.f32 [tilespmem:s14], [sflag:$0x15], $0x1, s5, s24, $0xb8;
	[tilespmem:$0x1EB00] =	vst v63  }
0x101: {  	_ =	swait.ge [sflag:s15], $0x40  }
0x102: {  	[sflag:s15] =	ssyncset.done $0x0  }
0x103: {  	s25 =	simm.s32 @!p1 $0x80;
	s29 =	sadd.s32 @!p1 $0x48, s1;
	[sflag:s15] =	ssyncadd.s32 $0xFFFFFFC0  }
0x104: {  	[tilespmem:s25], [sflag:$0x6] =	stream.linear.gather @!p1 [hbm4b:s29+s21], $0x40, $0x38;
	[tilespmem:$0x1EB00] =	vst v63  }
0x105: {  	s16 =	simm.s32 $0xA;
	s0 =	simm.s32 @!p1 $0x480;
	s29 =	sadd.s32 @!p1 $0x48, s23  }
0x106: {  	[tilespmem:s0], [sflag:$0xE] =	stream.linear.gather @!p1 [hbm4b:s29+s21], $0x40, $0x38;
	[tilespmem:$0x1EB00] =	vst v63  }
0x107: {  	_ =	swait.ge [sflag:s16], $0x40  }
0x108: {  	[sflag:s16] =	ssyncset.done $0x0  }
0x109: {  	s17 =	simm.s32 $0x280;
	[sflag:s16] =	ssyncadd.s32 $0xFFFFFFC0  }
0x10a: {  	[tilespmem:s22], [sflag:$0x2] =	stream.indirect.gather [hbm4b:s8+s24], $0x80, s17, s24, $0xb8;
	[tilespmem:$0x1EB00] =	vst v63  }
0x10b: {  	_ =	swait.ge [sflag:s18], $0x2000  }
0x10c: {  	[sflag:s18] =	ssyncset.done $0x0  }
0x10d: {  	s26 =	simm.s32 $0xF;
	[sflag:s18] =	ssyncadd.s32 $0xFFFFE000  }
0x10e: {  	_ =	swait.ge [sflag:s26], $0x40  }
0x10f: {  	[sflag:s26] =	ssyncset.done $0x0  }
0x110: {  	s31 =	simm.s32 $0x4800;
	s29 =	simm.s32 $0x500;
	[sflag:s26] =	ssyncadd.s32 $0xFFFFFFC0  }
0x111: {  	[spmem:s2] =	stream.indirect.scatter.add.f32 [tilespmem:s31], [sflag:$0x15], $0x80, s29, s24, $0xb8;
	[tilespmem:$0x1EB00] =	vst v63  }
0x112: {  	_ =	swait.ge [sflag:s15], $0x2000  }
0x113: {  	[sflag:s15] =	ssyncset.done $0x0  }
0x114: {  	[sflag:s15] =	ssyncadd.s32 $0xFFFFE000  }
0x115: {  	[spmem:s6] =	stream.indirect.scatter.add.f32 [tilespmem:s14], [sflag:$0x15], $0x1, s29, s24, $0xb8;
	[tilespmem:$0x1EB00] =	vst v63  }
0x116: {  	_ =	swait.ge [sflag:s15], $0x40  }
0x117: {  	[sflag:s15] =	ssyncset.done $0x0  }
0x118: {  	s0 =	sadd.s32 @!p1 $0x50, s1;
	s29 =	simm.s32 @!p1 $0x100;
	[sflag:s15] =	ssyncadd.s32 $0xFFFFFFC0  }
0x119: {  	[tilespmem:s29], [sflag:$0x7] =	stream.linear.gather @!p1 [hbm4b:s0+s21], $0x40, $0x38;
	[tilespmem:$0x1EB00] =	vst v63  }
0x11a: {  	s16 =	simm.s32 $0xB;
	s26 =	simm.s32 @!p1 $0x500;
	s0 =	sadd.s32 @!p1 $0x50, s23  }
0x11b: {  	[tilespmem:s26], [sflag:$0xF] =	stream.linear.gather @!p1 [hbm4b:s0+s21], $0x40, $0x38;
	[tilespmem:$0x1EB00] =	vst v63  }
0x11c: {  	_ =	swait.ge [sflag:s16], $0x40  }
0x11d: {  	[sflag:s16] =	ssyncset.done $0x0  }
0x11e: {  	s17 =	simm.s32 $0x300;
	[sflag:s16] =	ssyncadd.s32 $0xFFFFFFC0  }
0x11f: {  	[tilespmem:s31], [sflag:$0x3] =	stream.indirect.gather [hbm4b:s8+s24], $0x80, s17, s24, $0xb8;
	[tilespmem:$0x1EB00] =	vst v63  }
0x120: {  	_ =	swait.ge [sflag:s7], $0x2000  }
0x121: {  	[sflag:s7] =	ssyncset.done $0x0  }
0x122: {  	s26 =	simm.s32 $0x10;
	[sflag:s7] =	ssyncadd.s32 $0xFFFFE000  }
0x123: {  	_ =	swait.ge [sflag:s26], $0x40  }
0x124: {  	[sflag:s26] =	ssyncset.done $0x0  }
0x125: {  	s16 =	simm.s32 $0x580;
	[sflag:s26] =	ssyncadd.s32 $0xFFFFFFC0  }
0x126: {  	[spmem:s2] =	stream.indirect.scatter.add.f32 [tilespmem:s4], [sflag:$0x15], $0x80, s16, s24, $0xb8;
	[tilespmem:$0x1EB00] =	vst v63  }
0x127: {  	_ =	swait.ge [sflag:s15], $0x2000  }
0x128: {  	[sflag:s15] =	ssyncset.done $0x0  }
0x129: {  	[sflag:s15] =	ssyncadd.s32 $0xFFFFE000  }
0x12a: {  	[spmem:s6] =	stream.indirect.scatter.add.f32 [tilespmem:s14], [sflag:$0x15], $0x1, s16, s24, $0xb8;
	[tilespmem:$0x1EB00] =	vst v63  }
0x12b: {  	_ =	swait.ge [sflag:s15], $0x40  }
0x12c: {  	[sflag:s15] =	ssyncset.done $0x0  }
0x12d: {  	s0 =	sadd.s32 @!p1 $0x58, s1;
	s26 =	simm.s32 @!p1 $0x180;
	[sflag:s15] =	ssyncadd.s32 $0xFFFFFFC0  }
0x12e: {  	[tilespmem:s26], [sflag:$0x8] =	stream.linear.gather @!p1 [hbm4b:s0+s21], $0x40, $0x38;
	[tilespmem:$0x1EB00] =	vst v63  }
0x12f: {  	s0 =	sadd.s32 @!p1 $0x58, s23;
	s26 =	simm.s32 @!p1 $0x580  }
0x130: {  	[tilespmem:s26], [sflag:$0x10] =	stream.linear.gather @!p1 [hbm4b:s0+s21], $0x40, $0x38;
	[tilespmem:$0x1EB00] =	vst v63  }
0x131: {  	s26 =	simm.s32 $0xC  }
0x132: {  	_ =	swait.ge [sflag:s26], $0x40  }
0x133: {  	[sflag:s26] =	ssyncset.done $0x0  }
0x134: {  	[sflag:s26] =	ssyncadd.s32 $0xFFFFFFC0  }
0x135: {  	[tilespmem:s4], [sflag:$0x4] =	stream.indirect.gather [hbm4b:s8+s24], $0x80, s9, s24, $0xb8;
	[tilespmem:$0x1EB00] =	vst v63  }
0x136: {  	_ =	swait.ge [sflag:s10], $0x2000  }
0x137: {  	[sflag:s10] =	ssyncset.done $0x0  }
0x138: {  	s16 =	simm.s32 $0x11;
	[sflag:s10] =	ssyncadd.s32 $0xFFFFE000  }
0x139: {  	_ =	swait.ge [sflag:s16], $0x40  }
0x13a: {  	[sflag:s16] =	ssyncset.done $0x0  }
0x13b: {  	s26 =	simm.s32 $0x600;
	[sflag:s16] =	ssyncadd.s32 $0xFFFFFFC0  }
0x13c: {  	[spmem:s2] =	stream.indirect.scatter.add.f32 [tilespmem:s3], [sflag:$0x15], $0x80, s26, s24, $0xb8;
	[tilespmem:$0x1EB00] =	vst v63  }
0x13d: {  	_ =	swait.ge [sflag:s15], $0x2000  }
0x13e: {  	[sflag:s15] =	ssyncset.done $0x0  }
0x13f: {  	[sflag:s15] =	ssyncadd.s32 $0xFFFFE000  }
0x140: {  	[spmem:s6] =	stream.indirect.scatter.add.f32 [tilespmem:s14], [sflag:$0x15], $0x1, s26, s24, $0xb8;
	[tilespmem:$0x1EB00] =	vst v63  }
0x141: {  	_ =	swait.ge [sflag:s15], $0x40  }
0x142: {  	[sflag:s15] =	ssyncset.done $0x0  }
0x143: {  	s0 =	sadd.s32 @!p1 $0x60, s1;
	s26 =	simm.s32 @!p1 $0x200;
	[sflag:s15] =	ssyncadd.s32 $0xFFFFFFC0  }
0x144: {  	[tilespmem:s26], [sflag:$0x9] =	stream.linear.gather @!p1 [hbm4b:s0+s21], $0x40, $0x38;
	[tilespmem:$0x1EB00] =	vst v63  }
0x145: {  	s0 =	sadd.s32 @!p1 $0x60, s23;
	s26 =	simm.s32 @!p1 $0x600  }
0x146: {  	[tilespmem:s26], [sflag:$0x11] =	stream.linear.gather @!p1 [hbm4b:s0+s21], $0x40, $0x38;
	[tilespmem:$0x1EB00] =	vst v63  }
0x147: {  	s0 =	simm.s32 @!p1 $0x5  }
0x148: {  	_ =	swait.ge @!p1 [sflag:s0], $0x40  }
0x149: {  	[sflag:s0] =	ssyncset.done @!p1 $0x0  }
0x14a: {  	s26 =	simm.s32 @!p1 $0x800;
	[sflag:s0] =	ssyncadd.s32 @!p1 $0xFFFFFFC0;
	s0 =	simm.s32 @!p1 $0x40  }
0x14b: {  	[tilespmem:s26], [sflag:$0x1] =	stream.indirect.gather @!p1 [hbm4b:s8+s0], $0x80, s21, s0, $0xb8;
	[tilespmem:$0x1EB00] =	vst v63  }
0x14c: {  	_ =	swait.ge [sflag:s30], $0x2000  }
0x14d: {  	[sflag:s30] =	ssyncset.done $0x0  }
0x14e: {  	s26 =	simm.s32 $0x12;
	[sflag:s30] =	ssyncadd.s32 $0xFFFFE000  }
0x14f: {  	_ =	swait.ge [sflag:s26], $0x40  }
0x150: {  	[sflag:s26] =	ssyncset.done $0x0  }
0x151: {  	[sflag:s26] =	ssyncadd.s32 $0xFFFFFFC0;
	s26 =	simm.s32 $0x680  }
0x152: {  	[spmem:s2] =	stream.indirect.scatter.add.f32 [tilespmem:s22], [sflag:$0x15], $0x80, s26, s24, $0xb8;
	[tilespmem:$0x1EB00] =	vst v63  }
0x153: {  	_ =	swait.ge [sflag:s15], $0x2000  }
0x154: {  	[sflag:s15] =	ssyncset.done $0x0  }
0x155: {  	[sflag:s15] =	ssyncadd.s32 $0xFFFFE000  }
0x156: {  	[spmem:s6] =	stream.indirect.scatter.add.f32 [tilespmem:s14], [sflag:$0x15], $0x1, s26, s24, $0xb8;
	[tilespmem:$0x1EB00] =	vst v63  }
0x157: {  	_ =	swait.ge [sflag:s15], $0x40  }
0x158: {  	[sflag:s15] =	ssyncset.done $0x0  }
0x159: {  	s3 =	simm.s32 @!p1 $0x280;
	s26 =	sadd.s32 @!p1 $0x68, s1;
	[sflag:s15] =	ssyncadd.s32 $0xFFFFFFC0  }
0x15a: {  	[tilespmem:s3], [sflag:$0xA] =	stream.linear.gather @!p1 [hbm4b:s26+s21], $0x40, $0x38;
	[tilespmem:$0x1EB00] =	vst v63  }
0x15b: {  	s3 =	sadd.s32 @!p1 $0x68, s23;
	s26 =	simm.s32 @!p1 $0x680  }
0x15c: {  	[tilespmem:s26], [sflag:$0x12] =	stream.linear.gather @!p1 [hbm4b:s3+s21], $0x40, $0x38;
	[tilespmem:$0x1EB00] =	vst v63  }
0x15d: {  	s3 =	simm.s32 @!p1 $0x6  }
0x15e: {  	_ =	swait.ge @!p1 [sflag:s3], $0x40  }
0x15f: {  	[sflag:s3] =	ssyncset.done @!p1 $0x0  }
0x160: {  	[sflag:s3] =	ssyncadd.s32 @!p1 $0xFFFFFFC0;
	s3 =	simm.s32 @!p1 $0x2800  }
0x161: {  	[tilespmem:s3], [sflag:$0x2] =	stream.indirect.gather @!p1 [hbm4b:s8+s0], $0x80, s25, s0, $0xb8;
	[tilespmem:$0x1EB00] =	vst v63  }
0x162: {  	_ =	swait.ge [sflag:s18], $0x2000  }
0x163: {  	[sflag:s18] =	ssyncset.done $0x0  }
0x164: {  	s26 =	simm.s32 $0x13;
	[sflag:s18] =	ssyncadd.s32 $0xFFFFE000  }
0x165: {  	_ =	swait.ge [sflag:s26], $0x40  }
0x166: {  	[sflag:s26] =	ssyncset.done $0x0  }
0x167: {  	s3 =	simm.s32 $0x700;
	[sflag:s26] =	ssyncadd.s32 $0xFFFFFFC0  }
0x168: {  	[spmem:s2] =	stream.indirect.scatter.add.f32 [tilespmem:s31], [sflag:$0x15], $0x80, s3, s24, $0xb8;
	[tilespmem:$0x1EB00] =	vst v63  }
0x169: {  	_ =	swait.ge [sflag:s15], $0x2000  }
0x16a: {  	[sflag:s15] =	ssyncset.done $0x0  }
0x16b: {  	[sflag:s15] =	ssyncadd.s32 $0xFFFFE000  }
0x16c: {  	[spmem:s6] =	stream.indirect.scatter.add.f32 [tilespmem:s14], [sflag:$0x15], $0x1, s3, s24, $0xb8;
	[tilespmem:$0x1EB00] =	vst v63  }
0x16d: {  	_ =	swait.ge [sflag:s15], $0x40  }
0x16e: {  	[sflag:s15] =	ssyncset.done $0x0  }
0x16f: {  	s1 =	sadd.s32 @!p1 $0x70, s1;
	s3 =	simm.s32 @!p1 $0x300;
	[sflag:s15] =	ssyncadd.s32 $0xFFFFFFC0  }
0x170: {  	[tilespmem:s3], [sflag:$0xB] =	stream.linear.gather @!p1 [hbm4b:s1+s21], $0x40, $0x38;
	[tilespmem:$0x1EB00] =	vst v63  }
0x171: {  	s1 =	sadd.s32 @!p1 $0x70, s23;
	s3 =	simm.s32 @!p1 $0x700  }
0x172: {  	[tilespmem:s3], [sflag:$0x13] =	stream.linear.gather @!p1 [hbm4b:s1+s21], $0x40, $0x38;
	[tilespmem:$0x1EB00] =	vst v63  }
0x173: {  	s1 =	simm.s32 @!p1 $0x7  }
0x174: {  	_ =	swait.ge @!p1 [sflag:s1], $0x40  }
0x175: {  	[sflag:s1] =	ssyncset.done @!p1 $0x0  }
0x176: {  	[sflag:s1] =	ssyncadd.s32 @!p1 $0xFFFFFFC0;
	s1 =	simm.s32 @!p1 $0x4800  }
0x177: {  	[tilespmem:s1], [sflag:$0x3] =	stream.indirect.gather @!p1 [hbm4b:s8+s0], $0x80, s29, s0, $0xb8;
	[tilespmem:$0x1EB00] =	vst v63  }
0x178: {  	_ =	swait.ge [sflag:s7], $0x2000  }
0x179: {  	[sflag:s7] =	ssyncset.done $0x0  }
0x17a: {  	s31 =	simm.s32 $0x14;
	[sflag:s7] =	ssyncadd.s32 $0xFFFFE000  }
0x17b: {  	_ =	swait.ge [sflag:s31], $0x40  }
0x17c: {  	[sflag:s31] =	ssyncset.done $0x0  }
0x17d: {  	s11 =	simm.s32 $0x400;
	s20 =	simm.s32 $0x480;
	[sflag:s31] =	ssyncadd.s32 $0xFFFFFFC0  }
0x17e: {  	[spmem:s2] =	stream.indirect.scatter.add.f32 [tilespmem:s4], [sflag:$0x15], $0x80, s12, s24, $0xb8;
	[tilespmem:$0x1EB00] =	vst v63  }
0x17f: {  	s5 =	simm.s32 $0x500;
	s17 =	simm.s32 $0x580;
	_ =	swait.ge [sflag:s15], $0x2000  }
0x180: {  	s9 =	simm.s32 $0x600;
	s10 =	simm.s32 $0x380;
	[sflag:s15] =	ssyncset.done $0x0  }
.Ltmp3:
0x181: {  	s16 =	simm.s32 $0x800;
	[sflag:s15] =	ssyncadd.s32 $0xFFFFE000;
	(pc) =	sbr.rel @p1 .LBB2_3-.Ltmp3, $4  }
0x182: {  	[spmem:s6] =	stream.indirect.scatter.add.f32 [tilespmem:s14], [sflag:$0x15], $0x1, s12, s24, $0xb8;
	[tilespmem:$0x1EB00] =	vst v63  }
0x183: {  	s30 =	simm.s32 $0x2800;
	s22 =	simm.s32 $0x680;
	_ =	swait.ge [sflag:s15], $0x40  }
0x184: {  	s25 =	simm.s32 $0x700;
	s26 =	simm.s32 $0x4800;
	[sflag:s15] =	ssyncset.done $0x0  }
0x185: {  	s4 =	simm.s32 $0x6800;
	s12 =	simm.s32 $0x780;
	[sflag:s15] =	ssyncadd.s32 $0xFFFFFFC0  }
0x186: {  	s0 =	sadd.s32 s19, s13  }
0x187: {  	s1 =	simm.s32 $0x0;
	s26 =	sadd.s32 s19, s28;
	s0 =	sadd.s32 $0x78, s0  }
0x188: {  	[tilespmem:s10], [sflag:$0xC] =	stream.linear.gather [hbm4b:s0+s1], $0x40, $0x38;
	[tilespmem:$0x1EB00] =	vst v63  }
0x189: {  	s30 =	simm.s32 $0x8;
	s0 =	sadd.s32 $0x78, s26  }
0x18a: {  	[tilespmem:s12], [sflag:$0x14] =	stream.linear.gather [hbm4b:s0+s1], $0x40, $0x38;
	[tilespmem:$0x1EB00] =	vst v63  }
.Ltmp4:
0x18b: {  	_ =	swait.ge [sflag:s30], $0x40;
	(pc) =	sbr.rel .LBB2_2-.Ltmp4, $4  }
0x18c: {  	s31 =	simm.s32 $0x180;
	s19 =	sadd.s32 $0x40, s19;
	[sflag:s30] =	ssyncset.done $0x0  }
0x18d: {  	s29 =	smov.u32 s28;
	s28 =	smov.u32 s13;
	[sflag:s30] =	ssyncadd.s32 $0xFFFFFFC0  }
0x18e: {  	[tilespmem:s4], [sflag:$0x4] =	stream.indirect.gather [hbm4b:s8+s24], $0x80, s31, s24, $0xb8;
	[tilespmem:$0x1EB00] =	vst v63  }
0x18f: {  	s9 =	simm.s32 $0x380;
	s12 =	simm.s32 $0x780;
	s4 =	simm.s32 $0x6800  }
.LBB2_6:
0x190: {  	s16 =	simm.s32 $0x1  }
0x191: {  	_ =	swait.ge [sflag:s16], $0x2000  }
0x192: {  	[sflag:s16] =	ssyncset.done $0x0  }
0x193: {  	s0 =	simm.s32 $0xD;
	[sflag:s16] =	ssyncadd.s32 $0xFFFFE000  }
0x194: {  	_ =	swait.ge [sflag:s0], $0x40  }
0x195: {  	[sflag:s0] =	ssyncset.done $0x0  }
0x196: {  	s19 =	simm.s32 $0x400;
	s10 =	simm.s32 $0x800;
	[sflag:s0] =	ssyncadd.s32 $0xFFFFFFC0  }
0x197: {  	[spmem:s2] =	stream.indirect.scatter.add.f32 [tilespmem:s10], [sflag:$0x15], $0x80, s19, s24, $0xb8;
	[tilespmem:$0x1EB00] =	vst v63  }
0x198: {  	_ =	swait.ge [sflag:s15], $0x2000  }
0x199: {  	[sflag:s15] =	ssyncset.done $0x0  }
0x19a: {  	[sflag:s15] =	ssyncadd.s32 $0xFFFFE000  }
0x19b: {  	[spmem:s6] =	stream.indirect.scatter.add.f32 [tilespmem:s14], [sflag:$0x15], $0x1, s19, s24, $0xb8;
	[tilespmem:$0x1EB00] =	vst v63  }
0x19c: {  	_ =	swait.ge [sflag:s15], $0x40  }
0x19d: {  	s0 =	sld [smem:$0x7E5];
	_ =	sdelay $0x1  }
0x19e: {  	p1 =	seq.s32 s21, $0x1C0;
	[sflag:s15] =	ssyncset.done $0x0  }
0x19f: {  	s19 =	simm.s32 @!p1 $0x0;
	[sflag:s15] =	ssyncadd.s32 $0xFFFFFFC0;
	s0 =	sadd.s32 @!p1 s21, s0  }
0x1a0: {  	[tilespmem:s19], [sflag:$0x5] =	stream.linear.gather @!p1 [hbm4b:s0+s19], $0x40, $0x38;
	[tilespmem:$0x1EB00] =	vst v63  }
0x1a1: {  	s0 =	sld [smem:$0x7E4];
	_ =	sdelay $0x2  }
0x1a2: {  	s20 =	simm.s32 $0x9;
	s1 =	simm.s32 @!p1 $0x400;
	s0 =	sadd.s32 @!p1 s21, s0  }
0x1a3: {  	[tilespmem:s1], [sflag:$0xD] =	stream.linear.gather @!p1 [hbm4b:s0+s19], $0x40, $0x38;
	[tilespmem:$0x1EB00] =	vst v63  }
0x1a4: {  	_ =	swait.ge [sflag:s20], $0x40  }
0x1a5: {  	[sflag:s20] =	ssyncset.done $0x0  }
0x1a6: {  	s22 =	simm.s32 $0x200;
	[sflag:s20] =	ssyncadd.s32 $0xFFFFFFC0  }
0x1a7: {  	[tilespmem:s10], [sflag:$0x1] =	stream.indirect.gather [hbm4b:s8+s24], $0x80, s22, s24, $0xb8;
	[tilespmem:$0x1EB00] =	vst v63  }
0x1a8: {  	s22 =	simm.s32 $0x2  }
0x1a9: {  	_ =	swait.ge [sflag:s22], $0x2000  }
0x1aa: {  	[sflag:s22] =	ssyncset.done $0x0  }
0x1ab: {  	s23 =	simm.s32 $0xE;
	[sflag:s22] =	ssyncadd.s32 $0xFFFFE000  }
0x1ac: {  	_ =	swait.ge [sflag:s23], $0x40  }
0x1ad: {  	[sflag:s23] =	ssyncset.done $0x0  }
0x1ae: {  	s25 =	simm.s32 $0x480;
	s13 =	simm.s32 $0x2800;
	[sflag:s23] =	ssyncadd.s32 $0xFFFFFFC0  }
0x1af: {  	[spmem:s2] =	stream.indirect.scatter.add.f32 [tilespmem:s13], [sflag:$0x15], $0x80, s25, s24, $0xb8;
	[tilespmem:$0x1EB00] =	vst v63  }
0x1b0: {  	_ =	swait.ge [sflag:s15], $0x2000  }
0x1b1: {  	[sflag:s15] =	ssyncset.done $0x0  }
0x1b2: {  	[sflag:s15] =	ssyncadd.s32 $0xFFFFE000  }
0x1b3: {  	[spmem:s6] =	stream.indirect.scatter.add.f32 [tilespmem:s14], [sflag:$0x15], $0x1, s25, s24, $0xb8;
	[tilespmem:$0x1EB00] =	vst v63  }
0x1b4: {  	_ =	swait.ge [sflag:s15], $0x40  }
0x1b5: {  	s0 =	sld [smem:$0x7E3];
	_ =	sdelay $0x1  }
0x1b6: {  	[sflag:s15] =	ssyncset.done $0x0  }
0x1b7: {  	s23 =	simm.s32 @!p1 $0x80;
	[sflag:s15] =	ssyncadd.s32 $0xFFFFFFC0;
	s0 =	sadd.s32 @!p1 s21, s0  }
0x1b8: {  	[tilespmem:s23], [sflag:$0x6] =	stream.linear.gather @!p1 [hbm4b:s0+s19], $0x40, $0x38;
	[tilespmem:$0x1EB00] =	vst v63  }
0x1b9: {  	s0 =	sld [smem:$0x7E2];
	_ =	sdelay $0x2  }
0x1ba: {  	s26 =	simm.s32 $0xA;
	s1 =	simm.s32 @!p1 $0x480;
	s0 =	sadd.s32 @!p1 s21, s0  }
0x1bb: {  	[tilespmem:s1], [sflag:$0xE] =	stream.linear.gather @!p1 [hbm4b:s0+s19], $0x40, $0x38;
	[tilespmem:$0x1EB00] =	vst v63  }
0x1bc: {  	_ =	swait.ge [sflag:s26], $0x40  }
0x1bd: {  	[sflag:s26] =	ssyncset.done $0x0  }
0x1be: {  	s31 =	simm.s32 $0x280;
	[sflag:s26] =	ssyncadd.s32 $0xFFFFFFC0  }
0x1bf: {  	[tilespmem:s13], [sflag:$0x2] =	stream.indirect.gather [hbm4b:s8+s24], $0x80, s31, s24, $0xb8;
	[tilespmem:$0x1EB00] =	vst v63  }
0x1c0: {  	_ =	swait.ge [sflag:s18], $0x2000  }
0x1c1: {  	[sflag:s18] =	ssyncset.done $0x0  }
0x1c2: {  	s1 =	simm.s32 $0xF;
	[sflag:s18] =	ssyncadd.s32 $0xFFFFE000  }
0x1c3: {  	_ =	swait.ge [sflag:s1], $0x40  }
0x1c4: {  	[sflag:s1] =	ssyncset.done $0x0  }
0x1c5: {  	s3 =	simm.s32 $0x500;
	s31 =	simm.s32 $0x4800;
	[sflag:s1] =	ssyncadd.s32 $0xFFFFFFC0  }
0x1c6: {  	[spmem:s2] =	stream.indirect.scatter.add.f32 [tilespmem:s31], [sflag:$0x15], $0x80, s3, s24, $0xb8;
	[tilespmem:$0x1EB00] =	vst v63  }
0x1c7: {  	_ =	swait.ge [sflag:s15], $0x2000  }
0x1c8: {  	[sflag:s15] =	ssyncset.done $0x0  }
0x1c9: {  	[sflag:s15] =	ssyncadd.s32 $0xFFFFE000  }
0x1ca: {  	[spmem:s6] =	stream.indirect.scatter.add.f32 [tilespmem:s14], [sflag:$0x15], $0x1, s3, s24, $0xb8;
	[tilespmem:$0x1EB00] =	vst v63  }
0x1cb: {  	_ =	swait.ge [sflag:s15], $0x40  }
0x1cc: {  	s0 =	sld [smem:$0x7E1];
	_ =	sdelay $0x1  }
0x1cd: {  	[sflag:s15] =	ssyncset.done $0x0  }
0x1ce: {  	s1 =	simm.s32 @!p1 $0x100;
	[sflag:s15] =	ssyncadd.s32 $0xFFFFFFC0;
	s0 =	sadd.s32 @!p1 s21, s0  }
0x1cf: {  	[tilespmem:s1], [sflag:$0x7] =	stream.linear.gather @!p1 [hbm4b:s0+s19], $0x40, $0x38;
	[tilespmem:$0x1EB00] =	vst v63  }
0x1d0: {  	s0 =	rddreg [dreg:$0x1f]  }
0x1d1: {  	s17 =	simm.s32 $0xB;
	s3 =	simm.s32 @!p1 $0x500;
	s0 =	sadd.s32 @!p1 s21, s0  }
0x1d2: {  	[tilespmem:s3], [sflag:$0xF] =	stream.linear.gather @!p1 [hbm4b:s0+s19], $0x40, $0x38;
	[tilespmem:$0x1EB00] =	vst v63  }
0x1d3: {  	_ =	swait.ge [sflag:s17], $0x40  }
0x1d4: {  	[sflag:s17] =	ssyncset.done $0x0  }
0x1d5: {  	s25 =	simm.s32 $0x300;
	[sflag:s17] =	ssyncadd.s32 $0xFFFFFFC0  }
0x1d6: {  	[tilespmem:s31], [sflag:$0x3] =	stream.indirect.gather [hbm4b:s8+s24], $0x80, s25, s24, $0xb8;
	[tilespmem:$0x1EB00] =	vst v63  }
0x1d7: {  	_ =	swait.ge [sflag:s7], $0x2000  }
0x1d8: {  	[sflag:s7] =	ssyncset.done $0x0  }
0x1d9: {  	s26 =	simm.s32 $0x10;
	[sflag:s7] =	ssyncadd.s32 $0xFFFFE000  }
0x1da: {  	_ =	swait.ge [sflag:s26], $0x40  }
0x1db: {  	[sflag:s26] =	ssyncset.done $0x0  }
0x1dc: {  	s3 =	simm.s32 $0x580;
	[sflag:s26] =	ssyncadd.s32 $0xFFFFFFC0  }
0x1dd: {  	[spmem:s2] =	stream.indirect.scatter.add.f32 [tilespmem:s4], [sflag:$0x15], $0x80, s3, s24, $0xb8;
	[tilespmem:$0x1EB00] =	vst v63  }
0x1de: {  	_ =	swait.ge [sflag:s15], $0x2000  }
0x1df: {  	[sflag:s15] =	ssyncset.done $0x0  }
0x1e0: {  	[sflag:s15] =	ssyncadd.s32 $0xFFFFE000  }
0x1e1: {  	[spmem:s6] =	stream.indirect.scatter.add.f32 [tilespmem:s14], [sflag:$0x15], $0x1, s3, s24, $0xb8;
	[tilespmem:$0x1EB00] =	vst v63  }
0x1e2: {  	_ =	swait.ge [sflag:s15], $0x40  }
0x1e3: {  	[sflag:s15] =	ssyncset.done $0x0;
	s0 =	rddreg [dreg:$0x1e]  }
0x1e4: {  	s3 =	simm.s32 @!p1 $0x180;
	[sflag:s15] =	ssyncadd.s32 $0xFFFFFFC0;
	s0 =	sadd.s32 @!p1 s21, s0  }
0x1e5: {  	[tilespmem:s3], [sflag:$0x8] =	stream.linear.gather @!p1 [hbm4b:s0+s19], $0x40, $0x38;
	[tilespmem:$0x1EB00] =	vst v63  }
0x1e6: {  	s0 =	rddreg [dreg:$0x1d]  }
0x1e7: {  	s25 =	simm.s32 $0xC;
	s3 =	simm.s32 @!p1 $0x580;
	s0 =	sadd.s32 @!p1 s21, s0  }
0x1e8: {  	[tilespmem:s3], [sflag:$0x10] =	stream.linear.gather @!p1 [hbm4b:s0+s19], $0x40, $0x38;
	[tilespmem:$0x1EB00] =	vst v63  }
0x1e9: {  	_ =	swait.ge [sflag:s25], $0x40  }
0x1ea: {  	[sflag:s25] =	ssyncset.done $0x0  }
0x1eb: {  	[sflag:s25] =	ssyncadd.s32 $0xFFFFFFC0  }
0x1ec: {  	[tilespmem:s4], [sflag:$0x4] =	stream.indirect.gather [hbm4b:s8+s24], $0x80, s9, s24, $0xb8;
	[tilespmem:$0x1EB00] =	vst v63  }
0x1ed: {  	_ =	swait.ge [sflag:s16], $0x2000  }
0x1ee: {  	[sflag:s16] =	ssyncset.done $0x0  }
0x1ef: {  	s26 =	simm.s32 $0x11;
	[sflag:s16] =	ssyncadd.s32 $0xFFFFE000  }
0x1f0: {  	_ =	swait.ge [sflag:s26], $0x40  }
0x1f1: {  	[sflag:s26] =	ssyncset.done $0x0  }
0x1f2: {  	s3 =	simm.s32 $0x600;
	[sflag:s26] =	ssyncadd.s32 $0xFFFFFFC0  }
0x1f3: {  	[spmem:s2] =	stream.indirect.scatter.add.f32 [tilespmem:s10], [sflag:$0x15], $0x80, s3, s24, $0xb8;
	[tilespmem:$0x1EB00] =	vst v63  }
0x1f4: {  	_ =	swait.ge [sflag:s15], $0x2000  }
0x1f5: {  	[sflag:s15] =	ssyncset.done $0x0  }
0x1f6: {  	[sflag:s15] =	ssyncadd.s32 $0xFFFFE000  }
0x1f7: {  	[spmem:s6] =	stream.indirect.scatter.add.f32 [tilespmem:s14], [sflag:$0x15], $0x1, s3, s24, $0xb8;
	[tilespmem:$0x1EB00] =	vst v63  }
0x1f8: {  	_ =	swait.ge [sflag:s15], $0x40  }
0x1f9: {  	[sflag:s15] =	ssyncset.done $0x0;
	s0 =	rddreg [dreg:$0x1c]  }
0x1fa: {  	s3 =	simm.s32 @!p1 $0x200;
	[sflag:s15] =	ssyncadd.s32 $0xFFFFFFC0;
	s0 =	sadd.s32 @!p1 s21, s0  }
0x1fb: {  	[tilespmem:s3], [sflag:$0x9] =	stream.linear.gather @!p1 [hbm4b:s0+s19], $0x40, $0x38;
	[tilespmem:$0x1EB00] =	vst v63  }
0x1fc: {  	s0 =	rddreg [dreg:$0x1b]  }
0x1fd: {  	s3 =	simm.s32 @!p1 $0x600;
	s0 =	sadd.s32 @!p1 s21, s0  }
0x1fe: {  	[tilespmem:s3], [sflag:$0x11] =	stream.linear.gather @!p1 [hbm4b:s0+s19], $0x40, $0x38;
	[tilespmem:$0x1EB00] =	vst v63  }
0x1ff: {  	s0 =	simm.s32 @!p1 $0x5  }
0x200: {  	_ =	swait.ge @!p1 [sflag:s0], $0x40  }
0x201: {  	[sflag:s0] =	ssyncset.done @!p1 $0x0  }
0x202: {  	s3 =	simm.s32 @!p1 $0x800;
	[sflag:s0] =	ssyncadd.s32 @!p1 $0xFFFFFFC0;
	s0 =	simm.s32 @!p1 $0x40  }
0x203: {  	[tilespmem:s3], [sflag:$0x1] =	stream.indirect.gather @!p1 [hbm4b:s8+s0], $0x80, s19, s0, $0xb8;
	[tilespmem:$0x1EB00] =	vst v63  }
0x204: {  	_ =	swait.ge [sflag:s22], $0x2000  }
0x205: {  	[sflag:s22] =	ssyncset.done $0x0  }
0x206: {  	s25 =	simm.s32 $0x12;
	[sflag:s22] =	ssyncadd.s32 $0xFFFFE000  }
0x207: {  	_ =	swait.ge [sflag:s25], $0x40  }
0x208: {  	[sflag:s25] =	ssyncset.done $0x0  }
0x209: {  	s26 =	simm.s32 $0x680;
	[sflag:s25] =	ssyncadd.s32 $0xFFFFFFC0  }
0x20a: {  	[spmem:s2] =	stream.indirect.scatter.add.f32 [tilespmem:s13], [sflag:$0x15], $0x80, s26, s24, $0xb8;
	[tilespmem:$0x1EB00] =	vst v63  }
0x20b: {  	_ =	swait.ge [sflag:s15], $0x2000  }
0x20c: {  	[sflag:s15] =	ssyncset.done $0x0  }
0x20d: {  	[sflag:s15] =	ssyncadd.s32 $0xFFFFE000  }
0x20e: {  	[spmem:s6] =	stream.indirect.scatter.add.f32 [tilespmem:s14], [sflag:$0x15], $0x1, s26, s24, $0xb8;
	[tilespmem:$0x1EB00] =	vst v63  }
0x20f: {  	_ =	swait.ge [sflag:s15], $0x40  }
0x210: {  	[sflag:s15] =	ssyncset.done $0x0;
	s3 =	rddreg [dreg:$0x1a]  }
0x211: {  	s25 =	simm.s32 @!p1 $0x280;
	[sflag:s15] =	ssyncadd.s32 $0xFFFFFFC0;
	s3 =	sadd.s32 @!p1 s21, s3  }
0x212: {  	[tilespmem:s25], [sflag:$0xA] =	stream.linear.gather @!p1 [hbm4b:s3+s19], $0x40, $0x38;
	[tilespmem:$0x1EB00] =	vst v63  }
0x213: {  	s3 =	rddreg [dreg:$0x19]  }
0x214: {  	s25 =	simm.s32 @!p1 $0x680;
	s3 =	sadd.s32 @!p1 s21, s3  }
0x215: {  	[tilespmem:s25], [sflag:$0x12] =	stream.linear.gather @!p1 [hbm4b:s3+s19], $0x40, $0x38;
	[tilespmem:$0x1EB00] =	vst v63  }
0x216: {  	s3 =	simm.s32 @!p1 $0x6  }
0x217: {  	_ =	swait.ge @!p1 [sflag:s3], $0x40  }
0x218: {  	[sflag:s3] =	ssyncset.done @!p1 $0x0  }
0x219: {  	[sflag:s3] =	ssyncadd.s32 @!p1 $0xFFFFFFC0;
	s3 =	simm.s32 @!p1 $0x2800  }
0x21a: {  	[tilespmem:s3], [sflag:$0x2] =	stream.indirect.gather @!p1 [hbm4b:s8+s0], $0x80, s23, s0, $0xb8;
	[tilespmem:$0x1EB00] =	vst v63  }
0x21b: {  	_ =	swait.ge [sflag:s18], $0x2000  }
0x21c: {  	[sflag:s18] =	ssyncset.done $0x0  }
0x21d: {  	s13 =	simm.s32 $0x13;
	[sflag:s18] =	ssyncadd.s32 $0xFFFFE000  }
0x21e: {  	_ =	swait.ge [sflag:s13], $0x40  }
0x21f: {  	[sflag:s13] =	ssyncset.done $0x0  }
0x220: {  	s23 =	simm.s32 $0x700;
	[sflag:s13] =	ssyncadd.s32 $0xFFFFFFC0  }
0x221: {  	[spmem:s2] =	stream.indirect.scatter.add.f32 [tilespmem:s31], [sflag:$0x15], $0x80, s23, s24, $0xb8;
	[tilespmem:$0x1EB00] =	vst v63  }
0x222: {  	_ =	swait.ge [sflag:s15], $0x2000  }
0x223: {  	[sflag:s15] =	ssyncset.done $0x0  }
0x224: {  	[sflag:s15] =	ssyncadd.s32 $0xFFFFE000  }
0x225: {  	[spmem:s6] =	stream.indirect.scatter.add.f32 [tilespmem:s14], [sflag:$0x15], $0x1, s23, s24, $0xb8;
	[tilespmem:$0x1EB00] =	vst v63  }
0x226: {  	_ =	swait.ge [sflag:s15], $0x40  }
0x227: {  	[sflag:s15] =	ssyncset.done $0x0;
	s3 =	rddreg [dreg:$0x18]  }
0x228: {  	s23 =	simm.s32 @!p1 $0x300;
	[sflag:s15] =	ssyncadd.s32 $0xFFFFFFC0;
	s3 =	sadd.s32 @!p1 s21, s3  }
0x229: {  	[tilespmem:s23], [sflag:$0xB] =	stream.linear.gather @!p1 [hbm4b:s3+s19], $0x40, $0x38;
	[tilespmem:$0x1EB00] =	vst v63  }
0x22a: {  	s3 =	rddreg [dreg:$0x17]  }
0x22b: {  	s23 =	simm.s32 @!p1 $0x700;
	s3 =	sadd.s32 @!p1 s21, s3  }
0x22c: {  	[tilespmem:s23], [sflag:$0x13] =	stream.linear.gather @!p1 [hbm4b:s3+s19], $0x40, $0x38;
	[tilespmem:$0x1EB00] =	vst v63  }
0x22d: {  	s3 =	simm.s32 @!p1 $0x7  }
0x22e: {  	_ =	swait.ge @!p1 [sflag:s3], $0x40  }
0x22f: {  	[sflag:s3] =	ssyncset.done @!p1 $0x0  }
0x230: {  	[sflag:s3] =	ssyncadd.s32 @!p1 $0xFFFFFFC0;
	s3 =	simm.s32 @!p1 $0x4800  }
0x231: {  	[tilespmem:s3], [sflag:$0x3] =	stream.indirect.gather @!p1 [hbm4b:s8+s0], $0x80, s1, s0, $0xb8;
	[tilespmem:$0x1EB00] =	vst v63  }
0x232: {  	_ =	swait.ge [sflag:s7], $0x2000  }
0x233: {  	[sflag:s7] =	ssyncset.done $0x0  }
0x234: {  	s31 =	simm.s32 $0x14;
	[sflag:s7] =	ssyncadd.s32 $0xFFFFE000  }
0x235: {  	_ =	swait.ge [sflag:s31], $0x40  }
0x236: {  	[sflag:s31] =	ssyncset.done $0x0  }
0x237: {  	s11 =	simm.s32 $0x400;
	s5 =	simm.s32 $0x500;
	[sflag:s31] =	ssyncadd.s32 $0xFFFFFFC0  }
0x238: {  	[spmem:s2] =	stream.indirect.scatter.add.f32 [tilespmem:s4], [sflag:$0x15], $0x80, s12, s24, $0xb8;
	[tilespmem:$0x1EB00] =	vst v63  }
0x239: {  	s30 =	simm.s32 $0x2800;
	s20 =	simm.s32 $0x480;
	_ =	swait.ge [sflag:s15], $0x2000  }
0x23a: {  	s17 =	simm.s32 $0x580;
	s9 =	simm.s32 $0x600;
	[sflag:s15] =	ssyncset.done $0x0  }
.Ltmp5:
0x23b: {  	s16 =	simm.s32 $0x800;
	[sflag:s15] =	ssyncadd.s32 $0xFFFFE000;
	(pc) =	sbr.rel @p1 .LBB2_7-.Ltmp5, $4  }
0x23c: {  	[spmem:s6] =	stream.indirect.scatter.add.f32 [tilespmem:s14], [sflag:$0x15], $0x1, s12, s24, $0xb8;
	[tilespmem:$0x1EB00] =	vst v63  }
0x23d: {  	s10 =	simm.s32 $0x380;
	s22 =	simm.s32 $0x680;
	_ =	swait.ge [sflag:s15], $0x40  }
0x23e: {  	s26 =	simm.s32 $0x4800;
	s25 =	simm.s32 $0x700;
	[sflag:s15] =	ssyncset.done $0x0  }
0x23f: {  	s4 =	simm.s32 $0x6800;
	s12 =	simm.s32 $0x780;
	[sflag:s15] =	ssyncadd.s32 $0xFFFFFFC0  }
0x240: {  	s0 =	rddreg [dreg:$0x16]  }
0x241: {  	s1 =	simm.s32 $0x0;
	s26 =	rddreg [dreg:$0x15];
	s0 =	sadd.s32 s21, s0  }
0x242: {  	[tilespmem:s10], [sflag:$0xC] =	stream.linear.gather [hbm4b:s0+s1], $0x40, $0x38;
	[tilespmem:$0x1EB00] =	vst v63  }
0x243: {  	s30 =	simm.s32 $0x8;
	s0 =	sadd.s32 s21, s26  }
0x244: {  	[tilespmem:s12], [sflag:$0x14] =	stream.linear.gather [hbm4b:s0+s1], $0x40, $0x38;
	[tilespmem:$0x1EB00] =	vst v63  }
.Ltmp6:
0x245: {  	_ =	swait.ge [sflag:s30], $0x40;
	(pc) =	sbr.rel .LBB2_6-.Ltmp6, $4  }
0x246: {  	[sflag:s30] =	ssyncset.done $0x0  }
0x247: {  	s31 =	simm.s32 $0x180;
	s9 =	simm.s32 $0x380;
	[sflag:s30] =	ssyncadd.s32 $0xFFFFFFC0  }
0x248: {  	[tilespmem:s4], [sflag:$0x4] =	stream.indirect.gather [hbm4b:s8+s24], $0x80, s31, s24, $0xb8;
	[tilespmem:$0x1EB00] =	vst v63  }
0x249: {  	s21 =	sadd.s32 $0x40, s21;
	s12 =	simm.s32 $0x780;
	s4 =	simm.s32 $0x6800  }
.LBB2_3:
.Ltmp7:
0x24a: {  	(pc) =	sbr.rel .LBB2_8-.Ltmp7, $4  }
0x24b: {  	_ = 	snop  }
0x24c: {  	s19 =	sld [smem:$0x7E8]  }
0x24d: {  	s1 =	sld [smem:$0x7EA]  }
0x24e: {  	s29 =	smov.u32 s28;
	s28 =	smov.u32 s13;
	s10 =	sld [smem:$0x7E0]  }
.LBB2_9:
0x24f: {  	_ =	sfence.sel $0x180000  }
0x250: {  	[bflag:$0x0] =	sbarrier.arrive $0xFFFF  }
0x251: {  	_ =	strace $0x90000047  }
0x252: {  	s0 =	stileid.u32;
	[bflag:$0x2] =	sbarrier.arrive $0xFFFF  }
0x253: {  	p0 =	sne.s32 s0, $0x0;
	s0 =	rddreg [dreg:$0x4]  }
0x254: {  	s0 =	sadd.s32 @!p0 $0x100000, s0  }
0x255: {  	[sflag:s0] =	ssyncadd.tile.s32 @!p0 $0x1;
	_ =	shalt  }
.Lfunc_end2:
_tile_overlayer_lowered:
.L_overlay_start_2:
0x256: {  	(tag) =	ssettag $0x2  }
0x257: {  	s0 =	rddreg [dreg:$0x0];
	s2 =	stileid.u32  }
0x258: {  	s1 =	rddreg [dreg:$0x1];
	p0 =	sne.s32 s2, $0x0  }
0x259: {  	s3 =	rddreg [dreg:$0x2];
	[bflag:$0x3] =	sbarrier.arrive $0xFFFF;
	s2 =	simm.s32 @!p0 $0x1C15  }
0x25a: {  	[timem:s3], [sflag:s2] =	dma.local @!p0 [hbm:s0], s1  }
0x25b: {  	s0 =	simm.s32 @!p0 $0x15  }
0x25c: {  	_ =	swait.ge @!p0 [sflag:s0], s1  }
0x25d: {  	s1 =	ssub.s32 @!p0 $0x0, s1;
	[sflag:s0] =	ssyncset.done @!p0 $0x0  }
0x25e: {  	[sflag:s0] =	ssyncadd.s32 @!p0 s1  }
0x25f: {  	[bflag:$0x3] =	sbarrier.arrive $0xFFFF  }
0x260: {  	_ =	shalt  }

</sc_bundles>
